<compile_context>
chip_gen: v7x
topology: tpu7x:2x2x1
jax: 0.10.2.dev20260603
libtpu: 0.0.44.dev20260713+nightly
codegen_flags: <defaults>
</compile_context>

<pallas_src>
import jax
import jax.numpy as jnp
from jax import lax
from jax.experimental import pallas as pl
from jax.experimental.pallas import tpu as pltpu
from jax.experimental.pallas import tpu_sc as plsc

D = 128
NC = 2
NS = 16
NW = NC * NS
K = 120
SLOTS = 3
CH = 6
RB = 1000



def _mm_relu1_body(x_ref, w0_ref, b0_ref, w1_ref, b1_ref, o0_ref, o1_ref):
    y = jnp.maximum(x_ref[...], 0.0)
    o0_ref[...] = jnp.dot(y, w0_ref[...], preferred_element_type=jnp.float32) + b0_ref[...]
    o1_ref[...] = jnp.dot(y, w1_ref[...], preferred_element_type=jnp.float32) + b1_ref[...]


def _mm_relu2_body(p0_ref, p1_ref, w0_ref, b0_ref, w1_ref, b1_ref, o0_ref, o1_ref):
    y = jnp.maximum(p0_ref[...] + p1_ref[...], 0.0)
    o0_ref[...] = jnp.dot(y, w0_ref[...], preferred_element_type=jnp.float32) + b0_ref[...]
    o1_ref[...] = jnp.dot(y, w1_ref[...], preferred_element_type=jnp.float32) + b1_ref[...]


def _add_body(p0_ref, p1_ref, o_ref):
    o_ref[...] = p0_ref[...] + p1_ref[...]


def _make_mm(body, n_data_in, n):
    grid = (n // RB,)
    data_spec = pl.BlockSpec((RB, D), lambda i: (i, 0))
    w_spec = pl.BlockSpec((D, D), lambda i: (0, 0))
    b_spec = pl.BlockSpec((1, D), lambda i: (0, 0))
    in_specs = [data_spec] * n_data_in + [w_spec, b_spec, w_spec, b_spec]
    return pl.pallas_call(
        body,
        grid=grid,
        in_specs=in_specs,
        out_specs=[data_spec, data_spec],
        out_shape=[jax.ShapeDtypeStruct((n, D), jnp.float32)] * 2,
    )


def _make_add(n):
    spec = pl.BlockSpec((RB, D), lambda i: (i, 0))
    return pl.pallas_call(
        _add_body,
        grid=(n // RB,),
        in_specs=[spec, spec],
        out_specs=spec,
        out_shape=jax.ShapeDtypeStruct((n, D), jnp.float32),
    )



def _make_scatter(n, ngroups, npad):
    base = (n // NS) // 8 * 8
    tail = n - base * NS
    mesh = plsc.VectorSubcoreMesh(
        core_axis_name="c", subcore_axis_name="s",
        num_cores=NC, num_subcores=NS)

    def body(idx_hbm, table_hbm, init0_hbm, init1_hbm, out_hbm,
             acc, idx_v, rows0, rows1, rows2,
             sem0, sem1, sem2, semi0, semi1):
        c = lax.axis_index("c")
        s = lax.axis_index("s")
        wid = c * NS + s
        off = pl.multiple_of(s * base, 8)
        stripe = pl.ds(off, base)
        tail_stripe = pl.ds(n - tail, tail)
        rows = (rows0, rows1, rows2)
        sems = (sem0, sem1, sem2)
        semis = (semi0, semi1)

        def stripe_copy(src, dst):
            pltpu.sync_copy(src.at[stripe], dst.at[stripe])
            if tail:
                @pl.when(s == NS - 1)
                def _():
                    pltpu.sync_copy(src.at[tail_stripe], dst.at[tail_stripe])

        @pl.when(c == 0)
        def _():
            stripe_copy(init0_hbm, acc)

        @pl.when(c != 0)
        def _():
            stripe_copy(init1_hbm, acc)

        def gather(slot, cc, b):
            return pltpu.async_copy(
                table_hbm.at[idx_v.at[slot, cc, 0]], rows[b], sems[b])

        pltpu.sync_copy(idx_hbm.at[wid, 0], idx_v.at[0])
        for b in range(SLOTS):
            gather(0, b, b)
        plsc.subcore_barrier()

        def pair(p, carry):
            for a in (0, 1):
                h = 2 * p + a

                @pl.when(h + 1 < ngroups)
                def _():
                    pltpu.async_copy(idx_hbm.at[wid, h + 1], idx_v.at[1 - a],
                                     semis[1 - a])

                for cc in range(CH):
                    b = cc % SLOTS
                    pltpu.make_async_copy(
                        table_hbm.at[idx_v.at[a, cc, 0]], rows[b], sems[b]
                    ).wait()
                    pltpu.sync_copy(rows[b], acc.at[idx_v.at[a, cc, 1]],
                                    add=True)
                    nxt = cc + SLOTS
                    if nxt < CH:
                        gather(a, nxt, b)
                    else:
                        @pl.when(h + 1 < ngroups)
                        def _():
                            if cc == CH - SLOTS:
                                pltpu.make_async_copy(
                                    idx_hbm.at[wid, h + 1], idx_v.at[1 - a],
                                    semis[1 - a]).wait()
                            gather(1 - a, nxt - CH, b)
            return carry

        lax.fori_loop(0, ngroups // 2, pair, 0)
        plsc.subcore_barrier()
        stripe_copy(acc, out_hbm.at[c])

    return pl.kernel(
        body,
        out_type=jax.ShapeDtypeStruct((NC, n, D), jnp.float32),
        mesh=mesh,
        scratch_types=(
            [pltpu.VMEM_SHARED((npad, D), jnp.float32),
             pltpu.VMEM((2, CH, 2, K), jnp.int32)]
            + [pltpu.VMEM((K, D), jnp.float32)] * SLOTS
            + [pltpu.SemaphoreType.DMA] * (SLOTS + 2)
        ),
    )



def kernel(x, edge, w0_1, b0_1, w1_1, b1_1, w0_2, b0_2, w1_2, b1_2):
    n = x.shape[0]
    e = edge.shape[0]

    src = edge[:, 0]
    dst = edge[:, 1]
    gidx = jnp.concatenate([dst, src])
    sidx = jnp.concatenate([src, dst])
    per_w = -(-(2 * e) // NW)
    nchunk = -(-per_w // K)
    nchunk = -(-nchunk // (2 * CH)) * (2 * CH)
    ngroups = nchunk // CH
    pad = NW * nchunk * K - 2 * e
    gidx = jnp.concatenate([gidx, jnp.zeros((pad,), jnp.int32)])
    sidx = jnp.concatenate(
        [sidx, n + (jnp.arange(pad, dtype=jnp.int32) % 8)])
    idx = jnp.stack([gidx.reshape(NW, ngroups, CH, K),
                     sidx.reshape(NW, ngroups, CH, K)], axis=3)

    mm1 = _make_mm(_mm_relu1_body, 1, n)
    mm2 = _make_mm(_mm_relu2_body, 2, n)
    scat = _make_scatter(n, ngroups, n + 8)
    addk = _make_add(n)

    zeros = jnp.zeros((n, D), jnp.float32)
    b0_1r = b0_1.reshape(1, D)
    b1_1r = b1_1.reshape(1, D)
    b0_2r = b0_2.reshape(1, D)
    b1_2r = b1_2.reshape(1, D)

    a1, t1 = mm1(x, w0_1.T, b0_1r, w1_1.T, b1_1r)
    p1 = scat(idx, t1, a1, zeros)
    a2, t2 = mm2(p1[0], p1[1], w0_2.T, b0_2r, w1_2.T, b1_2r)
    p2 = scat(idx, t2, a2, x)
    return addk(p2[0], p2[1])

# --- scband reference (transcript-rebuilt; emitter-appended) ---
"""Pipeline reference for scband-res-graph-conv-24163486007803 (READ-ONLY COPY).

The authoritative reference and input builder live on the scoring server;
editing this copy changes nothing except your own understanding.
"""

import jax, jax.numpy as jnp
import numpy as np

N = 10000
E = 320000
D_IN = 128
D_OUT = 128


def _graph_conv(x, edge, w0, b0, w1, b1):
    # PyTorch3D-style GraphConv (undirected):
    # out = W0 x + sum_{(i,j) in edges} W1 x_j accumulated at node i (and x_i at node j)
    verts_w0 = x @ w0.T + b0
    verts_w1 = x @ w1.T + b1
    src = edge[:, 0]
    dst = edge[:, 1]
    nbr = jnp.zeros_like(verts_w0)
    nbr = nbr.at[src].add(verts_w1[dst])
    # undirected: also scatter the reverse direction
    nbr = nbr.at[dst].add(verts_w1[src])
    return verts_w0 + nbr


def setup_inputs(seed: int = 0):
    key = jax.random.key(seed)
    ks = jax.random.split(key, 10)
    x = jax.random.normal(ks[0], (N, D_IN), dtype=jnp.float32)
    edge = jax.random.randint(ks[1], (E, 2), 0, N, dtype=jnp.int32)
    # init='normal' in pytorch3d GraphConv: weight ~ N(0, 0.01), bias = 0
    w0_1 = 0.01 * jax.random.normal(ks[2], (D_OUT, D_IN), dtype=jnp.float32)
    b0_1 = jnp.zeros((D_OUT,), dtype=jnp.float32)
    w1_1 = 0.01 * jax.random.normal(ks[3], (D_OUT, D_IN), dtype=jnp.float32)
    b1_1 = jnp.zeros((D_OUT,), dtype=jnp.float32)
    w0_2 = 0.01 * jax.random.normal(ks[4], (D_OUT, D_OUT), dtype=jnp.float32)
    b0_2 = jnp.zeros((D_OUT,), dtype=jnp.float32)
    w1_2 = 0.01 * jax.random.normal(ks[5], (D_OUT, D_OUT), dtype=jnp.float32)
    b1_2 = jnp.zeros((D_OUT,), dtype=jnp.float32)
    return {"x": x, "edge": edge,
            "w0_1": w0_1, "b0_1": b0_1, "w1_1": w1_1, "b1_1": b1_1,
            "w0_2": w0_2, "b0_2": b0_2, "w1_2": w1_2, "b1_2": b1_2}


def reference(x, edge, w0_1, b0_1, w1_1, b1_1, w0_2, b0_2, w1_2, b1_2):
    h1 = _graph_conv(jax.nn.relu(x), edge, w0_1, b0_1, w1_1, b1_1)
    h2 = _graph_conv(jax.nn.relu(h1), edge, w0_2, b0_2, w1_2, b1_2)
    # input_dim == output_dim -> skip_proj is None, identity skip
    return h2 + x

if __name__ == "__main__":
    import jax
    _d = setup_inputs()
    print(jax.jit(kernel)(*tuple(_d.values())))

</pallas_src>

<mosaic_0001>
#map = affine_map<(d0, d1) -> (0, 0, 0, 0, 0)>
#map1 = affine_map<(d0, d1) -> (0, 0)>
#map2 = affine_map<(d0, d1) -> (0, 0, 0)>
module attributes {stable_mosaic.version = 14 : i64} {
  func.func @body(%arg0: i32, %arg1: i32, %arg2: memref<32x28x6x2x120xi32, #tpu.memory_space<hbm>>, %arg3: memref<10000x128xf32, #tpu.memory_space<hbm>>, %arg4: memref<10000x128xf32, #tpu.memory_space<hbm>>, %arg5: memref<10000x128xf32, #tpu.memory_space<hbm>>, %arg6: memref<2x10000x128xf32, #tpu.memory_space<hbm>>, %arg7: memref<10008x128xf32, #tpu.memory_space<vmem_shared>>, %arg8: memref<2x6x2x120xi32, #tpu.memory_space<vmem>>, %arg9: memref<120x128xf32, #tpu.memory_space<vmem>>, %arg10: memref<120x128xf32, #tpu.memory_space<vmem>>, %arg11: memref<120x128xf32, #tpu.memory_space<vmem>>, %arg12: memref<!tpu.dma_semaphore, #tpu.memory_space<semaphore_mem>>, %arg13: memref<!tpu.dma_semaphore, #tpu.memory_space<semaphore_mem>>, %arg14: memref<!tpu.dma_semaphore, #tpu.memory_space<semaphore_mem>>, %arg15: memref<!tpu.dma_semaphore, #tpu.memory_space<semaphore_mem>>, %arg16: memref<!tpu.dma_semaphore, #tpu.memory_space<semaphore_mem>>) attributes {dimension_semantics = [#tpu.dimension_semantics<core_parallel>, #tpu.dimension_semantics<subcore_parallel>], iteration_bounds = array<i64: 2, 16>, scalar_prefetch = 0 : i64, scratch_operands = 10 : i64, tpu.core_type = #tpu.core_type<sc_vector_subcore>, window_params = [{transform_indices = #map}, {transform_indices = #map1}, {transform_indices = #map1}, {transform_indices = #map1}, {transform_indices = #map2}]} {
    %mul3A = arith.constant 16 : i32
    %mul3A_0 = arith.muli %arg0, %mul3A : i32
    %add3A = arith.addi %mul3A_0, %arg1 : i32
    %mul3A_1 = arith.constant 624 : i32
    %mul3A_2 = arith.muli %arg1, %mul3A_1 : i32
    %multiple_of3A = tpu.assume_multiple %mul3A_2, 8 : i32
    %eq3A = arith.constant 0 : i32
    %eq3A_3 = arith.cmpi eq, %arg0, %eq3A : i32
    %convert_element_type3A = arith.extui %eq3A_3 : i1 to i32
    %cond3A = arith.constant 0 : i32
    %cond3A_4 = arith.cmpi ne, %convert_element_type3A, %cond3A : i32
    scf.if %cond3A_4 {
      "tpu.region"() ({
        %run_scoped3A_52 = tpu.sem_alloc : memref<!tpu.dma_semaphore, #tpu.memory_space<semaphore_mem>>
        %dma_start3A_53 = arith.constant 0 : i32
        %dma_start3A_54 = tpu.memref_slice %arg7[%multiple_of3A, %dma_start3A_53] : memref<10008x128xf32, #tpu.memory_space<vmem_shared>> -> memref<624x128xf32, #tpu.memory_space<vmem_shared>>
        %dma_start3A_55 = arith.constant 0 : i32
        %dma_start3A_56 = tpu.memref_slice %arg4[%multiple_of3A, %dma_start3A_55] : memref<10000x128xf32, #tpu.memory_space<hbm>> -> memref<624x128xf32, #tpu.memory_space<hbm>>
        tpu.enqueue_dma source(%dma_start3A_56 : memref<624x128xf32, #tpu.memory_space<hbm>>) target(%dma_start3A_54 : memref<624x128xf32, #tpu.memory_space<vmem_shared>>) target_semaphore(%run_scoped3A_52 : memref<!tpu.dma_semaphore, #tpu.memory_space<semaphore_mem>>)
        %dma_wait3A = arith.constant 0 : i32
        %dma_wait3A_57 = tpu.memref_slice %arg7[%multiple_of3A, %dma_wait3A] : memref<10008x128xf32, #tpu.memory_space<vmem_shared>> -> memref<624x128xf32, #tpu.memory_space<vmem_shared>>
        %dma_wait3A_58 = arith.constant 0 : i32
        %dma_wait3A_59 = tpu.memref_slice %arg4[%multiple_of3A, %dma_wait3A_58] : memref<10000x128xf32, #tpu.memory_space<hbm>> -> memref<624x128xf32, #tpu.memory_space<hbm>>
        tpu.wait_dma2 semaphore(%run_scoped3A_52 : memref<!tpu.dma_semaphore, #tpu.memory_space<semaphore_mem>>) src(%dma_wait3A_59 : memref<624x128xf32, #tpu.memory_space<hbm>>) dst(%dma_wait3A_57 : memref<624x128xf32, #tpu.memory_space<vmem_shared>>)
        tpu.yield
      }) : () -> ()
      %eq3A_47 = arith.constant 15 : i32
      %eq3A_48 = arith.cmpi eq, %arg1, %eq3A_47 : i32
      %convert_element_type3A_49 = arith.extui %eq3A_48 : i1 to i32
      %cond3A_50 = arith.constant 0 : i32
      %cond3A_51 = arith.cmpi ne, %convert_element_type3A_49, %cond3A_50 : i32
      scf.if %cond3A_51 {
        "tpu.region"() ({
          %run_scoped3A_52 = tpu.sem_alloc : memref<!tpu.dma_semaphore, #tpu.memory_space<semaphore_mem>>
          %dma_start3A_53 = arith.constant 9984 : i32
          %dma_start3A_54 = arith.constant 0 : i32
          %dma_start3A_55 = tpu.memref_slice %arg7[%dma_start3A_53, %dma_start3A_54] : memref<10008x128xf32, #tpu.memory_space<vmem_shared>> -> memref<16x128xf32, #tpu.memory_space<vmem_shared>>
          %dma_start3A_56 = arith.constant 9984 : i32
          %dma_start3A_57 = arith.constant 0 : i32
          %dma_start3A_58 = tpu.memref_slice %arg4[%dma_start3A_56, %dma_start3A_57] : memref<10000x128xf32, #tpu.memory_space<hbm>> -> memref<16x128xf32, #tpu.memory_space<hbm>>
          tpu.enqueue_dma source(%dma_start3A_58 : memref<16x128xf32, #tpu.memory_space<hbm>>) target(%dma_start3A_55 : memref<16x128xf32, #tpu.memory_space<vmem_shared>>) target_semaphore(%run_scoped3A_52 : memref<!tpu.dma_semaphore, #tpu.memory_space<semaphore_mem>>)
          %dma_wait3A = arith.constant 9984 : i32
          %dma_wait3A_59 = arith.constant 0 : i32
          %dma_wait3A_60 = tpu.memref_slice %arg7[%dma_wait3A, %dma_wait3A_59] : memref<10008x128xf32, #tpu.memory_space<vmem_shared>> -> memref<16x128xf32, #tpu.memory_space<vmem_shared>>
          %dma_wait3A_61 = arith.constant 9984 : i32
          %dma_wait3A_62 = arith.constant 0 : i32
          %dma_wait3A_63 = tpu.memref_slice %arg4[%dma_wait3A_61, %dma_wait3A_62] : memref<10000x128xf32, #tpu.memory_space<hbm>> -> memref<16x128xf32, #tpu.memory_space<hbm>>
          tpu.wait_dma2 semaphore(%run_scoped3A_52 : memref<!tpu.dma_semaphore, #tpu.memory_space<semaphore_mem>>) src(%dma_wait3A_63 : memref<16x128xf32, #tpu.memory_space<hbm>>) dst(%dma_wait3A_60 : memref<16x128xf32, #tpu.memory_space<vmem_shared>>)
          tpu.yield
        }) : () -> ()
      } else {
      }
    } else {
    }
    %ne3A = arith.constant 0 : i32
    %ne3A_5 = arith.cmpi ne, %arg0, %ne3A : i32
    %convert_element_type3A_6 = arith.extui %ne3A_5 : i1 to i32
    %cond3A_7 = arith.constant 0 : i32
    %cond3A_8 = arith.cmpi ne, %convert_element_type3A_6, %cond3A_7 : i32
    scf.if %cond3A_8 {
      "tpu.region"() ({
        %run_scoped3A_52 = tpu.sem_alloc : memref<!tpu.dma_semaphore, #tpu.memory_space<semaphore_mem>>
        %dma_start3A_53 = arith.constant 0 : i32
        %dma_start3A_54 = tpu.memref_slice %arg7[%multiple_of3A, %dma_start3A_53] : memref<10008x128xf32, #tpu.memory_space<vmem_shared>> -> memref<624x128xf32, #tpu.memory_space<vmem_shared>>
        %dma_start3A_55 = arith.constant 0 : i32
        %dma_start3A_56 = tpu.memref_slice %arg5[%multiple_of3A, %dma_start3A_55] : memref<10000x128xf32, #tpu.memory_space<hbm>> -> memref<624x128xf32, #tpu.memory_space<hbm>>
        tpu.enqueue_dma source(%dma_start3A_56 : memref<624x128xf32, #tpu.memory_space<hbm>>) target(%dma_start3A_54 : memref<624x128xf32, #tpu.memory_space<vmem_shared>>) target_semaphore(%run_scoped3A_52 : memref<!tpu.dma_semaphore, #tpu.memory_space<semaphore_mem>>)
        %dma_wait3A = arith.constant 0 : i32
        %dma_wait3A_57 = tpu.memref_slice %arg7[%multiple_of3A, %dma_wait3A] : memref<10008x128xf32, #tpu.memory_space<vmem_shared>> -> memref<624x128xf32, #tpu.memory_space<vmem_shared>>
        %dma_wait3A_58 = arith.constant 0 : i32
        %dma_wait3A_59 = tpu.memref_slice %arg5[%multiple_of3A, %dma_wait3A_58] : memref<10000x128xf32, #tpu.memory_space<hbm>> -> memref<624x128xf32, #tpu.memory_space<hbm>>
        tpu.wait_dma2 semaphore(%run_scoped3A_52 : memref<!tpu.dma_semaphore, #tpu.memory_space<semaphore_mem>>) src(%dma_wait3A_59 : memref<624x128xf32, #tpu.memory_space<hbm>>) dst(%dma_wait3A_57 : memref<624x128xf32, #tpu.memory_space<vmem_shared>>)
        tpu.yield
      }) : () -> ()
      %eq3A_47 = arith.constant 15 : i32
      %eq3A_48 = arith.cmpi eq, %arg1, %eq3A_47 : i32
      %convert_element_type3A_49 = arith.extui %eq3A_48 : i1 to i32
      %cond3A_50 = arith.constant 0 : i32
      %cond3A_51 = arith.cmpi ne, %convert_element_type3A_49, %cond3A_50 : i32
      scf.if %cond3A_51 {
        "tpu.region"() ({
          %run_scoped3A_52 = tpu.sem_alloc : memref<!tpu.dma_semaphore, #tpu.memory_space<semaphore_mem>>
          %dma_start3A_53 = arith.constant 9984 : i32
          %dma_start3A_54 = arith.constant 0 : i32
          %dma_start3A_55 = tpu.memref_slice %arg7[%dma_start3A_53, %dma_start3A_54] : memref<10008x128xf32, #tpu.memory_space<vmem_shared>> -> memref<16x128xf32, #tpu.memory_space<vmem_shared>>
          %dma_start3A_56 = arith.constant 9984 : i32
          %dma_start3A_57 = arith.constant 0 : i32
          %dma_start3A_58 = tpu.memref_slice %arg5[%dma_start3A_56, %dma_start3A_57] : memref<10000x128xf32, #tpu.memory_space<hbm>> -> memref<16x128xf32, #tpu.memory_space<hbm>>
          tpu.enqueue_dma source(%dma_start3A_58 : memref<16x128xf32, #tpu.memory_space<hbm>>) target(%dma_start3A_55 : memref<16x128xf32, #tpu.memory_space<vmem_shared>>) target_semaphore(%run_scoped3A_52 : memref<!tpu.dma_semaphore, #tpu.memory_space<semaphore_mem>>)
          %dma_wait3A = arith.constant 9984 : i32
          %dma_wait3A_59 = arith.constant 0 : i32
          %dma_wait3A_60 = tpu.memref_slice %arg7[%dma_wait3A, %dma_wait3A_59] : memref<10008x128xf32, #tpu.memory_space<vmem_shared>> -> memref<16x128xf32, #tpu.memory_space<vmem_shared>>
          %dma_wait3A_61 = arith.constant 9984 : i32
          %dma_wait3A_62 = arith.constant 0 : i32
          %dma_wait3A_63 = tpu.memref_slice %arg5[%dma_wait3A_61, %dma_wait3A_62] : memref<10000x128xf32, #tpu.memory_space<hbm>> -> memref<16x128xf32, #tpu.memory_space<hbm>>
          tpu.wait_dma2 semaphore(%run_scoped3A_52 : memref<!tpu.dma_semaphore, #tpu.memory_space<semaphore_mem>>) src(%dma_wait3A_63 : memref<16x128xf32, #tpu.memory_space<hbm>>) dst(%dma_wait3A_60 : memref<16x128xf32, #tpu.memory_space<vmem_shared>>)
          tpu.yield
        }) : () -> ()
      } else {
      }
    } else {
    }
    %run_scoped3A = arith.constant 0 : i32
    %run_scoped3A_9 = arith.constant 0 : i32
    "tpu.region"() ({
      %run_scoped3A_47 = tpu.sem_alloc : memref<!tpu.dma_semaphore, #tpu.memory_space<semaphore_mem>>
      %dma_start3A_48 = arith.constant 0 : i32
      %dma_start3A_49 = arith.constant 0 : i32
      %dma_start3A_50 = arith.constant 0 : i32
      %dma_start3A_51 = tpu.memref_slice %arg8[%run_scoped3A_9, %dma_start3A_48, %dma_start3A_49, %dma_start3A_50] : memref<2x6x2x120xi32, #tpu.memory_space<vmem>> -> memref<1x6x2x120xi32, #tpu.memory_space<vmem>>
      %dma_start3A_52 = tpu.memref_squeeze %dma_start3A_51 : memref<1x6x2x120xi32, #tpu.memory_space<vmem>> -> memref<6x2x120xi32, #tpu.memory_space<vmem>>
      %dma_start3A_53 = arith.constant 0 : i32
      %dma_start3A_54 = arith.constant 0 : i32
      %dma_start3A_55 = arith.constant 0 : i32
      %dma_start3A_56 = tpu.memref_slice %arg2[%add3A, %run_scoped3A, %dma_start3A_53, %dma_start3A_54, %dma_start3A_55] : memref<32x28x6x2x120xi32, #tpu.memory_space<hbm>> -> memref<1x1x6x2x120xi32, #tpu.memory_space<hbm>>
      %dma_start3A_57 = tpu.memref_squeeze %dma_start3A_56 : memref<1x1x6x2x120xi32, #tpu.memory_space<hbm>> -> memref<6x2x120xi32, #tpu.memory_space<hbm>>
      %dma_start3A_58 = arith.constant 0 : i32
      %dma_start3A_59 = arith.constant 0 : i32
      %dma_start3A_60 = arith.constant 0 : i32
      %dma_start3A_61 = tpu.memref_slice %arg8[%run_scoped3A_9, %dma_start3A_58, %dma_start3A_59, %dma_start3A_60] : memref<2x6x2x120xi32, #tpu.memory_space<vmem>> -> memref<1x6x2x120xi32, #tpu.memory_space<vmem>>
      %dma_start3A_62 = tpu.memref_squeeze %dma_start3A_61 : memref<1x6x2x120xi32, #tpu.memory_space<vmem>> -> memref<6x2x120xi32, #tpu.memory_space<vmem>>
      %dma_start3A_63 = arith.constant 0 : i32
      %dma_start3A_64 = arith.constant 0 : i32
      %dma_start3A_65 = arith.constant 0 : i32
      %dma_start3A_66 = tpu.memref_slice %arg2[%add3A, %run_scoped3A, %dma_start3A_63, %dma_start3A_64, %dma_start3A_65] : memref<32x28x6x2x120xi32, #tpu.memory_space<hbm>> -> memref<1x1x6x2x120xi32, #tpu.memory_space<hbm>>
      %dma_start3A_67 = tpu.memref_squeeze %dma_start3A_66 : memref<1x1x6x2x120xi32, #tpu.memory_space<hbm>> -> memref<6x2x120xi32, #tpu.memory_space<hbm>>
      tpu.enqueue_dma source(%dma_start3A_67 : memref<6x2x120xi32, #tpu.memory_space<hbm>>) target(%dma_start3A_62 : memref<6x2x120xi32, #tpu.memory_space<vmem>>) target_semaphore(%run_scoped3A_47 : memref<!tpu.dma_semaphore, #tpu.memory_space<semaphore_mem>>)
      %dma_wait3A = arith.constant 0 : i32
      %dma_wait3A_68 = arith.constant 0 : i32
      %dma_wait3A_69 = arith.constant 0 : i32
      %dma_wait3A_70 = tpu.memref_slice %arg8[%run_scoped3A_9, %dma_wait3A, %dma_wait3A_68, %dma_wait3A_69] : memref<2x6x2x120xi32, #tpu.memory_space<vmem>> -> memref<1x6x2x120xi32, #tpu.memory_space<vmem>>
      %dma_wait3A_71 = tpu.memref_squeeze %dma_wait3A_70 : memref<1x6x2x120xi32, #tpu.memory_space<vmem>> -> memref<6x2x120xi32, #tpu.memory_space<vmem>>
      %dma_wait3A_72 = arith.constant 0 : i32
      %dma_wait3A_73 = arith.constant 0 : i32
      %dma_wait3A_74 = arith.constant 0 : i32
      %dma_wait3A_75 = tpu.memref_slice %arg2[%add3A, %run_scoped3A, %dma_wait3A_72, %dma_wait3A_73, %dma_wait3A_74] : memref<32x28x6x2x120xi32, #tpu.memory_space<hbm>> -> memref<1x1x6x2x120xi32, #tpu.memory_space<hbm>>
      %dma_wait3A_76 = tpu.memref_squeeze %dma_wait3A_75 : memref<1x1x6x2x120xi32, #tpu.memory_space<hbm>> -> memref<6x2x120xi32, #tpu.memory_space<hbm>>
      %dma_wait3A_77 = arith.constant 0 : i32
      %dma_wait3A_78 = arith.constant 0 : i32
      %dma_wait3A_79 = arith.constant 0 : i32
      %dma_wait3A_80 = tpu.memref_slice %arg8[%run_scoped3A_9, %dma_wait3A_77, %dma_wait3A_78, %dma_wait3A_79] : memref<2x6x2x120xi32, #tpu.memory_space<vmem>> -> memref<1x6x2x120xi32, #tpu.memory_space<vmem>>
      %dma_wait3A_81 = tpu.memref_squeeze %dma_wait3A_80 : memref<1x6x2x120xi32, #tpu.memory_space<vmem>> -> memref<6x2x120xi32, #tpu.memory_space<vmem>>
      %dma_wait3A_82 = arith.constant 0 : i32
      %dma_wait3A_83 = arith.constant 0 : i32
      %dma_wait3A_84 = arith.constant 0 : i32
      %dma_wait3A_85 = tpu.memref_slice %arg2[%add3A, %run_scoped3A, %dma_wait3A_82, %dma_wait3A_83, %dma_wait3A_84] : memref<32x28x6x2x120xi32, #tpu.memory_space<hbm>> -> memref<1x1x6x2x120xi32, #tpu.memory_space<hbm>>
      %dma_wait3A_86 = tpu.memref_squeeze %dma_wait3A_85 : memref<1x1x6x2x120xi32, #tpu.memory_space<hbm>> -> memref<6x2x120xi32, #tpu.memory_space<hbm>>
      tpu.wait_dma2 semaphore(%run_scoped3A_47 : memref<!tpu.dma_semaphore, #tpu.memory_space<semaphore_mem>>) src(%dma_wait3A_86 : memref<6x2x120xi32, #tpu.memory_space<hbm>>) dst(%dma_wait3A_81 : memref<6x2x120xi32, #tpu.memory_space<vmem>>)
      tpu.yield
    }) : () -> ()
    %dma_start3A = arith.constant 0 : i32
    %dma_start3A_10 = arith.constant 0 : i32
    %dma_start3A_11 = arith.constant 0 : i32
    %dma_start3A_12 = arith.constant 0 : i32
    %dma_start3A_13 = tpu.memref_slice %arg8[%dma_start3A, %dma_start3A_10, %dma_start3A_11, %dma_start3A_12] : memref<2x6x2x120xi32, #tpu.memory_space<vmem>> -> memref<1x1x1x120xi32, #tpu.memory_space<vmem>>
    %dma_start3A_14 = tpu.memref_squeeze %dma_start3A_13 : memref<1x1x1x120xi32, #tpu.memory_space<vmem>> -> memref<120xi32, #tpu.memory_space<vmem>>
    %dma_start3A_15 = arith.constant 0 : i32
    %dma_start3A_16 = arith.constant 0 : i32
    %dma_start3A_17 = tpu.memref_slice %arg3[%dma_start3A_15, %dma_start3A_16] : memref<10000x128xf32, #tpu.memory_space<hbm>> -> memref<10000x128xf32, #tpu.memory_space<hbm>>
    tpu.enqueue_indirect_dma source(%dma_start3A_17 : memref<10000x128xf32, #tpu.memory_space<hbm>>) target(%arg9 : memref<120x128xf32, #tpu.memory_space<vmem>>) offsets(%dma_start3A_14 : memref<120xi32, #tpu.memory_space<vmem>>) semaphore(%arg12 : memref<!tpu.dma_semaphore, #tpu.memory_space<semaphore_mem>>)
    %dma_start3A_18 = arith.constant 0 : i32
    %dma_start3A_19 = arith.constant 1 : i32
    %dma_start3A_20 = arith.constant 0 : i32
    %dma_start3A_21 = arith.constant 0 : i32
    %dma_start3A_22 = tpu.memref_slice %arg8[%dma_start3A_18, %dma_start3A_19, %dma_start3A_20, %dma_start3A_21] : memref<2x6x2x120xi32, #tpu.memory_space<vmem>> -> memref<1x1x1x120xi32, #tpu.memory_space<vmem>>
    %dma_start3A_23 = tpu.memref_squeeze %dma_start3A_22 : memref<1x1x1x120xi32, #tpu.memory_space<vmem>> -> memref<120xi32, #tpu.memory_space<vmem>>
    %dma_start3A_24 = arith.constant 0 : i32
    %dma_start3A_25 = arith.constant 0 : i32
    %dma_start3A_26 = tpu.memref_slice %arg3[%dma_start3A_24, %dma_start3A_25] : memref<10000x128xf32, #tpu.memory_space<hbm>> -> memref<10000x128xf32, #tpu.memory_space<hbm>>
    tpu.enqueue_indirect_dma source(%dma_start3A_26 : memref<10000x128xf32, #tpu.memory_space<hbm>>) target(%arg10 : memref<120x128xf32, #tpu.memory_space<vmem>>) offsets(%dma_start3A_23 : memref<120xi32, #tpu.memory_space<vmem>>) semaphore(%arg13 : memref<!tpu.dma_semaphore, #tpu.memory_space<semaphore_mem>>)
    %dma_start3A_27 = arith.constant 0 : i32
    %dma_start3A_28 = arith.constant 2 : i32
    %dma_start3A_29 = arith.constant 0 : i32
    %dma_start3A_30 = arith.constant 0 : i32
    %dma_start3A_31 = tpu.memref_slice %arg8[%dma_start3A_27, %dma_start3A_28, %dma_start3A_29, %dma_start3A_30] : memref<2x6x2x120xi32, #tpu.memory_space<vmem>> -> memref<1x1x1x120xi32, #tpu.memory_space<vmem>>
    %dma_start3A_32 = tpu.memref_squeeze %dma_start3A_31 : memref<1x1x1x120xi32, #tpu.memory_space<vmem>> -> memref<120xi32, #tpu.memory_space<vmem>>
    %dma_start3A_33 = arith.constant 0 : i32
    %dma_start3A_34 = arith.constant 0 : i32
    %dma_start3A_35 = tpu.memref_slice %arg3[%dma_start3A_33, %dma_start3A_34] : memref<10000x128xf32, #tpu.memory_space<hbm>> -> memref<10000x128xf32, #tpu.memory_space<hbm>>
    tpu.enqueue_indirect_dma source(%dma_start3A_35 : memref<10000x128xf32, #tpu.memory_space<hbm>>) target(%arg11 : memref<120x128xf32, #tpu.memory_space<vmem>>) offsets(%dma_start3A_32 : memref<120xi32, #tpu.memory_space<vmem>>) semaphore(%arg14 : memref<!tpu.dma_semaphore, #tpu.memory_space<semaphore_mem>>)
    %barrier3A = arith.constant 0 : index
    tpu.barrier barrier_id(%barrier3A)
    %scan3A = arith.constant 0 : i32
    %scan3A_36 = arith.constant 0 : i32
    %scan3A_37 = arith.constant 14 : i32
    %scan3A_38 = arith.addi %scan3A_36, %scan3A_37 : i32
    %scan3A_39 = arith.constant 1 : i32
    scf.for %scan3A_47 = %scan3A_36 to %scan3A_38 step %scan3A_39  : i32 {
      %mul3A_48 = arith.constant 2 : i32
      %mul3A_49 = arith.muli %mul3A_48, %scan3A_47 : i32
      %add3A_50 = arith.constant 0 : i32
      %add3A_51 = arith.addi %mul3A_49, %add3A_50 : i32
      %add3A_52 = arith.constant 1 : i32
      %add3A_53 = arith.addi %add3A_51, %add3A_52 : i32
      %lt3A = arith.constant 28 : i32
      %lt3A_54 = arith.cmpi slt, %add3A_53, %lt3A : i32
      %convert_element_type3A_55 = arith.extui %lt3A_54 : i1 to i32
      %cond3A_56 = arith.constant 0 : i32
      %cond3A_57 = arith.cmpi ne, %convert_element_type3A_55, %cond3A_56 : i32
      scf.if %cond3A_57 {
        %add3A_308 = arith.constant 1 : i32
        %add3A_309 = arith.addi %add3A_51, %add3A_308 : i32
        %dma_start3A_310 = arith.constant 1 : i32
        %dma_start3A_311 = arith.constant 0 : i32
        %dma_start3A_312 = arith.constant 0 : i32
        %dma_start3A_313 = arith.constant 0 : i32
        %dma_start3A_314 = tpu.memref_slice %arg8[%dma_start3A_310, %dma_start3A_311, %dma_start3A_312, %dma_start3A_313] : memref<2x6x2x120xi32, #tpu.memory_space<vmem>> -> memref<1x6x2x120xi32, #tpu.memory_space<vmem>>
        %dma_start3A_315 = tpu.memref_squeeze %dma_start3A_314 : memref<1x6x2x120xi32, #tpu.memory_space<vmem>> -> memref<6x2x120xi32, #tpu.memory_space<vmem>>
        %dma_start3A_316 = arith.constant 0 : i32
        %dma_start3A_317 = arith.constant 0 : i32
        %dma_start3A_318 = arith.constant 0 : i32
        %dma_start3A_319 = tpu.memref_slice %arg2[%add3A, %add3A_309, %dma_start3A_316, %dma_start3A_317, %dma_start3A_318] : memref<32x28x6x2x120xi32, #tpu.memory_space<hbm>> -> memref<1x1x6x2x120xi32, #tpu.memory_space<hbm>>
        %dma_start3A_320 = tpu.memref_squeeze %dma_start3A_319 : memref<1x1x6x2x120xi32, #tpu.memory_space<hbm>> -> memref<6x2x120xi32, #tpu.memory_space<hbm>>
        %dma_start3A_321 = arith.constant 0 : i32
        %dma_start3A_322 = arith.constant 0 : i32
        %dma_start3A_323 = arith.constant 0 : i32
        %dma_start3A_324 = tpu.memref_slice %arg8[%dma_start3A_310, %dma_start3A_321, %dma_start3A_322, %dma_start3A_323] : memref<2x6x2x120xi32, #tpu.memory_space<vmem>> -> memref<1x6x2x120xi32, #tpu.memory_space<vmem>>
        %dma_start3A_325 = tpu.memref_squeeze %dma_start3A_324 : memref<1x6x2x120xi32, #tpu.memory_space<vmem>> -> memref<6x2x120xi32, #tpu.memory_space<vmem>>
        %dma_start3A_326 = arith.constant 0 : i32
        %dma_start3A_327 = arith.constant 0 : i32
        %dma_start3A_328 = arith.constant 0 : i32
        %dma_start3A_329 = tpu.memref_slice %arg2[%add3A, %add3A_309, %dma_start3A_326, %dma_start3A_327, %dma_start3A_328] : memref<32x28x6x2x120xi32, #tpu.memory_space<hbm>> -> memref<1x1x6x2x120xi32, #tpu.memory_space<hbm>>
        %dma_start3A_330 = tpu.memref_squeeze %dma_start3A_329 : memref<1x1x6x2x120xi32, #tpu.memory_space<hbm>> -> memref<6x2x120xi32, #tpu.memory_space<hbm>>
        tpu.enqueue_dma source(%dma_start3A_330 : memref<6x2x120xi32, #tpu.memory_space<hbm>>) target(%dma_start3A_325 : memref<6x2x120xi32, #tpu.memory_space<vmem>>) target_semaphore(%arg16 : memref<!tpu.dma_semaphore, #tpu.memory_space<semaphore_mem>>)
      } else {
      }
      %dma_wait3A = arith.constant 0 : i32
      %dma_wait3A_58 = arith.constant 0 : i32
      %dma_wait3A_59 = arith.constant 0 : i32
      %dma_wait3A_60 = arith.constant 0 : i32
      %dma_wait3A_61 = tpu.memref_slice %arg8[%dma_wait3A, %dma_wait3A_58, %dma_wait3A_59, %dma_wait3A_60] : memref<2x6x2x120xi32, #tpu.memory_space<vmem>> -> memref<1x1x1x120xi32, #tpu.memory_space<vmem>>
      %dma_wait3A_62 = tpu.memref_squeeze %dma_wait3A_61 : memref<1x1x1x120xi32, #tpu.memory_space<vmem>> -> memref<120xi32, #tpu.memory_space<vmem>>
      %dma_wait3A_63 = arith.constant 0 : i32
      %dma_wait3A_64 = arith.constant 0 : i32
      %dma_wait3A_65 = tpu.memref_slice %arg3[%dma_wait3A_63, %dma_wait3A_64] : memref<10000x128xf32, #tpu.memory_space<hbm>> -> memref<10000x128xf32, #tpu.memory_space<hbm>>
      tpu.wait_indirect_dma semaphore(%arg12 : memref<!tpu.dma_semaphore, #tpu.memory_space<semaphore_mem>>) src(%dma_wait3A_65 : memref<10000x128xf32, #tpu.memory_space<hbm>>) dst(%arg9 : memref<120x128xf32, #tpu.memory_space<vmem>>)
      %run_scoped3A_66 = arith.constant 0 : i32
      %run_scoped3A_67 = arith.constant 0 : i32
      %run_scoped3A_68 = arith.constant 1 : i32
      "tpu.region"() ({
        %run_scoped3A_308 = tpu.sem_alloc : memref<!tpu.dma_semaphore, #tpu.memory_space<semaphore_mem>>
        %dma_start3A_309 = arith.constant 0 : i32
        %dma_start3A_310 = tpu.memref_slice %arg8[%run_scoped3A_66, %run_scoped3A_67, %run_scoped3A_68, %dma_start3A_309] : memref<2x6x2x120xi32, #tpu.memory_space<vmem>> -> memref<1x1x1x120xi32, #tpu.memory_space<vmem>>
        %dma_start3A_311 = tpu.memref_squeeze %dma_start3A_310 : memref<1x1x1x120xi32, #tpu.memory_space<vmem>> -> memref<120xi32, #tpu.memory_space<vmem>>
        %dma_start3A_312 = arith.constant 0 : i32
        %dma_start3A_313 = arith.constant 0 : i32
        %dma_start3A_314 = tpu.memref_slice %arg7[%dma_start3A_312, %dma_start3A_313] : memref<10008x128xf32, #tpu.memory_space<vmem_shared>> -> memref<10008x128xf32, #tpu.memory_space<vmem_shared>>
        tpu.enqueue_indirect_dma source(%arg9 : memref<120x128xf32, #tpu.memory_space<vmem>>) target(%dma_start3A_314 : memref<10008x128xf32, #tpu.memory_space<vmem_shared>>) offsets(%dma_start3A_311 : memref<120xi32, #tpu.memory_space<vmem>>) semaphore(%run_scoped3A_308 : memref<!tpu.dma_semaphore, #tpu.memory_space<semaphore_mem>>) {add = true}
        %dma_wait3A_315 = arith.constant 0 : i32
        %dma_wait3A_316 = tpu.memref_slice %arg8[%run_scoped3A_66, %run_scoped3A_67, %run_scoped3A_68, %dma_wait3A_315] : memref<2x6x2x120xi32, #tpu.memory_space<vmem>> -> memref<1x1x1x120xi32, #tpu.memory_space<vmem>>
        %dma_wait3A_317 = tpu.memref_squeeze %dma_wait3A_316 : memref<1x1x1x120xi32, #tpu.memory_space<vmem>> -> memref<120xi32, #tpu.memory_space<vmem>>
        %dma_wait3A_318 = arith.constant 0 : i32
        %dma_wait3A_319 = arith.constant 0 : i32
        %dma_wait3A_320 = tpu.memref_slice %arg7[%dma_wait3A_318, %dma_wait3A_319] : memref<10008x128xf32, #tpu.memory_space<vmem_shared>> -> memref<10008x128xf32, #tpu.memory_space<vmem_shared>>
        tpu.wait_indirect_dma semaphore(%run_scoped3A_308 : memref<!tpu.dma_semaphore, #tpu.memory_space<semaphore_mem>>) src(%arg9 : memref<120x128xf32, #tpu.memory_space<vmem>>) dst(%dma_wait3A_320 : memref<10008x128xf32, #tpu.memory_space<vmem_shared>>)
        tpu.yield
      }) : () -> ()
      %dma_start3A_69 = arith.constant 0 : i32
      %dma_start3A_70 = arith.constant 3 : i32
      %dma_start3A_71 = arith.constant 0 : i32
      %dma_start3A_72 = arith.constant 0 : i32
      %dma_start3A_73 = tpu.memref_slice %arg8[%dma_start3A_69, %dma_start3A_70, %dma_start3A_71, %dma_start3A_72] : memref<2x6x2x120xi32, #tpu.memory_space<vmem>> -> memref<1x1x1x120xi32, #tpu.memory_space<vmem>>
      %dma_start3A_74 = tpu.memref_squeeze %dma_start3A_73 : memref<1x1x1x120xi32, #tpu.memory_space<vmem>> -> memref<120xi32, #tpu.memory_space<vmem>>
      %dma_start3A_75 = arith.constant 0 : i32
      %dma_start3A_76 = arith.constant 0 : i32
      %dma_start3A_77 = tpu.memref_slice %arg3[%dma_start3A_75, %dma_start3A_76] : memref<10000x128xf32, #tpu.memory_space<hbm>> -> memref<10000x128xf32, #tpu.memory_space<hbm>>
      tpu.enqueue_indirect_dma source(%dma_start3A_77 : memref<10000x128xf32, #tpu.memory_space<hbm>>) target(%arg9 : memref<120x128xf32, #tpu.memory_space<vmem>>) offsets(%dma_start3A_74 : memref<120xi32, #tpu.memory_space<vmem>>) semaphore(%arg12 : memref<!tpu.dma_semaphore, #tpu.memory_space<semaphore_mem>>)
      %dma_wait3A_78 = arith.constant 0 : i32
      %dma_wait3A_79 = arith.constant 1 : i32
      %dma_wait3A_80 = arith.constant 0 : i32
      %dma_wait3A_81 = arith.constant 0 : i32
      %dma_wait3A_82 = tpu.memref_slice %arg8[%dma_wait3A_78, %dma_wait3A_79, %dma_wait3A_80, %dma_wait3A_81] : memref<2x6x2x120xi32, #tpu.memory_space<vmem>> -> memref<1x1x1x120xi32, #tpu.memory_space<vmem>>
      %dma_wait3A_83 = tpu.memref_squeeze %dma_wait3A_82 : memref<1x1x1x120xi32, #tpu.memory_space<vmem>> -> memref<120xi32, #tpu.memory_space<vmem>>
      %dma_wait3A_84 = arith.constant 0 : i32
      %dma_wait3A_85 = arith.constant 0 : i32
      %dma_wait3A_86 = tpu.memref_slice %arg3[%dma_wait3A_84, %dma_wait3A_85] : memref<10000x128xf32, #tpu.memory_space<hbm>> -> memref<10000x128xf32, #tpu.memory_space<hbm>>
      tpu.wait_indirect_dma semaphore(%arg13 : memref<!tpu.dma_semaphore, #tpu.memory_space<semaphore_mem>>) src(%dma_wait3A_86 : memref<10000x128xf32, #tpu.memory_space<hbm>>) dst(%arg10 : memref<120x128xf32, #tpu.memory_space<vmem>>)
      %run_scoped3A_87 = arith.constant 0 : i32
      %run_scoped3A_88 = arith.constant 1 : i32
      %run_scoped3A_89 = arith.constant 1 : i32
      "tpu.region"() ({
        %run_scoped3A_308 = tpu.sem_alloc : memref<!tpu.dma_semaphore, #tpu.memory_space<semaphore_mem>>
        %dma_start3A_309 = arith.constant 0 : i32
        %dma_start3A_310 = tpu.memref_slice %arg8[%run_scoped3A_87, %run_scoped3A_88, %run_scoped3A_89, %dma_start3A_309] : memref<2x6x2x120xi32, #tpu.memory_space<vmem>> -> memref<1x1x1x120xi32, #tpu.memory_space<vmem>>
        %dma_start3A_311 = tpu.memref_squeeze %dma_start3A_310 : memref<1x1x1x120xi32, #tpu.memory_space<vmem>> -> memref<120xi32, #tpu.memory_space<vmem>>
        %dma_start3A_312 = arith.constant 0 : i32
        %dma_start3A_313 = arith.constant 0 : i32
        %dma_start3A_314 = tpu.memref_slice %arg7[%dma_start3A_312, %dma_start3A_313] : memref<10008x128xf32, #tpu.memory_space<vmem_shared>> -> memref<10008x128xf32, #tpu.memory_space<vmem_shared>>
        tpu.enqueue_indirect_dma source(%arg10 : memref<120x128xf32, #tpu.memory_space<vmem>>) target(%dma_start3A_314 : memref<10008x128xf32, #tpu.memory_space<vmem_shared>>) offsets(%dma_start3A_311 : memref<120xi32, #tpu.memory_space<vmem>>) semaphore(%run_scoped3A_308 : memref<!tpu.dma_semaphore, #tpu.memory_space<semaphore_mem>>) {add = true}
        %dma_wait3A_315 = arith.constant 0 : i32
        %dma_wait3A_316 = tpu.memref_slice %arg8[%run_scoped3A_87, %run_scoped3A_88, %run_scoped3A_89, %dma_wait3A_315] : memref<2x6x2x120xi32, #tpu.memory_space<vmem>> -> memref<1x1x1x120xi32, #tpu.memory_space<vmem>>
        %dma_wait3A_317 = tpu.memref_squeeze %dma_wait3A_316 : memref<1x1x1x120xi32, #tpu.memory_space<vmem>> -> memref<120xi32, #tpu.memory_space<vmem>>
        %dma_wait3A_318 = arith.constant 0 : i32
        %dma_wait3A_319 = arith.constant 0 : i32
        %dma_wait3A_320 = tpu.memref_slice %arg7[%dma_wait3A_318, %dma_wait3A_319] : memref<10008x128xf32, #tpu.memory_space<vmem_shared>> -> memref<10008x128xf32, #tpu.memory_space<vmem_shared>>
        tpu.wait_indirect_dma semaphore(%run_scoped3A_308 : memref<!tpu.dma_semaphore, #tpu.memory_space<semaphore_mem>>) src(%arg10 : memref<120x128xf32, #tpu.memory_space<vmem>>) dst(%dma_wait3A_320 : memref<10008x128xf32, #tpu.memory_space<vmem_shared>>)
        tpu.yield
      }) : () -> ()
      %dma_start3A_90 = arith.constant 0 : i32
      %dma_start3A_91 = arith.constant 4 : i32
      %dma_start3A_92 = arith.constant 0 : i32
      %dma_start3A_93 = arith.constant 0 : i32
      %dma_start3A_94 = tpu.memref_slice %arg8[%dma_start3A_90, %dma_start3A_91, %dma_start3A_92, %dma_start3A_93] : memref<2x6x2x120xi32, #tpu.memory_space<vmem>> -> memref<1x1x1x120xi32, #tpu.memory_space<vmem>>
      %dma_start3A_95 = tpu.memref_squeeze %dma_start3A_94 : memref<1x1x1x120xi32, #tpu.memory_space<vmem>> -> memref<120xi32, #tpu.memory_space<vmem>>
      %dma_start3A_96 = arith.constant 0 : i32
      %dma_start3A_97 = arith.constant 0 : i32
      %dma_start3A_98 = tpu.memref_slice %arg3[%dma_start3A_96, %dma_start3A_97] : memref<10000x128xf32, #tpu.memory_space<hbm>> -> memref<10000x128xf32, #tpu.memory_space<hbm>>
      tpu.enqueue_indirect_dma source(%dma_start3A_98 : memref<10000x128xf32, #tpu.memory_space<hbm>>) target(%arg10 : memref<120x128xf32, #tpu.memory_space<vmem>>) offsets(%dma_start3A_95 : memref<120xi32, #tpu.memory_space<vmem>>) semaphore(%arg13 : memref<!tpu.dma_semaphore, #tpu.memory_space<semaphore_mem>>)
      %dma_wait3A_99 = arith.constant 0 : i32
      %dma_wait3A_100 = arith.constant 2 : i32
      %dma_wait3A_101 = arith.constant 0 : i32
      %dma_wait3A_102 = arith.constant 0 : i32
      %dma_wait3A_103 = tpu.memref_slice %arg8[%dma_wait3A_99, %dma_wait3A_100, %dma_wait3A_101, %dma_wait3A_102] : memref<2x6x2x120xi32, #tpu.memory_space<vmem>> -> memref<1x1x1x120xi32, #tpu.memory_space<vmem>>
      %dma_wait3A_104 = tpu.memref_squeeze %dma_wait3A_103 : memref<1x1x1x120xi32, #tpu.memory_space<vmem>> -> memref<120xi32, #tpu.memory_space<vmem>>
      %dma_wait3A_105 = arith.constant 0 : i32
      %dma_wait3A_106 = arith.constant 0 : i32
      %dma_wait3A_107 = tpu.memref_slice %arg3[%dma_wait3A_105, %dma_wait3A_106] : memref<10000x128xf32, #tpu.memory_space<hbm>> -> memref<10000x128xf32, #tpu.memory_space<hbm>>
      tpu.wait_indirect_dma semaphore(%arg14 : memref<!tpu.dma_semaphore, #tpu.memory_space<semaphore_mem>>) src(%dma_wait3A_107 : memref<10000x128xf32, #tpu.memory_space<hbm>>) dst(%arg11 : memref<120x128xf32, #tpu.memory_space<vmem>>)
      %run_scoped3A_108 = arith.constant 0 : i32
      %run_scoped3A_109 = arith.constant 2 : i32
      %run_scoped3A_110 = arith.constant 1 : i32
      "tpu.region"() ({
        %run_scoped3A_308 = tpu.sem_alloc : memref<!tpu.dma_semaphore, #tpu.memory_space<semaphore_mem>>
        %dma_start3A_309 = arith.constant 0 : i32
        %dma_start3A_310 = tpu.memref_slice %arg8[%run_scoped3A_108, %run_scoped3A_109, %run_scoped3A_110, %dma_start3A_309] : memref<2x6x2x120xi32, #tpu.memory_space<vmem>> -> memref<1x1x1x120xi32, #tpu.memory_space<vmem>>
        %dma_start3A_311 = tpu.memref_squeeze %dma_start3A_310 : memref<1x1x1x120xi32, #tpu.memory_space<vmem>> -> memref<120xi32, #tpu.memory_space<vmem>>
        %dma_start3A_312 = arith.constant 0 : i32
        %dma_start3A_313 = arith.constant 0 : i32
        %dma_start3A_314 = tpu.memref_slice %arg7[%dma_start3A_312, %dma_start3A_313] : memref<10008x128xf32, #tpu.memory_space<vmem_shared>> -> memref<10008x128xf32, #tpu.memory_space<vmem_shared>>
        tpu.enqueue_indirect_dma source(%arg11 : memref<120x128xf32, #tpu.memory_space<vmem>>) target(%dma_start3A_314 : memref<10008x128xf32, #tpu.memory_space<vmem_shared>>) offsets(%dma_start3A_311 : memref<120xi32, #tpu.memory_space<vmem>>) semaphore(%run_scoped3A_308 : memref<!tpu.dma_semaphore, #tpu.memory_space<semaphore_mem>>) {add = true}
        %dma_wait3A_315 = arith.constant 0 : i32
        %dma_wait3A_316 = tpu.memref_slice %arg8[%run_scoped3A_108, %run_scoped3A_109, %run_scoped3A_110, %dma_wait3A_315] : memref<2x6x2x120xi32, #tpu.memory_space<vmem>> -> memref<1x1x1x120xi32, #tpu.memory_space<vmem>>
        %dma_wait3A_317 = tpu.memref_squeeze %dma_wait3A_316 : memref<1x1x1x120xi32, #tpu.memory_space<vmem>> -> memref<120xi32, #tpu.memory_space<vmem>>
        %dma_wait3A_318 = arith.constant 0 : i32
        %dma_wait3A_319 = arith.constant 0 : i32
        %dma_wait3A_320 = tpu.memref_slice %arg7[%dma_wait3A_318, %dma_wait3A_319] : memref<10008x128xf32, #tpu.memory_space<vmem_shared>> -> memref<10008x128xf32, #tpu.memory_space<vmem_shared>>
        tpu.wait_indirect_dma semaphore(%run_scoped3A_308 : memref<!tpu.dma_semaphore, #tpu.memory_space<semaphore_mem>>) src(%arg11 : memref<120x128xf32, #tpu.memory_space<vmem>>) dst(%dma_wait3A_320 : memref<10008x128xf32, #tpu.memory_space<vmem_shared>>)
        tpu.yield
      }) : () -> ()
      %dma_start3A_111 = arith.constant 0 : i32
      %dma_start3A_112 = arith.constant 5 : i32
      %dma_start3A_113 = arith.constant 0 : i32
      %dma_start3A_114 = arith.constant 0 : i32
      %dma_start3A_115 = tpu.memref_slice %arg8[%dma_start3A_111, %dma_start3A_112, %dma_start3A_113, %dma_start3A_114] : memref<2x6x2x120xi32, #tpu.memory_space<vmem>> -> memref<1x1x1x120xi32, #tpu.memory_space<vmem>>
      %dma_start3A_116 = tpu.memref_squeeze %dma_start3A_115 : memref<1x1x1x120xi32, #tpu.memory_space<vmem>> -> memref<120xi32, #tpu.memory_space<vmem>>
      %dma_start3A_117 = arith.constant 0 : i32
      %dma_start3A_118 = arith.constant 0 : i32
      %dma_start3A_119 = tpu.memref_slice %arg3[%dma_start3A_117, %dma_start3A_118] : memref<10000x128xf32, #tpu.memory_space<hbm>> -> memref<10000x128xf32, #tpu.memory_space<hbm>>
      tpu.enqueue_indirect_dma source(%dma_start3A_119 : memref<10000x128xf32, #tpu.memory_space<hbm>>) target(%arg11 : memref<120x128xf32, #tpu.memory_space<vmem>>) offsets(%dma_start3A_116 : memref<120xi32, #tpu.memory_space<vmem>>) semaphore(%arg14 : memref<!tpu.dma_semaphore, #tpu.memory_space<semaphore_mem>>)
      %dma_wait3A_120 = arith.constant 0 : i32
      %dma_wait3A_121 = arith.constant 3 : i32
      %dma_wait3A_122 = arith.constant 0 : i32
      %dma_wait3A_123 = arith.constant 0 : i32
      %dma_wait3A_124 = tpu.memref_slice %arg8[%dma_wait3A_120, %dma_wait3A_121, %dma_wait3A_122, %dma_wait3A_123] : memref<2x6x2x120xi32, #tpu.memory_space<vmem>> -> memref<1x1x1x120xi32, #tpu.memory_space<vmem>>
      %dma_wait3A_125 = tpu.memref_squeeze %dma_wait3A_124 : memref<1x1x1x120xi32, #tpu.memory_space<vmem>> -> memref<120xi32, #tpu.memory_space<vmem>>
      %dma_wait3A_126 = arith.constant 0 : i32
      %dma_wait3A_127 = arith.constant 0 : i32
      %dma_wait3A_128 = tpu.memref_slice %arg3[%dma_wait3A_126, %dma_wait3A_127] : memref<10000x128xf32, #tpu.memory_space<hbm>> -> memref<10000x128xf32, #tpu.memory_space<hbm>>
      tpu.wait_indirect_dma semaphore(%arg12 : memref<!tpu.dma_semaphore, #tpu.memory_space<semaphore_mem>>) src(%dma_wait3A_128 : memref<10000x128xf32, #tpu.memory_space<hbm>>) dst(%arg9 : memref<120x128xf32, #tpu.memory_space<vmem>>)
      %run_scoped3A_129 = arith.constant 0 : i32
      %run_scoped3A_130 = arith.constant 3 : i32
      %run_scoped3A_131 = arith.constant 1 : i32
      "tpu.region"() ({
        %run_scoped3A_308 = tpu.sem_alloc : memref<!tpu.dma_semaphore, #tpu.memory_space<semaphore_mem>>
        %dma_start3A_309 = arith.constant 0 : i32
        %dma_start3A_310 = tpu.memref_slice %arg8[%run_scoped3A_129, %run_scoped3A_130, %run_scoped3A_131, %dma_start3A_309] : memref<2x6x2x120xi32, #tpu.memory_space<vmem>> -> memref<1x1x1x120xi32, #tpu.memory_space<vmem>>
        %dma_start3A_311 = tpu.memref_squeeze %dma_start3A_310 : memref<1x1x1x120xi32, #tpu.memory_space<vmem>> -> memref<120xi32, #tpu.memory_space<vmem>>
        %dma_start3A_312 = arith.constant 0 : i32
        %dma_start3A_313 = arith.constant 0 : i32
        %dma_start3A_314 = tpu.memref_slice %arg7[%dma_start3A_312, %dma_start3A_313] : memref<10008x128xf32, #tpu.memory_space<vmem_shared>> -> memref<10008x128xf32, #tpu.memory_space<vmem_shared>>
        tpu.enqueue_indirect_dma source(%arg9 : memref<120x128xf32, #tpu.memory_space<vmem>>) target(%dma_start3A_314 : memref<10008x128xf32, #tpu.memory_space<vmem_shared>>) offsets(%dma_start3A_311 : memref<120xi32, #tpu.memory_space<vmem>>) semaphore(%run_scoped3A_308 : memref<!tpu.dma_semaphore, #tpu.memory_space<semaphore_mem>>) {add = true}
        %dma_wait3A_315 = arith.constant 0 : i32
        %dma_wait3A_316 = tpu.memref_slice %arg8[%run_scoped3A_129, %run_scoped3A_130, %run_scoped3A_131, %dma_wait3A_315] : memref<2x6x2x120xi32, #tpu.memory_space<vmem>> -> memref<1x1x1x120xi32, #tpu.memory_space<vmem>>
        %dma_wait3A_317 = tpu.memref_squeeze %dma_wait3A_316 : memref<1x1x1x120xi32, #tpu.memory_space<vmem>> -> memref<120xi32, #tpu.memory_space<vmem>>
        %dma_wait3A_318 = arith.constant 0 : i32
        %dma_wait3A_319 = arith.constant 0 : i32
        %dma_wait3A_320 = tpu.memref_slice %arg7[%dma_wait3A_318, %dma_wait3A_319] : memref<10008x128xf32, #tpu.memory_space<vmem_shared>> -> memref<10008x128xf32, #tpu.memory_space<vmem_shared>>
        tpu.wait_indirect_dma semaphore(%run_scoped3A_308 : memref<!tpu.dma_semaphore, #tpu.memory_space<semaphore_mem>>) src(%arg9 : memref<120x128xf32, #tpu.memory_space<vmem>>) dst(%dma_wait3A_320 : memref<10008x128xf32, #tpu.memory_space<vmem_shared>>)
        tpu.yield
      }) : () -> ()
      %add3A_132 = arith.constant 1 : i32
      %add3A_133 = arith.addi %add3A_51, %add3A_132 : i32
      %lt3A_134 = arith.constant 28 : i32
      %lt3A_135 = arith.cmpi slt, %add3A_133, %lt3A_134 : i32
      %convert_element_type3A_136 = arith.extui %lt3A_135 : i1 to i32
      %cond3A_137 = arith.constant 0 : i32
      %cond3A_138 = arith.cmpi ne, %convert_element_type3A_136, %cond3A_137 : i32
      scf.if %cond3A_138 {
        %add3A_308 = arith.constant 1 : i32
        %add3A_309 = arith.addi %add3A_51, %add3A_308 : i32
        %dma_wait3A_310 = arith.constant 1 : i32
        %dma_wait3A_311 = arith.constant 0 : i32
        %dma_wait3A_312 = arith.constant 0 : i32
        %dma_wait3A_313 = arith.constant 0 : i32
        %dma_wait3A_314 = tpu.memref_slice %arg8[%dma_wait3A_310, %dma_wait3A_311, %dma_wait3A_312, %dma_wait3A_313] : memref<2x6x2x120xi32, #tpu.memory_space<vmem>> -> memref<1x6x2x120xi32, #tpu.memory_space<vmem>>
        %dma_wait3A_315 = tpu.memref_squeeze %dma_wait3A_314 : memref<1x6x2x120xi32, #tpu.memory_space<vmem>> -> memref<6x2x120xi32, #tpu.memory_space<vmem>>
        %dma_wait3A_316 = arith.constant 0 : i32
        %dma_wait3A_317 = arith.constant 0 : i32
        %dma_wait3A_318 = arith.constant 0 : i32
        %dma_wait3A_319 = tpu.memref_slice %arg2[%add3A, %add3A_309, %dma_wait3A_316, %dma_wait3A_317, %dma_wait3A_318] : memref<32x28x6x2x120xi32, #tpu.memory_space<hbm>> -> memref<1x1x6x2x120xi32, #tpu.memory_space<hbm>>
        %dma_wait3A_320 = tpu.memref_squeeze %dma_wait3A_319 : memref<1x1x6x2x120xi32, #tpu.memory_space<hbm>> -> memref<6x2x120xi32, #tpu.memory_space<hbm>>
        %dma_wait3A_321 = arith.constant 0 : i32
        %dma_wait3A_322 = arith.constant 0 : i32
        %dma_wait3A_323 = arith.constant 0 : i32
        %dma_wait3A_324 = tpu.memref_slice %arg8[%dma_wait3A_310, %dma_wait3A_321, %dma_wait3A_322, %dma_wait3A_323] : memref<2x6x2x120xi32, #tpu.memory_space<vmem>> -> memref<1x6x2x120xi32, #tpu.memory_space<vmem>>
        %dma_wait3A_325 = tpu.memref_squeeze %dma_wait3A_324 : memref<1x6x2x120xi32, #tpu.memory_space<vmem>> -> memref<6x2x120xi32, #tpu.memory_space<vmem>>
        %dma_wait3A_326 = arith.constant 0 : i32
        %dma_wait3A_327 = arith.constant 0 : i32
        %dma_wait3A_328 = arith.constant 0 : i32
        %dma_wait3A_329 = tpu.memref_slice %arg2[%add3A, %add3A_309, %dma_wait3A_326, %dma_wait3A_327, %dma_wait3A_328] : memref<32x28x6x2x120xi32, #tpu.memory_space<hbm>> -> memref<1x1x6x2x120xi32, #tpu.memory_space<hbm>>
        %dma_wait3A_330 = tpu.memref_squeeze %dma_wait3A_329 : memref<1x1x6x2x120xi32, #tpu.memory_space<hbm>> -> memref<6x2x120xi32, #tpu.memory_space<hbm>>
        tpu.wait_dma2 semaphore(%arg16 : memref<!tpu.dma_semaphore, #tpu.memory_space<semaphore_mem>>) src(%dma_wait3A_330 : memref<6x2x120xi32, #tpu.memory_space<hbm>>) dst(%dma_wait3A_325 : memref<6x2x120xi32, #tpu.memory_space<vmem>>)
        %dma_start3A_331 = arith.constant 1 : i32
        %dma_start3A_332 = arith.constant 0 : i32
        %dma_start3A_333 = arith.constant 0 : i32
        %dma_start3A_334 = arith.constant 0 : i32
        %dma_start3A_335 = tpu.memref_slice %arg8[%dma_start3A_331, %dma_start3A_332, %dma_start3A_333, %dma_start3A_334] : memref<2x6x2x120xi32, #tpu.memory_space<vmem>> -> memref<1x1x1x120xi32, #tpu.memory_space<vmem>>
        %dma_start3A_336 = tpu.memref_squeeze %dma_start3A_335 : memref<1x1x1x120xi32, #tpu.memory_space<vmem>> -> memref<120xi32, #tpu.memory_space<vmem>>
        %dma_start3A_337 = arith.constant 0 : i32
        %dma_start3A_338 = arith.constant 0 : i32
        %dma_start3A_339 = tpu.memref_slice %arg3[%dma_start3A_337, %dma_start3A_338] : memref<10000x128xf32, #tpu.memory_space<hbm>> -> memref<10000x128xf32, #tpu.memory_space<hbm>>
        tpu.enqueue_indirect_dma source(%dma_start3A_339 : memref<10000x128xf32, #tpu.memory_space<hbm>>) target(%arg9 : memref<120x128xf32, #tpu.memory_space<vmem>>) offsets(%dma_start3A_336 : memref<120xi32, #tpu.memory_space<vmem>>) semaphore(%arg12 : memref<!tpu.dma_semaphore, #tpu.memory_space<semaphore_mem>>)
      } else {
      }
      %dma_wait3A_139 = arith.constant 0 : i32
      %dma_wait3A_140 = arith.constant 4 : i32
      %dma_wait3A_141 = arith.constant 0 : i32
      %dma_wait3A_142 = arith.constant 0 : i32
      %dma_wait3A_143 = tpu.memref_slice %arg8[%dma_wait3A_139, %dma_wait3A_140, %dma_wait3A_141, %dma_wait3A_142] : memref<2x6x2x120xi32, #tpu.memory_space<vmem>> -> memref<1x1x1x120xi32, #tpu.memory_space<vmem>>
      %dma_wait3A_144 = tpu.memref_squeeze %dma_wait3A_143 : memref<1x1x1x120xi32, #tpu.memory_space<vmem>> -> memref<120xi32, #tpu.memory_space<vmem>>
      %dma_wait3A_145 = arith.constant 0 : i32
      %dma_wait3A_146 = arith.constant 0 : i32
      %dma_wait3A_147 = tpu.memref_slice %arg3[%dma_wait3A_145, %dma_wait3A_146] : memref<10000x128xf32, #tpu.memory_space<hbm>> -> memref<10000x128xf32, #tpu.memory_space<hbm>>
      tpu.wait_indirect_dma semaphore(%arg13 : memref<!tpu.dma_semaphore, #tpu.memory_space<semaphore_mem>>) src(%dma_wait3A_147 : memref<10000x128xf32, #tpu.memory_space<hbm>>) dst(%arg10 : memref<120x128xf32, #tpu.memory_space<vmem>>)
      %run_scoped3A_148 = arith.constant 0 : i32
      %run_scoped3A_149 = arith.constant 4 : i32
      %run_scoped3A_150 = arith.constant 1 : i32
      "tpu.region"() ({
        %run_scoped3A_308 = tpu.sem_alloc : memref<!tpu.dma_semaphore, #tpu.memory_space<semaphore_mem>>
        %dma_start3A_309 = arith.constant 0 : i32
        %dma_start3A_310 = tpu.memref_slice %arg8[%run_scoped3A_148, %run_scoped3A_149, %run_scoped3A_150, %dma_start3A_309] : memref<2x6x2x120xi32, #tpu.memory_space<vmem>> -> memref<1x1x1x120xi32, #tpu.memory_space<vmem>>
        %dma_start3A_311 = tpu.memref_squeeze %dma_start3A_310 : memref<1x1x1x120xi32, #tpu.memory_space<vmem>> -> memref<120xi32, #tpu.memory_space<vmem>>
        %dma_start3A_312 = arith.constant 0 : i32
        %dma_start3A_313 = arith.constant 0 : i32
        %dma_start3A_314 = tpu.memref_slice %arg7[%dma_start3A_312, %dma_start3A_313] : memref<10008x128xf32, #tpu.memory_space<vmem_shared>> -> memref<10008x128xf32, #tpu.memory_space<vmem_shared>>
        tpu.enqueue_indirect_dma source(%arg10 : memref<120x128xf32, #tpu.memory_space<vmem>>) target(%dma_start3A_314 : memref<10008x128xf32, #tpu.memory_space<vmem_shared>>) offsets(%dma_start3A_311 : memref<120xi32, #tpu.memory_space<vmem>>) semaphore(%run_scoped3A_308 : memref<!tpu.dma_semaphore, #tpu.memory_space<semaphore_mem>>) {add = true}
        %dma_wait3A_315 = arith.constant 0 : i32
        %dma_wait3A_316 = tpu.memref_slice %arg8[%run_scoped3A_148, %run_scoped3A_149, %run_scoped3A_150, %dma_wait3A_315] : memref<2x6x2x120xi32, #tpu.memory_space<vmem>> -> memref<1x1x1x120xi32, #tpu.memory_space<vmem>>
        %dma_wait3A_317 = tpu.memref_squeeze %dma_wait3A_316 : memref<1x1x1x120xi32, #tpu.memory_space<vmem>> -> memref<120xi32, #tpu.memory_space<vmem>>
        %dma_wait3A_318 = arith.constant 0 : i32
        %dma_wait3A_319 = arith.constant 0 : i32
        %dma_wait3A_320 = tpu.memref_slice %arg7[%dma_wait3A_318, %dma_wait3A_319] : memref<10008x128xf32, #tpu.memory_space<vmem_shared>> -> memref<10008x128xf32, #tpu.memory_space<vmem_shared>>
        tpu.wait_indirect_dma semaphore(%run_scoped3A_308 : memref<!tpu.dma_semaphore, #tpu.memory_space<semaphore_mem>>) src(%arg10 : memref<120x128xf32, #tpu.memory_space<vmem>>) dst(%dma_wait3A_320 : memref<10008x128xf32, #tpu.memory_space<vmem_shared>>)
        tpu.yield
      }) : () -> ()
      %add3A_151 = arith.constant 1 : i32
      %add3A_152 = arith.addi %add3A_51, %add3A_151 : i32
      %lt3A_153 = arith.constant 28 : i32
      %lt3A_154 = arith.cmpi slt, %add3A_152, %lt3A_153 : i32
      %convert_element_type3A_155 = arith.extui %lt3A_154 : i1 to i32
      %cond3A_156 = arith.constant 0 : i32
      %cond3A_157 = arith.cmpi ne, %convert_element_type3A_155, %cond3A_156 : i32
      scf.if %cond3A_157 {
        %dma_start3A_308 = arith.constant 1 : i32
        %dma_start3A_309 = arith.constant 1 : i32
        %dma_start3A_310 = arith.constant 0 : i32
        %dma_start3A_311 = arith.constant 0 : i32
        %dma_start3A_312 = tpu.memref_slice %arg8[%dma_start3A_308, %dma_start3A_309, %dma_start3A_310, %dma_start3A_311] : memref<2x6x2x120xi32, #tpu.memory_space<vmem>> -> memref<1x1x1x120xi32, #tpu.memory_space<vmem>>
        %dma_start3A_313 = tpu.memref_squeeze %dma_start3A_312 : memref<1x1x1x120xi32, #tpu.memory_space<vmem>> -> memref<120xi32, #tpu.memory_space<vmem>>
        %dma_start3A_314 = arith.constant 0 : i32
        %dma_start3A_315 = arith.constant 0 : i32
        %dma_start3A_316 = tpu.memref_slice %arg3[%dma_start3A_314, %dma_start3A_315] : memref<10000x128xf32, #tpu.memory_space<hbm>> -> memref<10000x128xf32, #tpu.memory_space<hbm>>
        tpu.enqueue_indirect_dma source(%dma_start3A_316 : memref<10000x128xf32, #tpu.memory_space<hbm>>) target(%arg10 : memref<120x128xf32, #tpu.memory_space<vmem>>) offsets(%dma_start3A_313 : memref<120xi32, #tpu.memory_space<vmem>>) semaphore(%arg13 : memref<!tpu.dma_semaphore, #tpu.memory_space<semaphore_mem>>)
      } else {
      }
      %dma_wait3A_158 = arith.constant 0 : i32
      %dma_wait3A_159 = arith.constant 5 : i32
      %dma_wait3A_160 = arith.constant 0 : i32
      %dma_wait3A_161 = arith.constant 0 : i32
      %dma_wait3A_162 = tpu.memref_slice %arg8[%dma_wait3A_158, %dma_wait3A_159, %dma_wait3A_160, %dma_wait3A_161] : memref<2x6x2x120xi32, #tpu.memory_space<vmem>> -> memref<1x1x1x120xi32, #tpu.memory_space<vmem>>
      %dma_wait3A_163 = tpu.memref_squeeze %dma_wait3A_162 : memref<1x1x1x120xi32, #tpu.memory_space<vmem>> -> memref<120xi32, #tpu.memory_space<vmem>>
      %dma_wait3A_164 = arith.constant 0 : i32
      %dma_wait3A_165 = arith.constant 0 : i32
      %dma_wait3A_166 = tpu.memref_slice %arg3[%dma_wait3A_164, %dma_wait3A_165] : memref<10000x128xf32, #tpu.memory_space<hbm>> -> memref<10000x128xf32, #tpu.memory_space<hbm>>
      tpu.wait_indirect_dma semaphore(%arg14 : memref<!tpu.dma_semaphore, #tpu.memory_space<semaphore_mem>>) src(%dma_wait3A_166 : memref<10000x128xf32, #tpu.memory_space<hbm>>) dst(%arg11 : memref<120x128xf32, #tpu.memory_space<vmem>>)
      %run_scoped3A_167 = arith.constant 0 : i32
      %run_scoped3A_168 = arith.constant 5 : i32
      %run_scoped3A_169 = arith.constant 1 : i32
      "tpu.region"() ({
        %run_scoped3A_308 = tpu.sem_alloc : memref<!tpu.dma_semaphore, #tpu.memory_space<semaphore_mem>>
        %dma_start3A_309 = arith.constant 0 : i32
        %dma_start3A_310 = tpu.memref_slice %arg8[%run_scoped3A_167, %run_scoped3A_168, %run_scoped3A_169, %dma_start3A_309] : memref<2x6x2x120xi32, #tpu.memory_space<vmem>> -> memref<1x1x1x120xi32, #tpu.memory_space<vmem>>
        %dma_start3A_311 = tpu.memref_squeeze %dma_start3A_310 : memref<1x1x1x120xi32, #tpu.memory_space<vmem>> -> memref<120xi32, #tpu.memory_space<vmem>>
        %dma_start3A_312 = arith.constant 0 : i32
        %dma_start3A_313 = arith.constant 0 : i32
        %dma_start3A_314 = tpu.memref_slice %arg7[%dma_start3A_312, %dma_start3A_313] : memref<10008x128xf32, #tpu.memory_space<vmem_shared>> -> memref<10008x128xf32, #tpu.memory_space<vmem_shared>>
        tpu.enqueue_indirect_dma source(%arg11 : memref<120x128xf32, #tpu.memory_space<vmem>>) target(%dma_start3A_314 : memref<10008x128xf32, #tpu.memory_space<vmem_shared>>) offsets(%dma_start3A_311 : memref<120xi32, #tpu.memory_space<vmem>>) semaphore(%run_scoped3A_308 : memref<!tpu.dma_semaphore, #tpu.memory_space<semaphore_mem>>) {add = true}
        %dma_wait3A_315 = arith.constant 0 : i32
        %dma_wait3A_316 = tpu.memref_slice %arg8[%run_scoped3A_167, %run_scoped3A_168, %run_scoped3A_169, %dma_wait3A_315] : memref<2x6x2x120xi32, #tpu.memory_space<vmem>> -> memref<1x1x1x120xi32, #tpu.memory_space<vmem>>
        %dma_wait3A_317 = tpu.memref_squeeze %dma_wait3A_316 : memref<1x1x1x120xi32, #tpu.memory_space<vmem>> -> memref<120xi32, #tpu.memory_space<vmem>>
        %dma_wait3A_318 = arith.constant 0 : i32
        %dma_wait3A_319 = arith.constant 0 : i32
        %dma_wait3A_320 = tpu.memref_slice %arg7[%dma_wait3A_318, %dma_wait3A_319] : memref<10008x128xf32, #tpu.memory_space<vmem_shared>> -> memref<10008x128xf32, #tpu.memory_space<vmem_shared>>
        tpu.wait_indirect_dma semaphore(%run_scoped3A_308 : memref<!tpu.dma_semaphore, #tpu.memory_space<semaphore_mem>>) src(%arg11 : memref<120x128xf32, #tpu.memory_space<vmem>>) dst(%dma_wait3A_320 : memref<10008x128xf32, #tpu.memory_space<vmem_shared>>)
        tpu.yield
      }) : () -> ()
      %add3A_170 = arith.constant 1 : i32
      %add3A_171 = arith.addi %add3A_51, %add3A_170 : i32
      %lt3A_172 = arith.constant 28 : i32
      %lt3A_173 = arith.cmpi slt, %add3A_171, %lt3A_172 : i32
      %convert_element_type3A_174 = arith.extui %lt3A_173 : i1 to i32
      %cond3A_175 = arith.constant 0 : i32
      %cond3A_176 = arith.cmpi ne, %convert_element_type3A_174, %cond3A_175 : i32
      scf.if %cond3A_176 {
        %dma_start3A_308 = arith.constant 1 : i32
        %dma_start3A_309 = arith.constant 2 : i32
        %dma_start3A_310 = arith.constant 0 : i32
        %dma_start3A_311 = arith.constant 0 : i32
        %dma_start3A_312 = tpu.memref_slice %arg8[%dma_start3A_308, %dma_start3A_309, %dma_start3A_310, %dma_start3A_311] : memref<2x6x2x120xi32, #tpu.memory_space<vmem>> -> memref<1x1x1x120xi32, #tpu.memory_space<vmem>>
        %dma_start3A_313 = tpu.memref_squeeze %dma_start3A_312 : memref<1x1x1x120xi32, #tpu.memory_space<vmem>> -> memref<120xi32, #tpu.memory_space<vmem>>
        %dma_start3A_314 = arith.constant 0 : i32
        %dma_start3A_315 = arith.constant 0 : i32
        %dma_start3A_316 = tpu.memref_slice %arg3[%dma_start3A_314, %dma_start3A_315] : memref<10000x128xf32, #tpu.memory_space<hbm>> -> memref<10000x128xf32, #tpu.memory_space<hbm>>
        tpu.enqueue_indirect_dma source(%dma_start3A_316 : memref<10000x128xf32, #tpu.memory_space<hbm>>) target(%arg11 : memref<120x128xf32, #tpu.memory_space<vmem>>) offsets(%dma_start3A_313 : memref<120xi32, #tpu.memory_space<vmem>>) semaphore(%arg14 : memref<!tpu.dma_semaphore, #tpu.memory_space<semaphore_mem>>)
      } else {
      }
      %mul3A_177 = arith.constant 2 : i32
      %mul3A_178 = arith.muli %mul3A_177, %scan3A_47 : i32
      %add3A_179 = arith.constant 1 : i32
      %add3A_180 = arith.addi %mul3A_178, %add3A_179 : i32
      %add3A_181 = arith.constant 1 : i32
      %add3A_182 = arith.addi %add3A_180, %add3A_181 : i32
      %lt3A_183 = arith.constant 28 : i32
      %lt3A_184 = arith.cmpi slt, %add3A_182, %lt3A_183 : i32
      %convert_element_type3A_185 = arith.extui %lt3A_184 : i1 to i32
      %cond3A_186 = arith.constant 0 : i32
      %cond3A_187 = arith.cmpi ne, %convert_element_type3A_185, %cond3A_186 : i32
      scf.if %cond3A_187 {
        %add3A_308 = arith.constant 1 : i32
        %add3A_309 = arith.addi %add3A_180, %add3A_308 : i32
        %dma_start3A_310 = arith.constant 0 : i32
        %dma_start3A_311 = arith.constant 0 : i32
        %dma_start3A_312 = arith.constant 0 : i32
        %dma_start3A_313 = arith.constant 0 : i32
        %dma_start3A_314 = tpu.memref_slice %arg8[%dma_start3A_310, %dma_start3A_311, %dma_start3A_312, %dma_start3A_313] : memref<2x6x2x120xi32, #tpu.memory_space<vmem>> -> memref<1x6x2x120xi32, #tpu.memory_space<vmem>>
        %dma_start3A_315 = tpu.memref_squeeze %dma_start3A_314 : memref<1x6x2x120xi32, #tpu.memory_space<vmem>> -> memref<6x2x120xi32, #tpu.memory_space<vmem>>
        %dma_start3A_316 = arith.constant 0 : i32
        %dma_start3A_317 = arith.constant 0 : i32
        %dma_start3A_318 = arith.constant 0 : i32
        %dma_start3A_319 = tpu.memref_slice %arg2[%add3A, %add3A_309, %dma_start3A_316, %dma_start3A_317, %dma_start3A_318] : memref<32x28x6x2x120xi32, #tpu.memory_space<hbm>> -> memref<1x1x6x2x120xi32, #tpu.memory_space<hbm>>
        %dma_start3A_320 = tpu.memref_squeeze %dma_start3A_319 : memref<1x1x6x2x120xi32, #tpu.memory_space<hbm>> -> memref<6x2x120xi32, #tpu.memory_space<hbm>>
        %dma_start3A_321 = arith.constant 0 : i32
        %dma_start3A_322 = arith.constant 0 : i32
        %dma_start3A_323 = arith.constant 0 : i32
        %dma_start3A_324 = tpu.memref_slice %arg8[%dma_start3A_310, %dma_start3A_321, %dma_start3A_322, %dma_start3A_323] : memref<2x6x2x120xi32, #tpu.memory_space<vmem>> -> memref<1x6x2x120xi32, #tpu.memory_space<vmem>>
        %dma_start3A_325 = tpu.memref_squeeze %dma_start3A_324 : memref<1x6x2x120xi32, #tpu.memory_space<vmem>> -> memref<6x2x120xi32, #tpu.memory_space<vmem>>
        %dma_start3A_326 = arith.constant 0 : i32
        %dma_start3A_327 = arith.constant 0 : i32
        %dma_start3A_328 = arith.constant 0 : i32
        %dma_start3A_329 = tpu.memref_slice %arg2[%add3A, %add3A_309, %dma_start3A_326, %dma_start3A_327, %dma_start3A_328] : memref<32x28x6x2x120xi32, #tpu.memory_space<hbm>> -> memref<1x1x6x2x120xi32, #tpu.memory_space<hbm>>
        %dma_start3A_330 = tpu.memref_squeeze %dma_start3A_329 : memref<1x1x6x2x120xi32, #tpu.memory_space<hbm>> -> memref<6x2x120xi32, #tpu.memory_space<hbm>>
        tpu.enqueue_dma source(%dma_start3A_330 : memref<6x2x120xi32, #tpu.memory_space<hbm>>) target(%dma_start3A_325 : memref<6x2x120xi32, #tpu.memory_space<vmem>>) target_semaphore(%arg15 : memref<!tpu.dma_semaphore, #tpu.memory_space<semaphore_mem>>)
      } else {
      }
      %dma_wait3A_188 = arith.constant 1 : i32
      %dma_wait3A_189 = arith.constant 0 : i32
      %dma_wait3A_190 = arith.constant 0 : i32
      %dma_wait3A_191 = arith.constant 0 : i32
      %dma_wait3A_192 = tpu.memref_slice %arg8[%dma_wait3A_188, %dma_wait3A_189, %dma_wait3A_190, %dma_wait3A_191] : memref<2x6x2x120xi32, #tpu.memory_space<vmem>> -> memref<1x1x1x120xi32, #tpu.memory_space<vmem>>
      %dma_wait3A_193 = tpu.memref_squeeze %dma_wait3A_192 : memref<1x1x1x120xi32, #tpu.memory_space<vmem>> -> memref<120xi32, #tpu.memory_space<vmem>>
      %dma_wait3A_194 = arith.constant 0 : i32
      %dma_wait3A_195 = arith.constant 0 : i32
      %dma_wait3A_196 = tpu.memref_slice %arg3[%dma_wait3A_194, %dma_wait3A_195] : memref<10000x128xf32, #tpu.memory_space<hbm>> -> memref<10000x128xf32, #tpu.memory_space<hbm>>
      tpu.wait_indirect_dma semaphore(%arg12 : memref<!tpu.dma_semaphore, #tpu.memory_space<semaphore_mem>>) src(%dma_wait3A_196 : memref<10000x128xf32, #tpu.memory_space<hbm>>) dst(%arg9 : memref<120x128xf32, #tpu.memory_space<vmem>>)
      %run_scoped3A_197 = arith.constant 1 : i32
      %run_scoped3A_198 = arith.constant 0 : i32
      %run_scoped3A_199 = arith.constant 1 : i32
      "tpu.region"() ({
        %run_scoped3A_308 = tpu.sem_alloc : memref<!tpu.dma_semaphore, #tpu.memory_space<semaphore_mem>>
        %dma_start3A_309 = arith.constant 0 : i32
        %dma_start3A_310 = tpu.memref_slice %arg8[%run_scoped3A_197, %run_scoped3A_198, %run_scoped3A_199, %dma_start3A_309] : memref<2x6x2x120xi32, #tpu.memory_space<vmem>> -> memref<1x1x1x120xi32, #tpu.memory_space<vmem>>
        %dma_start3A_311 = tpu.memref_squeeze %dma_start3A_310 : memref<1x1x1x120xi32, #tpu.memory_space<vmem>> -> memref<120xi32, #tpu.memory_space<vmem>>
        %dma_start3A_312 = arith.constant 0 : i32
        %dma_start3A_313 = arith.constant 0 : i32
        %dma_start3A_314 = tpu.memref_slice %arg7[%dma_start3A_312, %dma_start3A_313] : memref<10008x128xf32, #tpu.memory_space<vmem_shared>> -> memref<10008x128xf32, #tpu.memory_space<vmem_shared>>
        tpu.enqueue_indirect_dma source(%arg9 : memref<120x128xf32, #tpu.memory_space<vmem>>) target(%dma_start3A_314 : memref<10008x128xf32, #tpu.memory_space<vmem_shared>>) offsets(%dma_start3A_311 : memref<120xi32, #tpu.memory_space<vmem>>) semaphore(%run_scoped3A_308 : memref<!tpu.dma_semaphore, #tpu.memory_space<semaphore_mem>>) {add = true}
        %dma_wait3A_315 = arith.constant 0 : i32
        %dma_wait3A_316 = tpu.memref_slice %arg8[%run_scoped3A_197, %run_scoped3A_198, %run_scoped3A_199, %dma_wait3A_315] : memref<2x6x2x120xi32, #tpu.memory_space<vmem>> -> memref<1x1x1x120xi32, #tpu.memory_space<vmem>>
        %dma_wait3A_317 = tpu.memref_squeeze %dma_wait3A_316 : memref<1x1x1x120xi32, #tpu.memory_space<vmem>> -> memref<120xi32, #tpu.memory_space<vmem>>
        %dma_wait3A_318 = arith.constant 0 : i32
        %dma_wait3A_319 = arith.constant 0 : i32
        %dma_wait3A_320 = tpu.memref_slice %arg7[%dma_wait3A_318, %dma_wait3A_319] : memref<10008x128xf32, #tpu.memory_space<vmem_shared>> -> memref<10008x128xf32, #tpu.memory_space<vmem_shared>>
        tpu.wait_indirect_dma semaphore(%run_scoped3A_308 : memref<!tpu.dma_semaphore, #tpu.memory_space<semaphore_mem>>) src(%arg9 : memref<120x128xf32, #tpu.memory_space<vmem>>) dst(%dma_wait3A_320 : memref<10008x128xf32, #tpu.memory_space<vmem_shared>>)
        tpu.yield
      }) : () -> ()
      %dma_start3A_200 = arith.constant 1 : i32
      %dma_start3A_201 = arith.constant 3 : i32
      %dma_start3A_202 = arith.constant 0 : i32
      %dma_start3A_203 = arith.constant 0 : i32
      %dma_start3A_204 = tpu.memref_slice %arg8[%dma_start3A_200, %dma_start3A_201, %dma_start3A_202, %dma_start3A_203] : memref<2x6x2x120xi32, #tpu.memory_space<vmem>> -> memref<1x1x1x120xi32, #tpu.memory_space<vmem>>
      %dma_start3A_205 = tpu.memref_squeeze %dma_start3A_204 : memref<1x1x1x120xi32, #tpu.memory_space<vmem>> -> memref<120xi32, #tpu.memory_space<vmem>>
      %dma_start3A_206 = arith.constant 0 : i32
      %dma_start3A_207 = arith.constant 0 : i32
      %dma_start3A_208 = tpu.memref_slice %arg3[%dma_start3A_206, %dma_start3A_207] : memref<10000x128xf32, #tpu.memory_space<hbm>> -> memref<10000x128xf32, #tpu.memory_space<hbm>>
      tpu.enqueue_indirect_dma source(%dma_start3A_208 : memref<10000x128xf32, #tpu.memory_space<hbm>>) target(%arg9 : memref<120x128xf32, #tpu.memory_space<vmem>>) offsets(%dma_start3A_205 : memref<120xi32, #tpu.memory_space<vmem>>) semaphore(%arg12 : memref<!tpu.dma_semaphore, #tpu.memory_space<semaphore_mem>>)
      %dma_wait3A_209 = arith.constant 1 : i32
      %dma_wait3A_210 = arith.constant 1 : i32
      %dma_wait3A_211 = arith.constant 0 : i32
      %dma_wait3A_212 = arith.constant 0 : i32
      %dma_wait3A_213 = tpu.memref_slice %arg8[%dma_wait3A_209, %dma_wait3A_210, %dma_wait3A_211, %dma_wait3A_212] : memref<2x6x2x120xi32, #tpu.memory_space<vmem>> -> memref<1x1x1x120xi32, #tpu.memory_space<vmem>>
      %dma_wait3A_214 = tpu.memref_squeeze %dma_wait3A_213 : memref<1x1x1x120xi32, #tpu.memory_space<vmem>> -> memref<120xi32, #tpu.memory_space<vmem>>
      %dma_wait3A_215 = arith.constant 0 : i32
      %dma_wait3A_216 = arith.constant 0 : i32
      %dma_wait3A_217 = tpu.memref_slice %arg3[%dma_wait3A_215, %dma_wait3A_216] : memref<10000x128xf32, #tpu.memory_space<hbm>> -> memref<10000x128xf32, #tpu.memory_space<hbm>>
      tpu.wait_indirect_dma semaphore(%arg13 : memref<!tpu.dma_semaphore, #tpu.memory_space<semaphore_mem>>) src(%dma_wait3A_217 : memref<10000x128xf32, #tpu.memory_space<hbm>>) dst(%arg10 : memref<120x128xf32, #tpu.memory_space<vmem>>)
      %run_scoped3A_218 = arith.constant 1 : i32
      %run_scoped3A_219 = arith.constant 1 : i32
      %run_scoped3A_220 = arith.constant 1 : i32
      "tpu.region"() ({
        %run_scoped3A_308 = tpu.sem_alloc : memref<!tpu.dma_semaphore, #tpu.memory_space<semaphore_mem>>
        %dma_start3A_309 = arith.constant 0 : i32
        %dma_start3A_310 = tpu.memref_slice %arg8[%run_scoped3A_218, %run_scoped3A_219, %run_scoped3A_220, %dma_start3A_309] : memref<2x6x2x120xi32, #tpu.memory_space<vmem>> -> memref<1x1x1x120xi32, #tpu.memory_space<vmem>>
        %dma_start3A_311 = tpu.memref_squeeze %dma_start3A_310 : memref<1x1x1x120xi32, #tpu.memory_space<vmem>> -> memref<120xi32, #tpu.memory_space<vmem>>
        %dma_start3A_312 = arith.constant 0 : i32
        %dma_start3A_313 = arith.constant 0 : i32
        %dma_start3A_314 = tpu.memref_slice %arg7[%dma_start3A_312, %dma_start3A_313] : memref<10008x128xf32, #tpu.memory_space<vmem_shared>> -> memref<10008x128xf32, #tpu.memory_space<vmem_shared>>
        tpu.enqueue_indirect_dma source(%arg10 : memref<120x128xf32, #tpu.memory_space<vmem>>) target(%dma_start3A_314 : memref<10008x128xf32, #tpu.memory_space<vmem_shared>>) offsets(%dma_start3A_311 : memref<120xi32, #tpu.memory_space<vmem>>) semaphore(%run_scoped3A_308 : memref<!tpu.dma_semaphore, #tpu.memory_space<semaphore_mem>>) {add = true}
        %dma_wait3A_315 = arith.constant 0 : i32
        %dma_wait3A_316 = tpu.memref_slice %arg8[%run_scoped3A_218, %run_scoped3A_219, %run_scoped3A_220, %dma_wait3A_315] : memref<2x6x2x120xi32, #tpu.memory_space<vmem>> -> memref<1x1x1x120xi32, #tpu.memory_space<vmem>>
        %dma_wait3A_317 = tpu.memref_squeeze %dma_wait3A_316 : memref<1x1x1x120xi32, #tpu.memory_space<vmem>> -> memref<120xi32, #tpu.memory_space<vmem>>
        %dma_wait3A_318 = arith.constant 0 : i32
        %dma_wait3A_319 = arith.constant 0 : i32
        %dma_wait3A_320 = tpu.memref_slice %arg7[%dma_wait3A_318, %dma_wait3A_319] : memref<10008x128xf32, #tpu.memory_space<vmem_shared>> -> memref<10008x128xf32, #tpu.memory_space<vmem_shared>>
        tpu.wait_indirect_dma semaphore(%run_scoped3A_308 : memref<!tpu.dma_semaphore, #tpu.memory_space<semaphore_mem>>) src(%arg10 : memref<120x128xf32, #tpu.memory_space<vmem>>) dst(%dma_wait3A_320 : memref<10008x128xf32, #tpu.memory_space<vmem_shared>>)
        tpu.yield
      }) : () -> ()
      %dma_start3A_221 = arith.constant 1 : i32
      %dma_start3A_222 = arith.constant 4 : i32
      %dma_start3A_223 = arith.constant 0 : i32
      %dma_start3A_224 = arith.constant 0 : i32
      %dma_start3A_225 = tpu.memref_slice %arg8[%dma_start3A_221, %dma_start3A_222, %dma_start3A_223, %dma_start3A_224] : memref<2x6x2x120xi32, #tpu.memory_space<vmem>> -> memref<1x1x1x120xi32, #tpu.memory_space<vmem>>
      %dma_start3A_226 = tpu.memref_squeeze %dma_start3A_225 : memref<1x1x1x120xi32, #tpu.memory_space<vmem>> -> memref<120xi32, #tpu.memory_space<vmem>>
      %dma_start3A_227 = arith.constant 0 : i32
      %dma_start3A_228 = arith.constant 0 : i32
      %dma_start3A_229 = tpu.memref_slice %arg3[%dma_start3A_227, %dma_start3A_228] : memref<10000x128xf32, #tpu.memory_space<hbm>> -> memref<10000x128xf32, #tpu.memory_space<hbm>>
      tpu.enqueue_indirect_dma source(%dma_start3A_229 : memref<10000x128xf32, #tpu.memory_space<hbm>>) target(%arg10 : memref<120x128xf32, #tpu.memory_space<vmem>>) offsets(%dma_start3A_226 : memref<120xi32, #tpu.memory_space<vmem>>) semaphore(%arg13 : memref<!tpu.dma_semaphore, #tpu.memory_space<semaphore_mem>>)
      %dma_wait3A_230 = arith.constant 1 : i32
      %dma_wait3A_231 = arith.constant 2 : i32
      %dma_wait3A_232 = arith.constant 0 : i32
      %dma_wait3A_233 = arith.constant 0 : i32
      %dma_wait3A_234 = tpu.memref_slice %arg8[%dma_wait3A_230, %dma_wait3A_231, %dma_wait3A_232, %dma_wait3A_233] : memref<2x6x2x120xi32, #tpu.memory_space<vmem>> -> memref<1x1x1x120xi32, #tpu.memory_space<vmem>>
      %dma_wait3A_235 = tpu.memref_squeeze %dma_wait3A_234 : memref<1x1x1x120xi32, #tpu.memory_space<vmem>> -> memref<120xi32, #tpu.memory_space<vmem>>
      %dma_wait3A_236 = arith.constant 0 : i32
      %dma_wait3A_237 = arith.constant 0 : i32
      %dma_wait3A_238 = tpu.memref_slice %arg3[%dma_wait3A_236, %dma_wait3A_237] : memref<10000x128xf32, #tpu.memory_space<hbm>> -> memref<10000x128xf32, #tpu.memory_space<hbm>>
      tpu.wait_indirect_dma semaphore(%arg14 : memref<!tpu.dma_semaphore, #tpu.memory_space<semaphore_mem>>) src(%dma_wait3A_238 : memref<10000x128xf32, #tpu.memory_space<hbm>>) dst(%arg11 : memref<120x128xf32, #tpu.memory_space<vmem>>)
      %run_scoped3A_239 = arith.constant 1 : i32
      %run_scoped3A_240 = arith.constant 2 : i32
      %run_scoped3A_241 = arith.constant 1 : i32
      "tpu.region"() ({
        %run_scoped3A_308 = tpu.sem_alloc : memref<!tpu.dma_semaphore, #tpu.memory_space<semaphore_mem>>
        %dma_start3A_309 = arith.constant 0 : i32
        %dma_start3A_310 = tpu.memref_slice %arg8[%run_scoped3A_239, %run_scoped3A_240, %run_scoped3A_241, %dma_start3A_309] : memref<2x6x2x120xi32, #tpu.memory_space<vmem>> -> memref<1x1x1x120xi32, #tpu.memory_space<vmem>>
        %dma_start3A_311 = tpu.memref_squeeze %dma_start3A_310 : memref<1x1x1x120xi32, #tpu.memory_space<vmem>> -> memref<120xi32, #tpu.memory_space<vmem>>
        %dma_start3A_312 = arith.constant 0 : i32
        %dma_start3A_313 = arith.constant 0 : i32
        %dma_start3A_314 = tpu.memref_slice %arg7[%dma_start3A_312, %dma_start3A_313] : memref<10008x128xf32, #tpu.memory_space<vmem_shared>> -> memref<10008x128xf32, #tpu.memory_space<vmem_shared>>
        tpu.enqueue_indirect_dma source(%arg11 : memref<120x128xf32, #tpu.memory_space<vmem>>) target(%dma_start3A_314 : memref<10008x128xf32, #tpu.memory_space<vmem_shared>>) offsets(%dma_start3A_311 : memref<120xi32, #tpu.memory_space<vmem>>) semaphore(%run_scoped3A_308 : memref<!tpu.dma_semaphore, #tpu.memory_space<semaphore_mem>>) {add = true}
        %dma_wait3A_315 = arith.constant 0 : i32
        %dma_wait3A_316 = tpu.memref_slice %arg8[%run_scoped3A_239, %run_scoped3A_240, %run_scoped3A_241, %dma_wait3A_315] : memref<2x6x2x120xi32, #tpu.memory_space<vmem>> -> memref<1x1x1x120xi32, #tpu.memory_space<vmem>>
        %dma_wait3A_317 = tpu.memref_squeeze %dma_wait3A_316 : memref<1x1x1x120xi32, #tpu.memory_space<vmem>> -> memref<120xi32, #tpu.memory_space<vmem>>
        %dma_wait3A_318 = arith.constant 0 : i32
        %dma_wait3A_319 = arith.constant 0 : i32
        %dma_wait3A_320 = tpu.memref_slice %arg7[%dma_wait3A_318, %dma_wait3A_319] : memref<10008x128xf32, #tpu.memory_space<vmem_shared>> -> memref<10008x128xf32, #tpu.memory_space<vmem_shared>>
        tpu.wait_indirect_dma semaphore(%run_scoped3A_308 : memref<!tpu.dma_semaphore, #tpu.memory_space<semaphore_mem>>) src(%arg11 : memref<120x128xf32, #tpu.memory_space<vmem>>) dst(%dma_wait3A_320 : memref<10008x128xf32, #tpu.memory_space<vmem_shared>>)
        tpu.yield
      }) : () -> ()
      %dma_start3A_242 = arith.constant 1 : i32
      %dma_start3A_243 = arith.constant 5 : i32
      %dma_start3A_244 = arith.constant 0 : i32
      %dma_start3A_245 = arith.constant 0 : i32
      %dma_start3A_246 = tpu.memref_slice %arg8[%dma_start3A_242, %dma_start3A_243, %dma_start3A_244, %dma_start3A_245] : memref<2x6x2x120xi32, #tpu.memory_space<vmem>> -> memref<1x1x1x120xi32, #tpu.memory_space<vmem>>
      %dma_start3A_247 = tpu.memref_squeeze %dma_start3A_246 : memref<1x1x1x120xi32, #tpu.memory_space<vmem>> -> memref<120xi32, #tpu.memory_space<vmem>>
      %dma_start3A_248 = arith.constant 0 : i32
      %dma_start3A_249 = arith.constant 0 : i32
      %dma_start3A_250 = tpu.memref_slice %arg3[%dma_start3A_248, %dma_start3A_249] : memref<10000x128xf32, #tpu.memory_space<hbm>> -> memref<10000x128xf32, #tpu.memory_space<hbm>>
      tpu.enqueue_indirect_dma source(%dma_start3A_250 : memref<10000x128xf32, #tpu.memory_space<hbm>>) target(%arg11 : memref<120x128xf32, #tpu.memory_space<vmem>>) offsets(%dma_start3A_247 : memref<120xi32, #tpu.memory_space<vmem>>) semaphore(%arg14 : memref<!tpu.dma_semaphore, #tpu.memory_space<semaphore_mem>>)
      %dma_wait3A_251 = arith.constant 1 : i32
      %dma_wait3A_252 = arith.constant 3 : i32
      %dma_wait3A_253 = arith.constant 0 : i32
      %dma_wait3A_254 = arith.constant 0 : i32
      %dma_wait3A_255 = tpu.memref_slice %arg8[%dma_wait3A_251, %dma_wait3A_252, %dma_wait3A_253, %dma_wait3A_254] : memref<2x6x2x120xi32, #tpu.memory_space<vmem>> -> memref<1x1x1x120xi32, #tpu.memory_space<vmem>>
      %dma_wait3A_256 = tpu.memref_squeeze %dma_wait3A_255 : memref<1x1x1x120xi32, #tpu.memory_space<vmem>> -> memref<120xi32, #tpu.memory_space<vmem>>
      %dma_wait3A_257 = arith.constant 0 : i32
      %dma_wait3A_258 = arith.constant 0 : i32
      %dma_wait3A_259 = tpu.memref_slice %arg3[%dma_wait3A_257, %dma_wait3A_258] : memref<10000x128xf32, #tpu.memory_space<hbm>> -> memref<10000x128xf32, #tpu.memory_space<hbm>>
      tpu.wait_indirect_dma semaphore(%arg12 : memref<!tpu.dma_semaphore, #tpu.memory_space<semaphore_mem>>) src(%dma_wait3A_259 : memref<10000x128xf32, #tpu.memory_space<hbm>>) dst(%arg9 : memref<120x128xf32, #tpu.memory_space<vmem>>)
      %run_scoped3A_260 = arith.constant 1 : i32
      %run_scoped3A_261 = arith.constant 3 : i32
      %run_scoped3A_262 = arith.constant 1 : i32
      "tpu.region"() ({
        %run_scoped3A_308 = tpu.sem_alloc : memref<!tpu.dma_semaphore, #tpu.memory_space<semaphore_mem>>
        %dma_start3A_309 = arith.constant 0 : i32
        %dma_start3A_310 = tpu.memref_slice %arg8[%run_scoped3A_260, %run_scoped3A_261, %run_scoped3A_262, %dma_start3A_309] : memref<2x6x2x120xi32, #tpu.memory_space<vmem>> -> memref<1x1x1x120xi32, #tpu.memory_space<vmem>>
        %dma_start3A_311 = tpu.memref_squeeze %dma_start3A_310 : memref<1x1x1x120xi32, #tpu.memory_space<vmem>> -> memref<120xi32, #tpu.memory_space<vmem>>
        %dma_start3A_312 = arith.constant 0 : i32
        %dma_start3A_313 = arith.constant 0 : i32
        %dma_start3A_314 = tpu.memref_slice %arg7[%dma_start3A_312, %dma_start3A_313] : memref<10008x128xf32, #tpu.memory_space<vmem_shared>> -> memref<10008x128xf32, #tpu.memory_space<vmem_shared>>
        tpu.enqueue_indirect_dma source(%arg9 : memref<120x128xf32, #tpu.memory_space<vmem>>) target(%dma_start3A_314 : memref<10008x128xf32, #tpu.memory_space<vmem_shared>>) offsets(%dma_start3A_311 : memref<120xi32, #tpu.memory_space<vmem>>) semaphore(%run_scoped3A_308 : memref<!tpu.dma_semaphore, #tpu.memory_space<semaphore_mem>>) {add = true}
        %dma_wait3A_315 = arith.constant 0 : i32
        %dma_wait3A_316 = tpu.memref_slice %arg8[%run_scoped3A_260, %run_scoped3A_261, %run_scoped3A_262, %dma_wait3A_315] : memref<2x6x2x120xi32, #tpu.memory_space<vmem>> -> memref<1x1x1x120xi32, #tpu.memory_space<vmem>>
        %dma_wait3A_317 = tpu.memref_squeeze %dma_wait3A_316 : memref<1x1x1x120xi32, #tpu.memory_space<vmem>> -> memref<120xi32, #tpu.memory_space<vmem>>
        %dma_wait3A_318 = arith.constant 0 : i32
        %dma_wait3A_319 = arith.constant 0 : i32
        %dma_wait3A_320 = tpu.memref_slice %arg7[%dma_wait3A_318, %dma_wait3A_319] : memref<10008x128xf32, #tpu.memory_space<vmem_shared>> -> memref<10008x128xf32, #tpu.memory_space<vmem_shared>>
        tpu.wait_indirect_dma semaphore(%run_scoped3A_308 : memref<!tpu.dma_semaphore, #tpu.memory_space<semaphore_mem>>) src(%arg9 : memref<120x128xf32, #tpu.memory_space<vmem>>) dst(%dma_wait3A_320 : memref<10008x128xf32, #tpu.memory_space<vmem_shared>>)
        tpu.yield
      }) : () -> ()
      %add3A_263 = arith.constant 1 : i32
      %add3A_264 = arith.addi %add3A_180, %add3A_263 : i32
      %lt3A_265 = arith.constant 28 : i32
      %lt3A_266 = arith.cmpi slt, %add3A_264, %lt3A_265 : i32
      %convert_element_type3A_267 = arith.extui %lt3A_266 : i1 to i32
      %cond3A_268 = arith.constant 0 : i32
      %cond3A_269 = arith.cmpi ne, %convert_element_type3A_267, %cond3A_268 : i32
      scf.if %cond3A_269 {
        %add3A_308 = arith.constant 1 : i32
        %add3A_309 = arith.addi %add3A_180, %add3A_308 : i32
        %dma_wait3A_310 = arith.constant 0 : i32
        %dma_wait3A_311 = arith.constant 0 : i32
        %dma_wait3A_312 = arith.constant 0 : i32
        %dma_wait3A_313 = arith.constant 0 : i32
        %dma_wait3A_314 = tpu.memref_slice %arg8[%dma_wait3A_310, %dma_wait3A_311, %dma_wait3A_312, %dma_wait3A_313] : memref<2x6x2x120xi32, #tpu.memory_space<vmem>> -> memref<1x6x2x120xi32, #tpu.memory_space<vmem>>
        %dma_wait3A_315 = tpu.memref_squeeze %dma_wait3A_314 : memref<1x6x2x120xi32, #tpu.memory_space<vmem>> -> memref<6x2x120xi32, #tpu.memory_space<vmem>>
        %dma_wait3A_316 = arith.constant 0 : i32
        %dma_wait3A_317 = arith.constant 0 : i32
        %dma_wait3A_318 = arith.constant 0 : i32
        %dma_wait3A_319 = tpu.memref_slice %arg2[%add3A, %add3A_309, %dma_wait3A_316, %dma_wait3A_317, %dma_wait3A_318] : memref<32x28x6x2x120xi32, #tpu.memory_space<hbm>> -> memref<1x1x6x2x120xi32, #tpu.memory_space<hbm>>
        %dma_wait3A_320 = tpu.memref_squeeze %dma_wait3A_319 : memref<1x1x6x2x120xi32, #tpu.memory_space<hbm>> -> memref<6x2x120xi32, #tpu.memory_space<hbm>>
        %dma_wait3A_321 = arith.constant 0 : i32
        %dma_wait3A_322 = arith.constant 0 : i32
        %dma_wait3A_323 = arith.constant 0 : i32
        %dma_wait3A_324 = tpu.memref_slice %arg8[%dma_wait3A_310, %dma_wait3A_321, %dma_wait3A_322, %dma_wait3A_323] : memref<2x6x2x120xi32, #tpu.memory_space<vmem>> -> memref<1x6x2x120xi32, #tpu.memory_space<vmem>>
        %dma_wait3A_325 = tpu.memref_squeeze %dma_wait3A_324 : memref<1x6x2x120xi32, #tpu.memory_space<vmem>> -> memref<6x2x120xi32, #tpu.memory_space<vmem>>
        %dma_wait3A_326 = arith.constant 0 : i32
        %dma_wait3A_327 = arith.constant 0 : i32
        %dma_wait3A_328 = arith.constant 0 : i32
        %dma_wait3A_329 = tpu.memref_slice %arg2[%add3A, %add3A_309, %dma_wait3A_326, %dma_wait3A_327, %dma_wait3A_328] : memref<32x28x6x2x120xi32, #tpu.memory_space<hbm>> -> memref<1x1x6x2x120xi32, #tpu.memory_space<hbm>>
        %dma_wait3A_330 = tpu.memref_squeeze %dma_wait3A_329 : memref<1x1x6x2x120xi32, #tpu.memory_space<hbm>> -> memref<6x2x120xi32, #tpu.memory_space<hbm>>
        tpu.wait_dma2 semaphore(%arg15 : memref<!tpu.dma_semaphore, #tpu.memory_space<semaphore_mem>>) src(%dma_wait3A_330 : memref<6x2x120xi32, #tpu.memory_space<hbm>>) dst(%dma_wait3A_325 : memref<6x2x120xi32, #tpu.memory_space<vmem>>)
        %dma_start3A_331 = arith.constant 0 : i32
        %dma_start3A_332 = arith.constant 0 : i32
        %dma_start3A_333 = arith.constant 0 : i32
        %dma_start3A_334 = arith.constant 0 : i32
        %dma_start3A_335 = tpu.memref_slice %arg8[%dma_start3A_331, %dma_start3A_332, %dma_start3A_333, %dma_start3A_334] : memref<2x6x2x120xi32, #tpu.memory_space<vmem>> -> memref<1x1x1x120xi32, #tpu.memory_space<vmem>>
        %dma_start3A_336 = tpu.memref_squeeze %dma_start3A_335 : memref<1x1x1x120xi32, #tpu.memory_space<vmem>> -> memref<120xi32, #tpu.memory_space<vmem>>
        %dma_start3A_337 = arith.constant 0 : i32
        %dma_start3A_338 = arith.constant 0 : i32
        %dma_start3A_339 = tpu.memref_slice %arg3[%dma_start3A_337, %dma_start3A_338] : memref<10000x128xf32, #tpu.memory_space<hbm>> -> memref<10000x128xf32, #tpu.memory_space<hbm>>
        tpu.enqueue_indirect_dma source(%dma_start3A_339 : memref<10000x128xf32, #tpu.memory_space<hbm>>) target(%arg9 : memref<120x128xf32, #tpu.memory_space<vmem>>) offsets(%dma_start3A_336 : memref<120xi32, #tpu.memory_space<vmem>>) semaphore(%arg12 : memref<!tpu.dma_semaphore, #tpu.memory_space<semaphore_mem>>)
      } else {
      }
      %dma_wait3A_270 = arith.constant 1 : i32
      %dma_wait3A_271 = arith.constant 4 : i32
      %dma_wait3A_272 = arith.constant 0 : i32
      %dma_wait3A_273 = arith.constant 0 : i32
      %dma_wait3A_274 = tpu.memref_slice %arg8[%dma_wait3A_270, %dma_wait3A_271, %dma_wait3A_272, %dma_wait3A_273] : memref<2x6x2x120xi32, #tpu.memory_space<vmem>> -> memref<1x1x1x120xi32, #tpu.memory_space<vmem>>
      %dma_wait3A_275 = tpu.memref_squeeze %dma_wait3A_274 : memref<1x1x1x120xi32, #tpu.memory_space<vmem>> -> memref<120xi32, #tpu.memory_space<vmem>>
      %dma_wait3A_276 = arith.constant 0 : i32
      %dma_wait3A_277 = arith.constant 0 : i32
      %dma_wait3A_278 = tpu.memref_slice %arg3[%dma_wait3A_276, %dma_wait3A_277] : memref<10000x128xf32, #tpu.memory_space<hbm>> -> memref<10000x128xf32, #tpu.memory_space<hbm>>
      tpu.wait_indirect_dma semaphore(%arg13 : memref<!tpu.dma_semaphore, #tpu.memory_space<semaphore_mem>>) src(%dma_wait3A_278 : memref<10000x128xf32, #tpu.memory_space<hbm>>) dst(%arg10 : memref<120x128xf32, #tpu.memory_space<vmem>>)
      %run_scoped3A_279 = arith.constant 1 : i32
      %run_scoped3A_280 = arith.constant 4 : i32
      %run_scoped3A_281 = arith.constant 1 : i32
      "tpu.region"() ({
        %run_scoped3A_308 = tpu.sem_alloc : memref<!tpu.dma_semaphore, #tpu.memory_space<semaphore_mem>>
        %dma_start3A_309 = arith.constant 0 : i32
        %dma_start3A_310 = tpu.memref_slice %arg8[%run_scoped3A_279, %run_scoped3A_280, %run_scoped3A_281, %dma_start3A_309] : memref<2x6x2x120xi32, #tpu.memory_space<vmem>> -> memref<1x1x1x120xi32, #tpu.memory_space<vmem>>
        %dma_start3A_311 = tpu.memref_squeeze %dma_start3A_310 : memref<1x1x1x120xi32, #tpu.memory_space<vmem>> -> memref<120xi32, #tpu.memory_space<vmem>>
        %dma_start3A_312 = arith.constant 0 : i32
        %dma_start3A_313 = arith.constant 0 : i32
        %dma_start3A_314 = tpu.memref_slice %arg7[%dma_start3A_312, %dma_start3A_313] : memref<10008x128xf32, #tpu.memory_space<vmem_shared>> -> memref<10008x128xf32, #tpu.memory_space<vmem_shared>>
        tpu.enqueue_indirect_dma source(%arg10 : memref<120x128xf32, #tpu.memory_space<vmem>>) target(%dma_start3A_314 : memref<10008x128xf32, #tpu.memory_space<vmem_shared>>) offsets(%dma_start3A_311 : memref<120xi32, #tpu.memory_space<vmem>>) semaphore(%run_scoped3A_308 : memref<!tpu.dma_semaphore, #tpu.memory_space<semaphore_mem>>) {add = true}
        %dma_wait3A_315 = arith.constant 0 : i32
        %dma_wait3A_316 = tpu.memref_slice %arg8[%run_scoped3A_279, %run_scoped3A_280, %run_scoped3A_281, %dma_wait3A_315] : memref<2x6x2x120xi32, #tpu.memory_space<vmem>> -> memref<1x1x1x120xi32, #tpu.memory_space<vmem>>
        %dma_wait3A_317 = tpu.memref_squeeze %dma_wait3A_316 : memref<1x1x1x120xi32, #tpu.memory_space<vmem>> -> memref<120xi32, #tpu.memory_space<vmem>>
        %dma_wait3A_318 = arith.constant 0 : i32
        %dma_wait3A_319 = arith.constant 0 : i32
        %dma_wait3A_320 = tpu.memref_slice %arg7[%dma_wait3A_318, %dma_wait3A_319] : memref<10008x128xf32, #tpu.memory_space<vmem_shared>> -> memref<10008x128xf32, #tpu.memory_space<vmem_shared>>
        tpu.wait_indirect_dma semaphore(%run_scoped3A_308 : memref<!tpu.dma_semaphore, #tpu.memory_space<semaphore_mem>>) src(%arg10 : memref<120x128xf32, #tpu.memory_space<vmem>>) dst(%dma_wait3A_320 : memref<10008x128xf32, #tpu.memory_space<vmem_shared>>)
        tpu.yield
      }) : () -> ()
      %add3A_282 = arith.constant 1 : i32
      %add3A_283 = arith.addi %add3A_180, %add3A_282 : i32
      %lt3A_284 = arith.constant 28 : i32
      %lt3A_285 = arith.cmpi slt, %add3A_283, %lt3A_284 : i32
      %convert_element_type3A_286 = arith.extui %lt3A_285 : i1 to i32
      %cond3A_287 = arith.constant 0 : i32
      %cond3A_288 = arith.cmpi ne, %convert_element_type3A_286, %cond3A_287 : i32
      scf.if %cond3A_288 {
        %dma_start3A_308 = arith.constant 0 : i32
        %dma_start3A_309 = arith.constant 1 : i32
        %dma_start3A_310 = arith.constant 0 : i32
        %dma_start3A_311 = arith.constant 0 : i32
        %dma_start3A_312 = tpu.memref_slice %arg8[%dma_start3A_308, %dma_start3A_309, %dma_start3A_310, %dma_start3A_311] : memref<2x6x2x120xi32, #tpu.memory_space<vmem>> -> memref<1x1x1x120xi32, #tpu.memory_space<vmem>>
        %dma_start3A_313 = tpu.memref_squeeze %dma_start3A_312 : memref<1x1x1x120xi32, #tpu.memory_space<vmem>> -> memref<120xi32, #tpu.memory_space<vmem>>
        %dma_start3A_314 = arith.constant 0 : i32
        %dma_start3A_315 = arith.constant 0 : i32
        %dma_start3A_316 = tpu.memref_slice %arg3[%dma_start3A_314, %dma_start3A_315] : memref<10000x128xf32, #tpu.memory_space<hbm>> -> memref<10000x128xf32, #tpu.memory_space<hbm>>
        tpu.enqueue_indirect_dma source(%dma_start3A_316 : memref<10000x128xf32, #tpu.memory_space<hbm>>) target(%arg10 : memref<120x128xf32, #tpu.memory_space<vmem>>) offsets(%dma_start3A_313 : memref<120xi32, #tpu.memory_space<vmem>>) semaphore(%arg13 : memref<!tpu.dma_semaphore, #tpu.memory_space<semaphore_mem>>)
      } else {
      }
      %dma_wait3A_289 = arith.constant 1 : i32
      %dma_wait3A_290 = arith.constant 5 : i32
      %dma_wait3A_291 = arith.constant 0 : i32
      %dma_wait3A_292 = arith.constant 0 : i32
      %dma_wait3A_293 = tpu.memref_slice %arg8[%dma_wait3A_289, %dma_wait3A_290, %dma_wait3A_291, %dma_wait3A_292] : memref<2x6x2x120xi32, #tpu.memory_space<vmem>> -> memref<1x1x1x120xi32, #tpu.memory_space<vmem>>
      %dma_wait3A_294 = tpu.memref_squeeze %dma_wait3A_293 : memref<1x1x1x120xi32, #tpu.memory_space<vmem>> -> memref<120xi32, #tpu.memory_space<vmem>>
      %dma_wait3A_295 = arith.constant 0 : i32
      %dma_wait3A_296 = arith.constant 0 : i32
      %dma_wait3A_297 = tpu.memref_slice %arg3[%dma_wait3A_295, %dma_wait3A_296] : memref<10000x128xf32, #tpu.memory_space<hbm>> -> memref<10000x128xf32, #tpu.memory_space<hbm>>
      tpu.wait_indirect_dma semaphore(%arg14 : memref<!tpu.dma_semaphore, #tpu.memory_space<semaphore_mem>>) src(%dma_wait3A_297 : memref<10000x128xf32, #tpu.memory_space<hbm>>) dst(%arg11 : memref<120x128xf32, #tpu.memory_space<vmem>>)
      %run_scoped3A_298 = arith.constant 1 : i32
      %run_scoped3A_299 = arith.constant 5 : i32
      %run_scoped3A_300 = arith.constant 1 : i32
      "tpu.region"() ({
        %run_scoped3A_308 = tpu.sem_alloc : memref<!tpu.dma_semaphore, #tpu.memory_space<semaphore_mem>>
        %dma_start3A_309 = arith.constant 0 : i32
        %dma_start3A_310 = tpu.memref_slice %arg8[%run_scoped3A_298, %run_scoped3A_299, %run_scoped3A_300, %dma_start3A_309] : memref<2x6x2x120xi32, #tpu.memory_space<vmem>> -> memref<1x1x1x120xi32, #tpu.memory_space<vmem>>
        %dma_start3A_311 = tpu.memref_squeeze %dma_start3A_310 : memref<1x1x1x120xi32, #tpu.memory_space<vmem>> -> memref<120xi32, #tpu.memory_space<vmem>>
        %dma_start3A_312 = arith.constant 0 : i32
        %dma_start3A_313 = arith.constant 0 : i32
        %dma_start3A_314 = tpu.memref_slice %arg7[%dma_start3A_312, %dma_start3A_313] : memref<10008x128xf32, #tpu.memory_space<vmem_shared>> -> memref<10008x128xf32, #tpu.memory_space<vmem_shared>>
        tpu.enqueue_indirect_dma source(%arg11 : memref<120x128xf32, #tpu.memory_space<vmem>>) target(%dma_start3A_314 : memref<10008x128xf32, #tpu.memory_space<vmem_shared>>) offsets(%dma_start3A_311 : memref<120xi32, #tpu.memory_space<vmem>>) semaphore(%run_scoped3A_308 : memref<!tpu.dma_semaphore, #tpu.memory_space<semaphore_mem>>) {add = true}
        %dma_wait3A_315 = arith.constant 0 : i32
        %dma_wait3A_316 = tpu.memref_slice %arg8[%run_scoped3A_298, %run_scoped3A_299, %run_scoped3A_300, %dma_wait3A_315] : memref<2x6x2x120xi32, #tpu.memory_space<vmem>> -> memref<1x1x1x120xi32, #tpu.memory_space<vmem>>
        %dma_wait3A_317 = tpu.memref_squeeze %dma_wait3A_316 : memref<1x1x1x120xi32, #tpu.memory_space<vmem>> -> memref<120xi32, #tpu.memory_space<vmem>>
        %dma_wait3A_318 = arith.constant 0 : i32
        %dma_wait3A_319 = arith.constant 0 : i32
        %dma_wait3A_320 = tpu.memref_slice %arg7[%dma_wait3A_318, %dma_wait3A_319] : memref<10008x128xf32, #tpu.memory_space<vmem_shared>> -> memref<10008x128xf32, #tpu.memory_space<vmem_shared>>
        tpu.wait_indirect_dma semaphore(%run_scoped3A_308 : memref<!tpu.dma_semaphore, #tpu.memory_space<semaphore_mem>>) src(%arg11 : memref<120x128xf32, #tpu.memory_space<vmem>>) dst(%dma_wait3A_320 : memref<10008x128xf32, #tpu.memory_space<vmem_shared>>)
        tpu.yield
      }) : () -> ()
      %add3A_301 = arith.constant 1 : i32
      %add3A_302 = arith.addi %add3A_180, %add3A_301 : i32
      %lt3A_303 = arith.constant 28 : i32
      %lt3A_304 = arith.cmpi slt, %add3A_302, %lt3A_303 : i32
      %convert_element_type3A_305 = arith.extui %lt3A_304 : i1 to i32
      %cond3A_306 = arith.constant 0 : i32
      %cond3A_307 = arith.cmpi ne, %convert_element_type3A_305, %cond3A_306 : i32
      scf.if %cond3A_307 {
        %dma_start3A_308 = arith.constant 0 : i32
        %dma_start3A_309 = arith.constant 2 : i32
        %dma_start3A_310 = arith.constant 0 : i32
        %dma_start3A_311 = arith.constant 0 : i32
        %dma_start3A_312 = tpu.memref_slice %arg8[%dma_start3A_308, %dma_start3A_309, %dma_start3A_310, %dma_start3A_311] : memref<2x6x2x120xi32, #tpu.memory_space<vmem>> -> memref<1x1x1x120xi32, #tpu.memory_space<vmem>>
        %dma_start3A_313 = tpu.memref_squeeze %dma_start3A_312 : memref<1x1x1x120xi32, #tpu.memory_space<vmem>> -> memref<120xi32, #tpu.memory_space<vmem>>
        %dma_start3A_314 = arith.constant 0 : i32
        %dma_start3A_315 = arith.constant 0 : i32
        %dma_start3A_316 = tpu.memref_slice %arg3[%dma_start3A_314, %dma_start3A_315] : memref<10000x128xf32, #tpu.memory_space<hbm>> -> memref<10000x128xf32, #tpu.memory_space<hbm>>
        tpu.enqueue_indirect_dma source(%dma_start3A_316 : memref<10000x128xf32, #tpu.memory_space<hbm>>) target(%arg11 : memref<120x128xf32, #tpu.memory_space<vmem>>) offsets(%dma_start3A_313 : memref<120xi32, #tpu.memory_space<vmem>>) semaphore(%arg14 : memref<!tpu.dma_semaphore, #tpu.memory_space<semaphore_mem>>)
      } else {
      }
    }
    %scan3A_40 = arith.constant 14 : i32
    %barrier3A_41 = arith.constant 0 : index
    tpu.barrier barrier_id(%barrier3A_41)
    "tpu.region"() ({
      %run_scoped3A_47 = tpu.sem_alloc : memref<!tpu.dma_semaphore, #tpu.memory_space<semaphore_mem>>
      %dma_start3A_48 = arith.constant 0 : i32
      %dma_start3A_49 = arith.constant 0 : i32
      %dma_start3A_50 = tpu.memref_slice %arg6[%arg0, %dma_start3A_48, %dma_start3A_49] : memref<2x10000x128xf32, #tpu.memory_space<hbm>> -> memref<1x10000x128xf32, #tpu.memory_space<hbm>>
      %dma_start3A_51 = tpu.memref_squeeze %dma_start3A_50 : memref<1x10000x128xf32, #tpu.memory_space<hbm>> -> memref<10000x128xf32, #tpu.memory_space<hbm>>
      %dma_start3A_52 = arith.constant 0 : i32
      %dma_start3A_53 = tpu.memref_slice %dma_start3A_51[%multiple_of3A, %dma_start3A_52] : memref<10000x128xf32, #tpu.memory_space<hbm>> -> memref<624x128xf32, #tpu.memory_space<hbm>>
      %dma_start3A_54 = arith.constant 0 : i32
      %dma_start3A_55 = tpu.memref_slice %arg7[%multiple_of3A, %dma_start3A_54] : memref<10008x128xf32, #tpu.memory_space<vmem_shared>> -> memref<624x128xf32, #tpu.memory_space<vmem_shared>>
      tpu.enqueue_dma source(%dma_start3A_55 : memref<624x128xf32, #tpu.memory_space<vmem_shared>>) target(%dma_start3A_53 : memref<624x128xf32, #tpu.memory_space<hbm>>) target_semaphore(%run_scoped3A_47 : memref<!tpu.dma_semaphore, #tpu.memory_space<semaphore_mem>>)
      %dma_wait3A = arith.constant 0 : i32
      %dma_wait3A_56 = arith.constant 0 : i32
      %dma_wait3A_57 = tpu.memref_slice %arg6[%arg0, %dma_wait3A, %dma_wait3A_56] : memref<2x10000x128xf32, #tpu.memory_space<hbm>> -> memref<1x10000x128xf32, #tpu.memory_space<hbm>>
      %dma_wait3A_58 = tpu.memref_squeeze %dma_wait3A_57 : memref<1x10000x128xf32, #tpu.memory_space<hbm>> -> memref<10000x128xf32, #tpu.memory_space<hbm>>
      %dma_wait3A_59 = arith.constant 0 : i32
      %dma_wait3A_60 = tpu.memref_slice %dma_wait3A_58[%multiple_of3A, %dma_wait3A_59] : memref<10000x128xf32, #tpu.memory_space<hbm>> -> memref<624x128xf32, #tpu.memory_space<hbm>>
      %dma_wait3A_61 = arith.constant 0 : i32
      %dma_wait3A_62 = tpu.memref_slice %arg7[%multiple_of3A, %dma_wait3A_61] : memref<10008x128xf32, #tpu.memory_space<vmem_shared>> -> memref<624x128xf32, #tpu.memory_space<vmem_shared>>
      tpu.wait_dma2 semaphore(%run_scoped3A_47 : memref<!tpu.dma_semaphore, #tpu.memory_space<semaphore_mem>>) src(%dma_wait3A_62 : memref<624x128xf32, #tpu.memory_space<vmem_shared>>) dst(%dma_wait3A_60 : memref<624x128xf32, #tpu.memory_space<hbm>>)
      tpu.yield
    }) : () -> ()
    %eq3A_42 = arith.constant 15 : i32
    %eq3A_43 = arith.cmpi eq, %arg1, %eq3A_42 : i32
    %convert_element_type3A_44 = arith.extui %eq3A_43 : i1 to i32
    %cond3A_45 = arith.constant 0 : i32
    %cond3A_46 = arith.cmpi ne, %convert_element_type3A_44, %cond3A_45 : i32
    scf.if %cond3A_46 {
      "tpu.region"() ({
        %run_scoped3A_47 = tpu.sem_alloc : memref<!tpu.dma_semaphore, #tpu.memory_space<semaphore_mem>>
        %dma_start3A_48 = arith.constant 0 : i32
        %dma_start3A_49 = arith.constant 0 : i32
        %dma_start3A_50 = tpu.memref_slice %arg6[%arg0, %dma_start3A_48, %dma_start3A_49] : memref<2x10000x128xf32, #tpu.memory_space<hbm>> -> memref<1x10000x128xf32, #tpu.memory_space<hbm>>
        %dma_start3A_51 = tpu.memref_squeeze %dma_start3A_50 : memref<1x10000x128xf32, #tpu.memory_space<hbm>> -> memref<10000x128xf32, #tpu.memory_space<hbm>>
        %dma_start3A_52 = arith.constant 9984 : i32
        %dma_start3A_53 = arith.constant 0 : i32
        %dma_start3A_54 = tpu.memref_slice %dma_start3A_51[%dma_start3A_52, %dma_start3A_53] : memref<10000x128xf32, #tpu.memory_space<hbm>> -> memref<16x128xf32, #tpu.memory_space<hbm>>
        %dma_start3A_55 = arith.constant 9984 : i32
        %dma_start3A_56 = arith.constant 0 : i32
        %dma_start3A_57 = tpu.memref_slice %arg7[%dma_start3A_55, %dma_start3A_56] : memref<10008x128xf32, #tpu.memory_space<vmem_shared>> -> memref<16x128xf32, #tpu.memory_space<vmem_shared>>
        tpu.enqueue_dma source(%dma_start3A_57 : memref<16x128xf32, #tpu.memory_space<vmem_shared>>) target(%dma_start3A_54 : memref<16x128xf32, #tpu.memory_space<hbm>>) target_semaphore(%run_scoped3A_47 : memref<!tpu.dma_semaphore, #tpu.memory_space<semaphore_mem>>)
        %dma_wait3A = arith.constant 0 : i32
        %dma_wait3A_58 = arith.constant 0 : i32
        %dma_wait3A_59 = tpu.memref_slice %arg6[%arg0, %dma_wait3A, %dma_wait3A_58] : memref<2x10000x128xf32, #tpu.memory_space<hbm>> -> memref<1x10000x128xf32, #tpu.memory_space<hbm>>
        %dma_wait3A_60 = tpu.memref_squeeze %dma_wait3A_59 : memref<1x10000x128xf32, #tpu.memory_space<hbm>> -> memref<10000x128xf32, #tpu.memory_space<hbm>>
        %dma_wait3A_61 = arith.constant 9984 : i32
        %dma_wait3A_62 = arith.constant 0 : i32
        %dma_wait3A_63 = tpu.memref_slice %dma_wait3A_60[%dma_wait3A_61, %dma_wait3A_62] : memref<10000x128xf32, #tpu.memory_space<hbm>> -> memref<16x128xf32, #tpu.memory_space<hbm>>
        %dma_wait3A_64 = arith.constant 9984 : i32
        %dma_wait3A_65 = arith.constant 0 : i32
        %dma_wait3A_66 = tpu.memref_slice %arg7[%dma_wait3A_64, %dma_wait3A_65] : memref<10008x128xf32, #tpu.memory_space<vmem_shared>> -> memref<16x128xf32, #tpu.memory_space<vmem_shared>>
        tpu.wait_dma2 semaphore(%run_scoped3A_47 : memref<!tpu.dma_semaphore, #tpu.memory_space<semaphore_mem>>) src(%dma_wait3A_66 : memref<16x128xf32, #tpu.memory_space<vmem_shared>>) dst(%dma_wait3A_63 : memref<16x128xf32, #tpu.memory_space<hbm>>)
        tpu.yield
      }) : () -> ()
    } else {
    }
    return
  }
}

#map = affine_map<(d0, d1) -> (0, 0, 0, 0, 0)>
#map1 = affine_map<(d0, d1) -> (0, 0)>
#map2 = affine_map<(d0, d1) -> (0, 0, 0)>
module attributes {stable_mosaic.version = 14 : i64} {
  func.func @body(%arg0: i32, %arg1: i32, %arg2: memref<32x28x6x2x120xi32, #tpu.memory_space<hbm>>, %arg3: memref<10000x128xf32, #tpu.memory_space<hbm>>, %arg4: memref<10000x128xf32, #tpu.memory_space<hbm>>, %arg5: memref<10000x128xf32, #tpu.memory_space<hbm>>, %arg6: memref<2x10000x128xf32, #tpu.memory_space<hbm>>, %arg7: memref<10008x128xf32, #tpu.memory_space<vmem_shared>>, %arg8: memref<2x6x2x120xi32, #tpu.memory_space<vmem>>, %arg9: memref<120x128xf32, #tpu.memory_space<vmem>>, %arg10: memref<120x128xf32, #tpu.memory_space<vmem>>, %arg11: memref<120x128xf32, #tpu.memory_space<vmem>>, %arg12: memref<!tpu.dma_semaphore, #tpu.memory_space<semaphore_mem>>, %arg13: memref<!tpu.dma_semaphore, #tpu.memory_space<semaphore_mem>>, %arg14: memref<!tpu.dma_semaphore, #tpu.memory_space<semaphore_mem>>, %arg15: memref<!tpu.dma_semaphore, #tpu.memory_space<semaphore_mem>>, %arg16: memref<!tpu.dma_semaphore, #tpu.memory_space<semaphore_mem>>) attributes {dimension_semantics = [#tpu.dimension_semantics<core_parallel>, #tpu.dimension_semantics<subcore_parallel>], iteration_bounds = array<i64: 2, 16>, scalar_prefetch = 0 : i64, scratch_operands = 10 : i64, tpu.core_type = #tpu.core_type<sc_vector_subcore>, window_params = [{transform_indices = #map}, {transform_indices = #map1}, {transform_indices = #map1}, {transform_indices = #map1}, {transform_indices = #map2}]} {
    %mul3A = arith.constant 16 : i32
    %mul3A_0 = arith.muli %arg0, %mul3A : i32
    %add3A = arith.addi %mul3A_0, %arg1 : i32
    %mul3A_1 = arith.constant 624 : i32
    %mul3A_2 = arith.muli %arg1, %mul3A_1 : i32
    %multiple_of3A = tpu.assume_multiple %mul3A_2, 8 : i32
    %eq3A = arith.constant 0 : i32
    %eq3A_3 = arith.cmpi eq, %arg0, %eq3A : i32
    %convert_element_type3A = arith.extui %eq3A_3 : i1 to i32
    %cond3A = arith.constant 0 : i32
    %cond3A_4 = arith.cmpi ne, %convert_element_type3A, %cond3A : i32
    scf.if %cond3A_4 {
      "tpu.region"() ({
        %run_scoped3A_52 = tpu.sem_alloc : memref<!tpu.dma_semaphore, #tpu.memory_space<semaphore_mem>>
        %dma_start3A_53 = arith.constant 0 : i32
        %dma_start3A_54 = tpu.memref_slice %arg7[%multiple_of3A, %dma_start3A_53] : memref<10008x128xf32, #tpu.memory_space<vmem_shared>> -> memref<624x128xf32, #tpu.memory_space<vmem_shared>>
        %dma_start3A_55 = arith.constant 0 : i32
        %dma_start3A_56 = tpu.memref_slice %arg4[%multiple_of3A, %dma_start3A_55] : memref<10000x128xf32, #tpu.memory_space<hbm>> -> memref<624x128xf32, #tpu.memory_space<hbm>>
        tpu.enqueue_dma source(%dma_start3A_56 : memref<624x128xf32, #tpu.memory_space<hbm>>) target(%dma_start3A_54 : memref<624x128xf32, #tpu.memory_space<vmem_shared>>) target_semaphore(%run_scoped3A_52 : memref<!tpu.dma_semaphore, #tpu.memory_space<semaphore_mem>>)
        %dma_wait3A = arith.constant 0 : i32
        %dma_wait3A_57 = tpu.memref_slice %arg7[%multiple_of3A, %dma_wait3A] : memref<10008x128xf32, #tpu.memory_space<vmem_shared>> -> memref<624x128xf32, #tpu.memory_space<vmem_shared>>
        %dma_wait3A_58 = arith.constant 0 : i32
        %dma_wait3A_59 = tpu.memref_slice %arg4[%multiple_of3A, %dma_wait3A_58] : memref<10000x128xf32, #tpu.memory_space<hbm>> -> memref<624x128xf32, #tpu.memory_space<hbm>>
        tpu.wait_dma2 semaphore(%run_scoped3A_52 : memref<!tpu.dma_semaphore, #tpu.memory_space<semaphore_mem>>) src(%dma_wait3A_59 : memref<624x128xf32, #tpu.memory_space<hbm>>) dst(%dma_wait3A_57 : memref<624x128xf32, #tpu.memory_space<vmem_shared>>)
        tpu.yield
      }) : () -> ()
      %eq3A_47 = arith.constant 15 : i32
      %eq3A_48 = arith.cmpi eq, %arg1, %eq3A_47 : i32
      %convert_element_type3A_49 = arith.extui %eq3A_48 : i1 to i32
      %cond3A_50 = arith.constant 0 : i32
      %cond3A_51 = arith.cmpi ne, %convert_element_type3A_49, %cond3A_50 : i32
      scf.if %cond3A_51 {
        "tpu.region"() ({
          %run_scoped3A_52 = tpu.sem_alloc : memref<!tpu.dma_semaphore, #tpu.memory_space<semaphore_mem>>
          %dma_start3A_53 = arith.constant 9984 : i32
          %dma_start3A_54 = arith.constant 0 : i32
          %dma_start3A_55 = tpu.memref_slice %arg7[%dma_start3A_53, %dma_start3A_54] : memref<10008x128xf32, #tpu.memory_space<vmem_shared>> -> memref<16x128xf32, #tpu.memory_space<vmem_shared>>
          %dma_start3A_56 = arith.constant 9984 : i32
          %dma_start3A_57 = arith.constant 0 : i32
          %dma_start3A_58 = tpu.memref_slice %arg4[%dma_start3A_56, %dma_start3A_57] : memref<10000x128xf32, #tpu.memory_space<hbm>> -> memref<16x128xf32, #tpu.memory_space<hbm>>
          tpu.enqueue_dma source(%dma_start3A_58 : memref<16x128xf32, #tpu.memory_space<hbm>>) target(%dma_start3A_55 : memref<16x128xf32, #tpu.memory_space<vmem_shared>>) target_semaphore(%run_scoped3A_52 : memref<!tpu.dma_semaphore, #tpu.memory_space<semaphore_mem>>)
          %dma_wait3A = arith.constant 9984 : i32
          %dma_wait3A_59 = arith.constant 0 : i32
          %dma_wait3A_60 = tpu.memref_slice %arg7[%dma_wait3A, %dma_wait3A_59] : memref<10008x128xf32, #tpu.memory_space<vmem_shared>> -> memref<16x128xf32, #tpu.memory_space<vmem_shared>>
          %dma_wait3A_61 = arith.constant 9984 : i32
          %dma_wait3A_62 = arith.constant 0 : i32
          %dma_wait3A_63 = tpu.memref_slice %arg4[%dma_wait3A_61, %dma_wait3A_62] : memref<10000x128xf32, #tpu.memory_space<hbm>> -> memref<16x128xf32, #tpu.memory_space<hbm>>
          tpu.wait_dma2 semaphore(%run_scoped3A_52 : memref<!tpu.dma_semaphore, #tpu.memory_space<semaphore_mem>>) src(%dma_wait3A_63 : memref<16x128xf32, #tpu.memory_space<hbm>>) dst(%dma_wait3A_60 : memref<16x128xf32, #tpu.memory_space<vmem_shared>>)
          tpu.yield
        }) : () -> ()
      } else {
      }
    } else {
    }
    %ne3A = arith.constant 0 : i32
    %ne3A_5 = arith.cmpi ne, %arg0, %ne3A : i32
    %convert_element_type3A_6 = arith.extui %ne3A_5 : i1 to i32
    %cond3A_7 = arith.constant 0 : i32
    %cond3A_8 = arith.cmpi ne, %convert_element_type3A_6, %cond3A_7 : i32
    scf.if %cond3A_8 {
      "tpu.region"() ({
        %run_scoped3A_52 = tpu.sem_alloc : memref<!tpu.dma_semaphore, #tpu.memory_space<semaphore_mem>>
        %dma_start3A_53 = arith.constant 0 : i32
        %dma_start3A_54 = tpu.memref_slice %arg7[%multiple_of3A, %dma_start3A_53] : memref<10008x128xf32, #tpu.memory_space<vmem_shared>> -> memref<624x128xf32, #tpu.memory_space<vmem_shared>>
        %dma_start3A_55 = arith.constant 0 : i32
        %dma_start3A_56 = tpu.memref_slice %arg5[%multiple_of3A, %dma_start3A_55] : memref<10000x128xf32, #tpu.memory_space<hbm>> -> memref<624x128xf32, #tpu.memory_space<hbm>>
        tpu.enqueue_dma source(%dma_start3A_56 : memref<624x128xf32, #tpu.memory_space<hbm>>) target(%dma_start3A_54 : memref<624x128xf32, #tpu.memory_space<vmem_shared>>) target_semaphore(%run_scoped3A_52 : memref<!tpu.dma_semaphore, #tpu.memory_space<semaphore_mem>>)
        %dma_wait3A = arith.constant 0 : i32
        %dma_wait3A_57 = tpu.memref_slice %arg7[%multiple_of3A, %dma_wait3A] : memref<10008x128xf32, #tpu.memory_space<vmem_shared>> -> memref<624x128xf32, #tpu.memory_space<vmem_shared>>
        %dma_wait3A_58 = arith.constant 0 : i32
        %dma_wait3A_59 = tpu.memref_slice %arg5[%multiple_of3A, %dma_wait3A_58] : memref<10000x128xf32, #tpu.memory_space<hbm>> -> memref<624x128xf32, #tpu.memory_space<hbm>>
        tpu.wait_dma2 semaphore(%run_scoped3A_52 : memref<!tpu.dma_semaphore, #tpu.memory_space<semaphore_mem>>) src(%dma_wait3A_59 : memref<624x128xf32, #tpu.memory_space<hbm>>) dst(%dma_wait3A_57 : memref<624x128xf32, #tpu.memory_space<vmem_shared>>)
        tpu.yield
      }) : () -> ()
      %eq3A_47 = arith.constant 15 : i32
      %eq3A_48 = arith.cmpi eq, %arg1, %eq3A_47 : i32
      %convert_element_type3A_49 = arith.extui %eq3A_48 : i1 to i32
      %cond3A_50 = arith.constant 0 : i32
      %cond3A_51 = arith.cmpi ne, %convert_element_type3A_49, %cond3A_50 : i32
      scf.if %cond3A_51 {
        "tpu.region"() ({
          %run_scoped3A_52 = tpu.sem_alloc : memref<!tpu.dma_semaphore, #tpu.memory_space<semaphore_mem>>
          %dma_start3A_53 = arith.constant 9984 : i32
          %dma_start3A_54 = arith.constant 0 : i32
          %dma_start3A_55 = tpu.memref_slice %arg7[%dma_start3A_53, %dma_start3A_54] : memref<10008x128xf32, #tpu.memory_space<vmem_shared>> -> memref<16x128xf32, #tpu.memory_space<vmem_shared>>
          %dma_start3A_56 = arith.constant 9984 : i32
          %dma_start3A_57 = arith.constant 0 : i32
          %dma_start3A_58 = tpu.memref_slice %arg5[%dma_start3A_56, %dma_start3A_57] : memref<10000x128xf32, #tpu.memory_space<hbm>> -> memref<16x128xf32, #tpu.memory_space<hbm>>
          tpu.enqueue_dma source(%dma_start3A_58 : memref<16x128xf32, #tpu.memory_space<hbm>>) target(%dma_start3A_55 : memref<16x128xf32, #tpu.memory_space<vmem_shared>>) target_semaphore(%run_scoped3A_52 : memref<!tpu.dma_semaphore, #tpu.memory_space<semaphore_mem>>)
          %dma_wait3A = arith.constant 9984 : i32
          %dma_wait3A_59 = arith.constant 0 : i32
          %dma_wait3A_60 = tpu.memref_slice %arg7[%dma_wait3A, %dma_wait3A_59] : memref<10008x128xf32, #tpu.memory_space<vmem_shared>> -> memref<16x128xf32, #tpu.memory_space<vmem_shared>>
          %dma_wait3A_61 = arith.constant 9984 : i32
          %dma_wait3A_62 = arith.constant 0 : i32
          %dma_wait3A_63 = tpu.memref_slice %arg5[%dma_wait3A_61, %dma_wait3A_62] : memref<10000x128xf32, #tpu.memory_space<hbm>> -> memref<16x128xf32, #tpu.memory_space<hbm>>
          tpu.wait_dma2 semaphore(%run_scoped3A_52 : memref<!tpu.dma_semaphore, #tpu.memory_space<semaphore_mem>>) src(%dma_wait3A_63 : memref<16x128xf32, #tpu.memory_space<hbm>>) dst(%dma_wait3A_60 : memref<16x128xf32, #tpu.memory_space<vmem_shared>>)
          tpu.yield
        }) : () -> ()
      } else {
      }
    } else {
    }
    %run_scoped3A = arith.constant 0 : i32
    %run_scoped3A_9 = arith.constant 0 : i32
    "tpu.region"() ({
      %run_scoped3A_47 = tpu.sem_alloc : memref<!tpu.dma_semaphore, #tpu.memory_space<semaphore_mem>>
      %dma_start3A_48 = arith.constant 0 : i32
      %dma_start3A_49 = arith.constant 0 : i32
      %dma_start3A_50 = arith.constant 0 : i32
      %dma_start3A_51 = tpu.memref_slice %arg8[%run_scoped3A_9, %dma_start3A_48, %dma_start3A_49, %dma_start3A_50] : memref<2x6x2x120xi32, #tpu.memory_space<vmem>> -> memref<1x6x2x120xi32, #tpu.memory_space<vmem>>
      %dma_start3A_52 = tpu.memref_squeeze %dma_start3A_51 : memref<1x6x2x120xi32, #tpu.memory_space<vmem>> -> memref<6x2x120xi32, #tpu.memory_space<vmem>>
      %dma_start3A_53 = arith.constant 0 : i32
      %dma_start3A_54 = arith.constant 0 : i32
      %dma_start3A_55 = arith.constant 0 : i32
      %dma_start3A_56 = tpu.memref_slice %arg2[%add3A, %run_scoped3A, %dma_start3A_53, %dma_start3A_54, %dma_start3A_55] : memref<32x28x6x2x120xi32, #tpu.memory_space<hbm>> -> memref<1x1x6x2x120xi32, #tpu.memory_space<hbm>>
      %dma_start3A_57 = tpu.memref_squeeze %dma_start3A_56 : memref<1x1x6x2x120xi32, #tpu.memory_space<hbm>> -> memref<6x2x120xi32, #tpu.memory_space<hbm>>
      %dma_start3A_58 = arith.constant 0 : i32
      %dma_start3A_59 = arith.constant 0 : i32
      %dma_start3A_60 = arith.constant 0 : i32
      %dma_start3A_61 = tpu.memref_slice %arg8[%run_scoped3A_9, %dma_start3A_58, %dma_start3A_59, %dma_start3A_60] : memref<2x6x2x120xi32, #tpu.memory_space<vmem>> -> memref<1x6x2x120xi32, #tpu.memory_space<vmem>>
      %dma_start3A_62 = tpu.memref_squeeze %dma_start3A_61 : memref<1x6x2x120xi32, #tpu.memory_space<vmem>> -> memref<6x2x120xi32, #tpu.memory_space<vmem>>
      %dma_start3A_63 = arith.constant 0 : i32
      %dma_start3A_64 = arith.constant 0 : i32
      %dma_start3A_65 = arith.constant 0 : i32
      %dma_start3A_66 = tpu.memref_slice %arg2[%add3A, %run_scoped3A, %dma_start3A_63, %dma_start3A_64, %dma_start3A_65] : memref<32x28x6x2x120xi32, #tpu.memory_space<hbm>> -> memref<1x1x6x2x120xi32, #tpu.memory_space<hbm>>
      %dma_start3A_67 = tpu.memref_squeeze %dma_start3A_66 : memref<1x1x6x2x120xi32, #tpu.memory_space<hbm>> -> memref<6x2x120xi32, #tpu.memory_space<hbm>>
      tpu.enqueue_dma source(%dma_start3A_67 : memref<6x2x120xi32, #tpu.memory_space<hbm>>) target(%dma_start3A_62 : memref<6x2x120xi32, #tpu.memory_space<vmem>>) target_semaphore(%run_scoped3A_47 : memref<!tpu.dma_semaphore, #tpu.memory_space<semaphore_mem>>)
      %dma_wait3A = arith.constant 0 : i32
      %dma_wait3A_68 = arith.constant 0 : i32
      %dma_wait3A_69 = arith.constant 0 : i32
      %dma_wait3A_70 = tpu.memref_slice %arg8[%run_scoped3A_9, %dma_wait3A, %dma_wait3A_68, %dma_wait3A_69] : memref<2x6x2x120xi32, #tpu.memory_space<vmem>> -> memref<1x6x2x120xi32, #tpu.memory_space<vmem>>
      %dma_wait3A_71 = tpu.memref_squeeze %dma_wait3A_70 : memref<1x6x2x120xi32, #tpu.memory_space<vmem>> -> memref<6x2x120xi32, #tpu.memory_space<vmem>>
      %dma_wait3A_72 = arith.constant 0 : i32
      %dma_wait3A_73 = arith.constant 0 : i32
      %dma_wait3A_74 = arith.constant 0 : i32
      %dma_wait3A_75 = tpu.memref_slice %arg2[%add3A, %run_scoped3A, %dma_wait3A_72, %dma_wait3A_73, %dma_wait3A_74] : memref<32x28x6x2x120xi32, #tpu.memory_space<hbm>> -> memref<1x1x6x2x120xi32, #tpu.memory_space<hbm>>
      %dma_wait3A_76 = tpu.memref_squeeze %dma_wait3A_75 : memref<1x1x6x2x120xi32, #tpu.memory_space<hbm>> -> memref<6x2x120xi32, #tpu.memory_space<hbm>>
      %dma_wait3A_77 = arith.constant 0 : i32
      %dma_wait3A_78 = arith.constant 0 : i32
      %dma_wait3A_79 = arith.constant 0 : i32
      %dma_wait3A_80 = tpu.memref_slice %arg8[%run_scoped3A_9, %dma_wait3A_77, %dma_wait3A_78, %dma_wait3A_79] : memref<2x6x2x120xi32, #tpu.memory_space<vmem>> -> memref<1x6x2x120xi32, #tpu.memory_space<vmem>>
      %dma_wait3A_81 = tpu.memref_squeeze %dma_wait3A_80 : memref<1x6x2x120xi32, #tpu.memory_space<vmem>> -> memref<6x2x120xi32, #tpu.memory_space<vmem>>
      %dma_wait3A_82 = arith.constant 0 : i32
      %dma_wait3A_83 = arith.constant 0 : i32
      %dma_wait3A_84 = arith.constant 0 : i32
      %dma_wait3A_85 = tpu.memref_slice %arg2[%add3A, %run_scoped3A, %dma_wait3A_82, %dma_wait3A_83, %dma_wait3A_84] : memref<32x28x6x2x120xi32, #tpu.memory_space<hbm>> -> memref<1x1x6x2x120xi32, #tpu.memory_space<hbm>>
      %dma_wait3A_86 = tpu.memref_squeeze %dma_wait3A_85 : memref<1x1x6x2x120xi32, #tpu.memory_space<hbm>> -> memref<6x2x120xi32, #tpu.memory_space<hbm>>
      tpu.wait_dma2 semaphore(%run_scoped3A_47 : memref<!tpu.dma_semaphore, #tpu.memory_space<semaphore_mem>>) src(%dma_wait3A_86 : memref<6x2x120xi32, #tpu.memory_space<hbm>>) dst(%dma_wait3A_81 : memref<6x2x120xi32, #tpu.memory_space<vmem>>)
      tpu.yield
    }) : () -> ()
    %dma_start3A = arith.constant 0 : i32
    %dma_start3A_10 = arith.constant 0 : i32
    %dma_start3A_11 = arith.constant 0 : i32
    %dma_start3A_12 = arith.constant 0 : i32
    %dma_start3A_13 = tpu.memref_slice %arg8[%dma_start3A, %dma_start3A_10, %dma_start3A_11, %dma_start3A_12] : memref<2x6x2x120xi32, #tpu.memory_space<vmem>> -> memref<1x1x1x120xi32, #tpu.memory_space<vmem>>
    %dma_start3A_14 = tpu.memref_squeeze %dma_start3A_13 : memref<1x1x1x120xi32, #tpu.memory_space<vmem>> -> memref<120xi32, #tpu.memory_space<vmem>>
    %dma_start3A_15 = arith.constant 0 : i32
    %dma_start3A_16 = arith.constant 0 : i32
    %dma_start3A_17 = tpu.memref_slice %arg3[%dma_start3A_15, %dma_start3A_16] : memref<10000x128xf32, #tpu.memory_space<hbm>> -> memref<10000x128xf32, #tpu.memory_space<hbm>>
    tpu.enqueue_indirect_dma source(%dma_start3A_17 : memref<10000x128xf32, #tpu.memory_space<hbm>>) target(%arg9 : memref<120x128xf32, #tpu.memory_space<vmem>>) offsets(%dma_start3A_14 : memref<120xi32, #tpu.memory_space<vmem>>) semaphore(%arg12 : memref<!tpu.dma_semaphore, #tpu.memory_space<semaphore_mem>>)
    %dma_start3A_18 = arith.constant 0 : i32
    %dma_start3A_19 = arith.constant 1 : i32
    %dma_start3A_20 = arith.constant 0 : i32
    %dma_start3A_21 = arith.constant 0 : i32
    %dma_start3A_22 = tpu.memref_slice %arg8[%dma_start3A_18, %dma_start3A_19, %dma_start3A_20, %dma_start3A_21] : memref<2x6x2x120xi32, #tpu.memory_space<vmem>> -> memref<1x1x1x120xi32, #tpu.memory_space<vmem>>
    %dma_start3A_23 = tpu.memref_squeeze %dma_start3A_22 : memref<1x1x1x120xi32, #tpu.memory_space<vmem>> -> memref<120xi32, #tpu.memory_space<vmem>>
    %dma_start3A_24 = arith.constant 0 : i32
    %dma_start3A_25 = arith.constant 0 : i32
    %dma_start3A_26 = tpu.memref_slice %arg3[%dma_start3A_24, %dma_start3A_25] : memref<10000x128xf32, #tpu.memory_space<hbm>> -> memref<10000x128xf32, #tpu.memory_space<hbm>>
    tpu.enqueue_indirect_dma source(%dma_start3A_26 : memref<10000x128xf32, #tpu.memory_space<hbm>>) target(%arg10 : memref<120x128xf32, #tpu.memory_space<vmem>>) offsets(%dma_start3A_23 : memref<120xi32, #tpu.memory_space<vmem>>) semaphore(%arg13 : memref<!tpu.dma_semaphore, #tpu.memory_space<semaphore_mem>>)
    %dma_start3A_27 = arith.constant 0 : i32
    %dma_start3A_28 = arith.constant 2 : i32
    %dma_start3A_29 = arith.constant 0 : i32
    %dma_start3A_30 = arith.constant 0 : i32
    %dma_start3A_31 = tpu.memref_slice %arg8[%dma_start3A_27, %dma_start3A_28, %dma_start3A_29, %dma_start3A_30] : memref<2x6x2x120xi32, #tpu.memory_space<vmem>> -> memref<1x1x1x120xi32, #tpu.memory_space<vmem>>
    %dma_start3A_32 = tpu.memref_squeeze %dma_start3A_31 : memref<1x1x1x120xi32, #tpu.memory_space<vmem>> -> memref<120xi32, #tpu.memory_space<vmem>>
    %dma_start3A_33 = arith.constant 0 : i32
    %dma_start3A_34 = arith.constant 0 : i32
    %dma_start3A_35 = tpu.memref_slice %arg3[%dma_start3A_33, %dma_start3A_34] : memref<10000x128xf32, #tpu.memory_space<hbm>> -> memref<10000x128xf32, #tpu.memory_space<hbm>>
    tpu.enqueue_indirect_dma source(%dma_start3A_35 : memref<10000x128xf32, #tpu.memory_space<hbm>>) target(%arg11 : memref<120x128xf32, #tpu.memory_space<vmem>>) offsets(%dma_start3A_32 : memref<120xi32, #tpu.memory_space<vmem>>) semaphore(%arg14 : memref<!tpu.dma_semaphore, #tpu.memory_space<semaphore_mem>>)
    %barrier3A = arith.constant 0 : index
    tpu.barrier barrier_id(%barrier3A)
    %scan3A = arith.constant 0 : i32
    %scan3A_36 = arith.constant 0 : i32
    %scan3A_37 = arith.constant 14 : i32
    %scan3A_38 = arith.addi %scan3A_36, %scan3A_37 : i32
    %scan3A_39 = arith.constant 1 : i32
    scf.for %scan3A_47 = %scan3A_36 to %scan3A_38 step %scan3A_39  : i32 {
      %mul3A_48 = arith.constant 2 : i32
      %mul3A_49 = arith.muli %mul3A_48, %scan3A_47 : i32
      %add3A_50 = arith.constant 0 : i32
      %add3A_51 = arith.addi %mul3A_49, %add3A_50 : i32
      %add3A_52 = arith.constant 1 : i32
      %add3A_53 = arith.addi %add3A_51, %add3A_52 : i32
      %lt3A = arith.constant 28 : i32
      %lt3A_54 = arith.cmpi slt, %add3A_53, %lt3A : i32
      %convert_element_type3A_55 = arith.extui %lt3A_54 : i1 to i32
      %cond3A_56 = arith.constant 0 : i32
      %cond3A_57 = arith.cmpi ne, %convert_element_type3A_55, %cond3A_56 : i32
      scf.if %cond3A_57 {
        %add3A_308 = arith.constant 1 : i32
        %add3A_309 = arith.addi %add3A_51, %add3A_308 : i32
        %dma_start3A_310 = arith.constant 1 : i32
        %dma_start3A_311 = arith.constant 0 : i32
        %dma_start3A_312 = arith.constant 0 : i32
        %dma_start3A_313 = arith.constant 0 : i32
        %dma_start3A_314 = tpu.memref_slice %arg8[%dma_start3A_310, %dma_start3A_311, %dma_start3A_312, %dma_start3A_313] : memref<2x6x2x120xi32, #tpu.memory_space<vmem>> -> memref<1x6x2x120xi32, #tpu.memory_space<vmem>>
        %dma_start3A_315 = tpu.memref_squeeze %dma_start3A_314 : memref<1x6x2x120xi32, #tpu.memory_space<vmem>> -> memref<6x2x120xi32, #tpu.memory_space<vmem>>
        %dma_start3A_316 = arith.constant 0 : i32
        %dma_start3A_317 = arith.constant 0 : i32
        %dma_start3A_318 = arith.constant 0 : i32
        %dma_start3A_319 = tpu.memref_slice %arg2[%add3A, %add3A_309, %dma_start3A_316, %dma_start3A_317, %dma_start3A_318] : memref<32x28x6x2x120xi32, #tpu.memory_space<hbm>> -> memref<1x1x6x2x120xi32, #tpu.memory_space<hbm>>
        %dma_start3A_320 = tpu.memref_squeeze %dma_start3A_319 : memref<1x1x6x2x120xi32, #tpu.memory_space<hbm>> -> memref<6x2x120xi32, #tpu.memory_space<hbm>>
        %dma_start3A_321 = arith.constant 0 : i32
        %dma_start3A_322 = arith.constant 0 : i32
        %dma_start3A_323 = arith.constant 0 : i32
        %dma_start3A_324 = tpu.memref_slice %arg8[%dma_start3A_310, %dma_start3A_321, %dma_start3A_322, %dma_start3A_323] : memref<2x6x2x120xi32, #tpu.memory_space<vmem>> -> memref<1x6x2x120xi32, #tpu.memory_space<vmem>>
        %dma_start3A_325 = tpu.memref_squeeze %dma_start3A_324 : memref<1x6x2x120xi32, #tpu.memory_space<vmem>> -> memref<6x2x120xi32, #tpu.memory_space<vmem>>
        %dma_start3A_326 = arith.constant 0 : i32
        %dma_start3A_327 = arith.constant 0 : i32
        %dma_start3A_328 = arith.constant 0 : i32
        %dma_start3A_329 = tpu.memref_slice %arg2[%add3A, %add3A_309, %dma_start3A_326, %dma_start3A_327, %dma_start3A_328] : memref<32x28x6x2x120xi32, #tpu.memory_space<hbm>> -> memref<1x1x6x2x120xi32, #tpu.memory_space<hbm>>
        %dma_start3A_330 = tpu.memref_squeeze %dma_start3A_329 : memref<1x1x6x2x120xi32, #tpu.memory_space<hbm>> -> memref<6x2x120xi32, #tpu.memory_space<hbm>>
        tpu.enqueue_dma source(%dma_start3A_330 : memref<6x2x120xi32, #tpu.memory_space<hbm>>) target(%dma_start3A_325 : memref<6x2x120xi32, #tpu.memory_space<vmem>>) target_semaphore(%arg16 : memref<!tpu.dma_semaphore, #tpu.memory_space<semaphore_mem>>)
      } else {
      }
      %dma_wait3A = arith.constant 0 : i32
      %dma_wait3A_58 = arith.constant 0 : i32
      %dma_wait3A_59 = arith.constant 0 : i32
      %dma_wait3A_60 = arith.constant 0 : i32
      %dma_wait3A_61 = tpu.memref_slice %arg8[%dma_wait3A, %dma_wait3A_58, %dma_wait3A_59, %dma_wait3A_60] : memref<2x6x2x120xi32, #tpu.memory_space<vmem>> -> memref<1x1x1x120xi32, #tpu.memory_space<vmem>>
      %dma_wait3A_62 = tpu.memref_squeeze %dma_wait3A_61 : memref<1x1x1x120xi32, #tpu.memory_space<vmem>> -> memref<120xi32, #tpu.memory_space<vmem>>
      %dma_wait3A_63 = arith.constant 0 : i32
      %dma_wait3A_64 = arith.constant 0 : i32
      %dma_wait3A_65 = tpu.memref_slice %arg3[%dma_wait3A_63, %dma_wait3A_64] : memref<10000x128xf32, #tpu.memory_space<hbm>> -> memref<10000x128xf32, #tpu.memory_space<hbm>>
      tpu.wait_indirect_dma semaphore(%arg12 : memref<!tpu.dma_semaphore, #tpu.memory_space<semaphore_mem>>) src(%dma_wait3A_65 : memref<10000x128xf32, #tpu.memory_space<hbm>>) dst(%arg9 : memref<120x128xf32, #tpu.memory_space<vmem>>)
      %run_scoped3A_66 = arith.constant 0 : i32
      %run_scoped3A_67 = arith.constant 0 : i32
      %run_scoped3A_68 = arith.constant 1 : i32
      "tpu.region"() ({
        %run_scoped3A_308 = tpu.sem_alloc : memref<!tpu.dma_semaphore, #tpu.memory_space<semaphore_mem>>
        %dma_start3A_309 = arith.constant 0 : i32
        %dma_start3A_310 = tpu.memref_slice %arg8[%run_scoped3A_66, %run_scoped3A_67, %run_scoped3A_68, %dma_start3A_309] : memref<2x6x2x120xi32, #tpu.memory_space<vmem>> -> memref<1x1x1x120xi32, #tpu.memory_space<vmem>>
        %dma_start3A_311 = tpu.memref_squeeze %dma_start3A_310 : memref<1x1x1x120xi32, #tpu.memory_space<vmem>> -> memref<120xi32, #tpu.memory_space<vmem>>
        %dma_start3A_312 = arith.constant 0 : i32
        %dma_start3A_313 = arith.constant 0 : i32
        %dma_start3A_314 = tpu.memref_slice %arg7[%dma_start3A_312, %dma_start3A_313] : memref<10008x128xf32, #tpu.memory_space<vmem_shared>> -> memref<10008x128xf32, #tpu.memory_space<vmem_shared>>
        tpu.enqueue_indirect_dma source(%arg9 : memref<120x128xf32, #tpu.memory_space<vmem>>) target(%dma_start3A_314 : memref<10008x128xf32, #tpu.memory_space<vmem_shared>>) offsets(%dma_start3A_311 : memref<120xi32, #tpu.memory_space<vmem>>) semaphore(%run_scoped3A_308 : memref<!tpu.dma_semaphore, #tpu.memory_space<semaphore_mem>>) {add = true}
        %dma_wait3A_315 = arith.constant 0 : i32
        %dma_wait3A_316 = tpu.memref_slice %arg8[%run_scoped3A_66, %run_scoped3A_67, %run_scoped3A_68, %dma_wait3A_315] : memref<2x6x2x120xi32, #tpu.memory_space<vmem>> -> memref<1x1x1x120xi32, #tpu.memory_space<vmem>>
        %dma_wait3A_317 = tpu.memref_squeeze %dma_wait3A_316 : memref<1x1x1x120xi32, #tpu.memory_space<vmem>> -> memref<120xi32, #tpu.memory_space<vmem>>
        %dma_wait3A_318 = arith.constant 0 : i32
        %dma_wait3A_319 = arith.constant 0 : i32
        %dma_wait3A_320 = tpu.memref_slice %arg7[%dma_wait3A_318, %dma_wait3A_319] : memref<10008x128xf32, #tpu.memory_space<vmem_shared>> -> memref<10008x128xf32, #tpu.memory_space<vmem_shared>>
        tpu.wait_indirect_dma semaphore(%run_scoped3A_308 : memref<!tpu.dma_semaphore, #tpu.memory_space<semaphore_mem>>) src(%arg9 : memref<120x128xf32, #tpu.memory_space<vmem>>) dst(%dma_wait3A_320 : memref<10008x128xf32, #tpu.memory_space<vmem_shared>>)
        tpu.yield
      }) : () -> ()
      %dma_start3A_69 = arith.constant 0 : i32
      %dma_start3A_70 = arith.constant 3 : i32
      %dma_start3A_71 = arith.constant 0 : i32
      %dma_start3A_72 = arith.constant 0 : i32
      %dma_start3A_73 = tpu.memref_slice %arg8[%dma_start3A_69, %dma_start3A_70, %dma_start3A_71, %dma_start3A_72] : memref<2x6x2x120xi32, #tpu.memory_space<vmem>> -> memref<1x1x1x120xi32, #tpu.memory_space<vmem>>
      %dma_start3A_74 = tpu.memref_squeeze %dma_start3A_73 : memref<1x1x1x120xi32, #tpu.memory_space<vmem>> -> memref<120xi32, #tpu.memory_space<vmem>>
      %dma_start3A_75 = arith.constant 0 : i32
      %dma_start3A_76 = arith.constant 0 : i32
      %dma_start3A_77 = tpu.memref_slice %arg3[%dma_start3A_75, %dma_start3A_76] : memref<10000x128xf32, #tpu.memory_space<hbm>> -> memref<10000x128xf32, #tpu.memory_space<hbm>>
      tpu.enqueue_indirect_dma source(%dma_start3A_77 : memref<10000x128xf32, #tpu.memory_space<hbm>>) target(%arg9 : memref<120x128xf32, #tpu.memory_space<vmem>>) offsets(%dma_start3A_74 : memref<120xi32, #tpu.memory_space<vmem>>) semaphore(%arg12 : memref<!tpu.dma_semaphore, #tpu.memory_space<semaphore_mem>>)
      %dma_wait3A_78 = arith.constant 0 : i32
      %dma_wait3A_79 = arith.constant 1 : i32
      %dma_wait3A_80 = arith.constant 0 : i32
      %dma_wait3A_81 = arith.constant 0 : i32
      %dma_wait3A_82 = tpu.memref_slice %arg8[%dma_wait3A_78, %dma_wait3A_79, %dma_wait3A_80, %dma_wait3A_81] : memref<2x6x2x120xi32, #tpu.memory_space<vmem>> -> memref<1x1x1x120xi32, #tpu.memory_space<vmem>>
      %dma_wait3A_83 = tpu.memref_squeeze %dma_wait3A_82 : memref<1x1x1x120xi32, #tpu.memory_space<vmem>> -> memref<120xi32, #tpu.memory_space<vmem>>
      %dma_wait3A_84 = arith.constant 0 : i32
      %dma_wait3A_85 = arith.constant 0 : i32
      %dma_wait3A_86 = tpu.memref_slice %arg3[%dma_wait3A_84, %dma_wait3A_85] : memref<10000x128xf32, #tpu.memory_space<hbm>> -> memref<10000x128xf32, #tpu.memory_space<hbm>>
      tpu.wait_indirect_dma semaphore(%arg13 : memref<!tpu.dma_semaphore, #tpu.memory_space<semaphore_mem>>) src(%dma_wait3A_86 : memref<10000x128xf32, #tpu.memory_space<hbm>>) dst(%arg10 : memref<120x128xf32, #tpu.memory_space<vmem>>)
      %run_scoped3A_87 = arith.constant 0 : i32
      %run_scoped3A_88 = arith.constant 1 : i32
      %run_scoped3A_89 = arith.constant 1 : i32
      "tpu.region"() ({
        %run_scoped3A_308 = tpu.sem_alloc : memref<!tpu.dma_semaphore, #tpu.memory_space<semaphore_mem>>
        %dma_start3A_309 = arith.constant 0 : i32
        %dma_start3A_310 = tpu.memref_slice %arg8[%run_scoped3A_87, %run_scoped3A_88, %run_scoped3A_89, %dma_start3A_309] : memref<2x6x2x120xi32, #tpu.memory_space<vmem>> -> memref<1x1x1x120xi32, #tpu.memory_space<vmem>>
        %dma_start3A_311 = tpu.memref_squeeze %dma_start3A_310 : memref<1x1x1x120xi32, #tpu.memory_space<vmem>> -> memref<120xi32, #tpu.memory_space<vmem>>
        %dma_start3A_312 = arith.constant 0 : i32
        %dma_start3A_313 = arith.constant 0 : i32
        %dma_start3A_314 = tpu.memref_slice %arg7[%dma_start3A_312, %dma_start3A_313] : memref<10008x128xf32, #tpu.memory_space<vmem_shared>> -> memref<10008x128xf32, #tpu.memory_space<vmem_shared>>
        tpu.enqueue_indirect_dma source(%arg10 : memref<120x128xf32, #tpu.memory_space<vmem>>) target(%dma_start3A_314 : memref<10008x128xf32, #tpu.memory_space<vmem_shared>>) offsets(%dma_start3A_311 : memref<120xi32, #tpu.memory_space<vmem>>) semaphore(%run_scoped3A_308 : memref<!tpu.dma_semaphore, #tpu.memory_space<semaphore_mem>>) {add = true}
        %dma_wait3A_315 = arith.constant 0 : i32
        %dma_wait3A_316 = tpu.memref_slice %arg8[%run_scoped3A_87, %run_scoped3A_88, %run_scoped3A_89, %dma_wait3A_315] : memref<2x6x2x120xi32, #tpu.memory_space<vmem>> -> memref<1x1x1x120xi32, #tpu.memory_space<vmem>>
        %dma_wait3A_317 = tpu.memref_squeeze %dma_wait3A_316 : memref<1x1x1x120xi32, #tpu.memory_space<vmem>> -> memref<120xi32, #tpu.memory_space<vmem>>
        %dma_wait3A_318 = arith.constant 0 : i32
        %dma_wait3A_319 = arith.constant 0 : i32
        %dma_wait3A_320 = tpu.memref_slice %arg7[%dma_wait3A_318, %dma_wait3A_319] : memref<10008x128xf32, #tpu.memory_space<vmem_shared>> -> memref<10008x128xf32, #tpu.memory_space<vmem_shared>>
        tpu.wait_indirect_dma semaphore(%run_scoped3A_308 : memref<!tpu.dma_semaphore, #tpu.memory_space<semaphore_mem>>) src(%arg10 : memref<120x128xf32, #tpu.memory_space<vmem>>) dst(%dma_wait3A_320 : memref<10008x128xf32, #tpu.memory_space<vmem_shared>>)
        tpu.yield
      }) : () -> ()
      %dma_start3A_90 = arith.constant 0 : i32
      %dma_start3A_91 = arith.constant 4 : i32
      %dma_start3A_92 = arith.constant 0 : i32
      %dma_start3A_93 = arith.constant 0 : i32
      %dma_start3A_94 = tpu.memref_slice %arg8[%dma_start3A_90, %dma_start3A_91, %dma_start3A_92, %dma_start3A_93] : memref<2x6x2x120xi32, #tpu.memory_space<vmem>> -> memref<1x1x1x120xi32, #tpu.memory_space<vmem>>
      %dma_start3A_95 = tpu.memref_squeeze %dma_start3A_94 : memref<1x1x1x120xi32, #tpu.memory_space<vmem>> -> memref<120xi32, #tpu.memory_space<vmem>>
      %dma_start3A_96 = arith.constant 0 : i32
      %dma_start3A_97 = arith.constant 0 : i32
      %dma_start3A_98 = tpu.memref_slice %arg3[%dma_start3A_96, %dma_start3A_97] : memref<10000x128xf32, #tpu.memory_space<hbm>> -> memref<10000x128xf32, #tpu.memory_space<hbm>>
      tpu.enqueue_indirect_dma source(%dma_start3A_98 : memref<10000x128xf32, #tpu.memory_space<hbm>>) target(%arg10 : memref<120x128xf32, #tpu.memory_space<vmem>>) offsets(%dma_start3A_95 : memref<120xi32, #tpu.memory_space<vmem>>) semaphore(%arg13 : memref<!tpu.dma_semaphore, #tpu.memory_space<semaphore_mem>>)
      %dma_wait3A_99 = arith.constant 0 : i32
      %dma_wait3A_100 = arith.constant 2 : i32
      %dma_wait3A_101 = arith.constant 0 : i32
      %dma_wait3A_102 = arith.constant 0 : i32
      %dma_wait3A_103 = tpu.memref_slice %arg8[%dma_wait3A_99, %dma_wait3A_100, %dma_wait3A_101, %dma_wait3A_102] : memref<2x6x2x120xi32, #tpu.memory_space<vmem>> -> memref<1x1x1x120xi32, #tpu.memory_space<vmem>>
      %dma_wait3A_104 = tpu.memref_squeeze %dma_wait3A_103 : memref<1x1x1x120xi32, #tpu.memory_space<vmem>> -> memref<120xi32, #tpu.memory_space<vmem>>
      %dma_wait3A_105 = arith.constant 0 : i32
      %dma_wait3A_106 = arith.constant 0 : i32
      %dma_wait3A_107 = tpu.memref_slice %arg3[%dma_wait3A_105, %dma_wait3A_106] : memref<10000x128xf32, #tpu.memory_space<hbm>> -> memref<10000x128xf32, #tpu.memory_space<hbm>>
      tpu.wait_indirect_dma semaphore(%arg14 : memref<!tpu.dma_semaphore, #tpu.memory_space<semaphore_mem>>) src(%dma_wait3A_107 : memref<10000x128xf32, #tpu.memory_space<hbm>>) dst(%arg11 : memref<120x128xf32, #tpu.memory_space<vmem>>)
      %run_scoped3A_108 = arith.constant 0 : i32
      %run_scoped3A_109 = arith.constant 2 : i32
      %run_scoped3A_110 = arith.constant 1 : i32
      "tpu.region"() ({
        %run_scoped3A_308 = tpu.sem_alloc : memref<!tpu.dma_semaphore, #tpu.memory_space<semaphore_mem>>
        %dma_start3A_309 = arith.constant 0 : i32
        %dma_start3A_310 = tpu.memref_slice %arg8[%run_scoped3A_108, %run_scoped3A_109, %run_scoped3A_110, %dma_start3A_309] : memref<2x6x2x120xi32, #tpu.memory_space<vmem>> -> memref<1x1x1x120xi32, #tpu.memory_space<vmem>>
        %dma_start3A_311 = tpu.memref_squeeze %dma_start3A_310 : memref<1x1x1x120xi32, #tpu.memory_space<vmem>> -> memref<120xi32, #tpu.memory_space<vmem>>
        %dma_start3A_312 = arith.constant 0 : i32
        %dma_start3A_313 = arith.constant 0 : i32
        %dma_start3A_314 = tpu.memref_slice %arg7[%dma_start3A_312, %dma_start3A_313] : memref<10008x128xf32, #tpu.memory_space<vmem_shared>> -> memref<10008x128xf32, #tpu.memory_space<vmem_shared>>
        tpu.enqueue_indirect_dma source(%arg11 : memref<120x128xf32, #tpu.memory_space<vmem>>) target(%dma_start3A_314 : memref<10008x128xf32, #tpu.memory_space<vmem_shared>>) offsets(%dma_start3A_311 : memref<120xi32, #tpu.memory_space<vmem>>) semaphore(%run_scoped3A_308 : memref<!tpu.dma_semaphore, #tpu.memory_space<semaphore_mem>>) {add = true}
        %dma_wait3A_315 = arith.constant 0 : i32
        %dma_wait3A_316 = tpu.memref_slice %arg8[%run_scoped3A_108, %run_scoped3A_109, %run_scoped3A_110, %dma_wait3A_315] : memref<2x6x2x120xi32, #tpu.memory_space<vmem>> -> memref<1x1x1x120xi32, #tpu.memory_space<vmem>>
        %dma_wait3A_317 = tpu.memref_squeeze %dma_wait3A_316 : memref<1x1x1x120xi32, #tpu.memory_space<vmem>> -> memref<120xi32, #tpu.memory_space<vmem>>
        %dma_wait3A_318 = arith.constant 0 : i32
        %dma_wait3A_319 = arith.constant 0 : i32
        %dma_wait3A_320 = tpu.memref_slice %arg7[%dma_wait3A_318, %dma_wait3A_319] : memref<10008x128xf32, #tpu.memory_space<vmem_shared>> -> memref<10008x128xf32, #tpu.memory_space<vmem_shared>>
        tpu.wait_indirect_dma semaphore(%run_scoped3A_308 : memref<!tpu.dma_semaphore, #tpu.memory_space<semaphore_mem>>) src(%arg11 : memref<120x128xf32, #tpu.memory_space<vmem>>) dst(%dma_wait3A_320 : memref<10008x128xf32, #tpu.memory_space<vmem_shared>>)
        tpu.yield
      }) : () -> ()
      %dma_start3A_111 = arith.constant 0 : i32
      %dma_start3A_112 = arith.constant 5 : i32
      %dma_start3A_113 = arith.constant 0 : i32
      %dma_start3A_114 = arith.constant 0 : i32
      %dma_start3A_115 = tpu.memref_slice %arg8[%dma_start3A_111, %dma_start3A_112, %dma_start3A_113, %dma_start3A_114] : memref<2x6x2x120xi32, #tpu.memory_space<vmem>> -> memref<1x1x1x120xi32, #tpu.memory_space<vmem>>
      %dma_start3A_116 = tpu.memref_squeeze %dma_start3A_115 : memref<1x1x1x120xi32, #tpu.memory_space<vmem>> -> memref<120xi32, #tpu.memory_space<vmem>>
      %dma_start3A_117 = arith.constant 0 : i32
      %dma_start3A_118 = arith.constant 0 : i32
      %dma_start3A_119 = tpu.memref_slice %arg3[%dma_start3A_117, %dma_start3A_118] : memref<10000x128xf32, #tpu.memory_space<hbm>> -> memref<10000x128xf32, #tpu.memory_space<hbm>>
      tpu.enqueue_indirect_dma source(%dma_start3A_119 : memref<10000x128xf32, #tpu.memory_space<hbm>>) target(%arg11 : memref<120x128xf32, #tpu.memory_space<vmem>>) offsets(%dma_start3A_116 : memref<120xi32, #tpu.memory_space<vmem>>) semaphore(%arg14 : memref<!tpu.dma_semaphore, #tpu.memory_space<semaphore_mem>>)
      %dma_wait3A_120 = arith.constant 0 : i32
      %dma_wait3A_121 = arith.constant 3 : i32
      %dma_wait3A_122 = arith.constant 0 : i32
      %dma_wait3A_123 = arith.constant 0 : i32
      %dma_wait3A_124 = tpu.memref_slice %arg8[%dma_wait3A_120, %dma_wait3A_121, %dma_wait3A_122, %dma_wait3A_123] : memref<2x6x2x120xi32, #tpu.memory_space<vmem>> -> memref<1x1x1x120xi32, #tpu.memory_space<vmem>>
      %dma_wait3A_125 = tpu.memref_squeeze %dma_wait3A_124 : memref<1x1x1x120xi32, #tpu.memory_space<vmem>> -> memref<120xi32, #tpu.memory_space<vmem>>
      %dma_wait3A_126 = arith.constant 0 : i32
      %dma_wait3A_127 = arith.constant 0 : i32
      %dma_wait3A_128 = tpu.memref_slice %arg3[%dma_wait3A_126, %dma_wait3A_127] : memref<10000x128xf32, #tpu.memory_space<hbm>> -> memref<10000x128xf32, #tpu.memory_space<hbm>>
      tpu.wait_indirect_dma semaphore(%arg12 : memref<!tpu.dma_semaphore, #tpu.memory_space<semaphore_mem>>) src(%dma_wait3A_128 : memref<10000x128xf32, #tpu.memory_space<hbm>>) dst(%arg9 : memref<120x128xf32, #tpu.memory_space<vmem>>)
      %run_scoped3A_129 = arith.constant 0 : i32
      %run_scoped3A_130 = arith.constant 3 : i32
      %run_scoped3A_131 = arith.constant 1 : i32
      "tpu.region"() ({
        %run_scoped3A_308 = tpu.sem_alloc : memref<!tpu.dma_semaphore, #tpu.memory_space<semaphore_mem>>
        %dma_start3A_309 = arith.constant 0 : i32
        %dma_start3A_310 = tpu.memref_slice %arg8[%run_scoped3A_129, %run_scoped3A_130, %run_scoped3A_131, %dma_start3A_309] : memref<2x6x2x120xi32, #tpu.memory_space<vmem>> -> memref<1x1x1x120xi32, #tpu.memory_space<vmem>>
        %dma_start3A_311 = tpu.memref_squeeze %dma_start3A_310 : memref<1x1x1x120xi32, #tpu.memory_space<vmem>> -> memref<120xi32, #tpu.memory_space<vmem>>
        %dma_start3A_312 = arith.constant 0 : i32
        %dma_start3A_313 = arith.constant 0 : i32
        %dma_start3A_314 = tpu.memref_slice %arg7[%dma_start3A_312, %dma_start3A_313] : memref<10008x128xf32, #tpu.memory_space<vmem_shared>> -> memref<10008x128xf32, #tpu.memory_space<vmem_shared>>
        tpu.enqueue_indirect_dma source(%arg9 : memref<120x128xf32, #tpu.memory_space<vmem>>) target(%dma_start3A_314 : memref<10008x128xf32, #tpu.memory_space<vmem_shared>>) offsets(%dma_start3A_311 : memref<120xi32, #tpu.memory_space<vmem>>) semaphore(%run_scoped3A_308 : memref<!tpu.dma_semaphore, #tpu.memory_space<semaphore_mem>>) {add = true}
        %dma_wait3A_315 = arith.constant 0 : i32
        %dma_wait3A_316 = tpu.memref_slice %arg8[%run_scoped3A_129, %run_scoped3A_130, %run_scoped3A_131, %dma_wait3A_315] : memref<2x6x2x120xi32, #tpu.memory_space<vmem>> -> memref<1x1x1x120xi32, #tpu.memory_space<vmem>>
        %dma_wait3A_317 = tpu.memref_squeeze %dma_wait3A_316 : memref<1x1x1x120xi32, #tpu.memory_space<vmem>> -> memref<120xi32, #tpu.memory_space<vmem>>
        %dma_wait3A_318 = arith.constant 0 : i32
        %dma_wait3A_319 = arith.constant 0 : i32
        %dma_wait3A_320 = tpu.memref_slice %arg7[%dma_wait3A_318, %dma_wait3A_319] : memref<10008x128xf32, #tpu.memory_space<vmem_shared>> -> memref<10008x128xf32, #tpu.memory_space<vmem_shared>>
        tpu.wait_indirect_dma semaphore(%run_scoped3A_308 : memref<!tpu.dma_semaphore, #tpu.memory_space<semaphore_mem>>) src(%arg9 : memref<120x128xf32, #tpu.memory_space<vmem>>) dst(%dma_wait3A_320 : memref<10008x128xf32, #tpu.memory_space<vmem_shared>>)
        tpu.yield
      }) : () -> ()
      %add3A_132 = arith.constant 1 : i32
      %add3A_133 = arith.addi %add3A_51, %add3A_132 : i32
      %lt3A_134 = arith.constant 28 : i32
      %lt3A_135 = arith.cmpi slt, %add3A_133, %lt3A_134 : i32
      %convert_element_type3A_136 = arith.extui %lt3A_135 : i1 to i32
      %cond3A_137 = arith.constant 0 : i32
      %cond3A_138 = arith.cmpi ne, %convert_element_type3A_136, %cond3A_137 : i32
      scf.if %cond3A_138 {
        %add3A_308 = arith.constant 1 : i32
        %add3A_309 = arith.addi %add3A_51, %add3A_308 : i32
        %dma_wait3A_310 = arith.constant 1 : i32
        %dma_wait3A_311 = arith.constant 0 : i32
        %dma_wait3A_312 = arith.constant 0 : i32
        %dma_wait3A_313 = arith.constant 0 : i32
        %dma_wait3A_314 = tpu.memref_slice %arg8[%dma_wait3A_310, %dma_wait3A_311, %dma_wait3A_312, %dma_wait3A_313] : memref<2x6x2x120xi32, #tpu.memory_space<vmem>> -> memref<1x6x2x120xi32, #tpu.memory_space<vmem>>
        %dma_wait3A_315 = tpu.memref_squeeze %dma_wait3A_314 : memref<1x6x2x120xi32, #tpu.memory_space<vmem>> -> memref<6x2x120xi32, #tpu.memory_space<vmem>>
        %dma_wait3A_316 = arith.constant 0 : i32
        %dma_wait3A_317 = arith.constant 0 : i32
        %dma_wait3A_318 = arith.constant 0 : i32
        %dma_wait3A_319 = tpu.memref_slice %arg2[%add3A, %add3A_309, %dma_wait3A_316, %dma_wait3A_317, %dma_wait3A_318] : memref<32x28x6x2x120xi32, #tpu.memory_space<hbm>> -> memref<1x1x6x2x120xi32, #tpu.memory_space<hbm>>
        %dma_wait3A_320 = tpu.memref_squeeze %dma_wait3A_319 : memref<1x1x6x2x120xi32, #tpu.memory_space<hbm>> -> memref<6x2x120xi32, #tpu.memory_space<hbm>>
        %dma_wait3A_321 = arith.constant 0 : i32
        %dma_wait3A_322 = arith.constant 0 : i32
        %dma_wait3A_323 = arith.constant 0 : i32
        %dma_wait3A_324 = tpu.memref_slice %arg8[%dma_wait3A_310, %dma_wait3A_321, %dma_wait3A_322, %dma_wait3A_323] : memref<2x6x2x120xi32, #tpu.memory_space<vmem>> -> memref<1x6x2x120xi32, #tpu.memory_space<vmem>>
        %dma_wait3A_325 = tpu.memref_squeeze %dma_wait3A_324 : memref<1x6x2x120xi32, #tpu.memory_space<vmem>> -> memref<6x2x120xi32, #tpu.memory_space<vmem>>
        %dma_wait3A_326 = arith.constant 0 : i32
        %dma_wait3A_327 = arith.constant 0 : i32
        %dma_wait3A_328 = arith.constant 0 : i32
        %dma_wait3A_329 = tpu.memref_slice %arg2[%add3A, %add3A_309, %dma_wait3A_326, %dma_wait3A_327, %dma_wait3A_328] : memref<32x28x6x2x120xi32, #tpu.memory_space<hbm>> -> memref<1x1x6x2x120xi32, #tpu.memory_space<hbm>>
        %dma_wait3A_330 = tpu.memref_squeeze %dma_wait3A_329 : memref<1x1x6x2x120xi32, #tpu.memory_space<hbm>> -> memref<6x2x120xi32, #tpu.memory_space<hbm>>
        tpu.wait_dma2 semaphore(%arg16 : memref<!tpu.dma_semaphore, #tpu.memory_space<semaphore_mem>>) src(%dma_wait3A_330 : memref<6x2x120xi32, #tpu.memory_space<hbm>>) dst(%dma_wait3A_325 : memref<6x2x120xi32, #tpu.memory_space<vmem>>)
        %dma_start3A_331 = arith.constant 1 : i32
        %dma_start3A_332 = arith.constant 0 : i32
        %dma_start3A_333 = arith.constant 0 : i32
        %dma_start3A_334 = arith.constant 0 : i32
        %dma_start3A_335 = tpu.memref_slice %arg8[%dma_start3A_331, %dma_start3A_332, %dma_start3A_333, %dma_start3A_334] : memref<2x6x2x120xi32, #tpu.memory_space<vmem>> -> memref<1x1x1x120xi32, #tpu.memory_space<vmem>>
        %dma_start3A_336 = tpu.memref_squeeze %dma_start3A_335 : memref<1x1x1x120xi32, #tpu.memory_space<vmem>> -> memref<120xi32, #tpu.memory_space<vmem>>
        %dma_start3A_337 = arith.constant 0 : i32
        %dma_start3A_338 = arith.constant 0 : i32
        %dma_start3A_339 = tpu.memref_slice %arg3[%dma_start3A_337, %dma_start3A_338] : memref<10000x128xf32, #tpu.memory_space<hbm>> -> memref<10000x128xf32, #tpu.memory_space<hbm>>
        tpu.enqueue_indirect_dma source(%dma_start3A_339 : memref<10000x128xf32, #tpu.memory_space<hbm>>) target(%arg9 : memref<120x128xf32, #tpu.memory_space<vmem>>) offsets(%dma_start3A_336 : memref<120xi32, #tpu.memory_space<vmem>>) semaphore(%arg12 : memref<!tpu.dma_semaphore, #tpu.memory_space<semaphore_mem>>)
      } else {
      }
      %dma_wait3A_139 = arith.constant 0 : i32
      %dma_wait3A_140 = arith.constant 4 : i32
      %dma_wait3A_141 = arith.constant 0 : i32
      %dma_wait3A_142 = arith.constant 0 : i32
      %dma_wait3A_143 = tpu.memref_slice %arg8[%dma_wait3A_139, %dma_wait3A_140, %dma_wait3A_141, %dma_wait3A_142] : memref<2x6x2x120xi32, #tpu.memory_space<vmem>> -> memref<1x1x1x120xi32, #tpu.memory_space<vmem>>
      %dma_wait3A_144 = tpu.memref_squeeze %dma_wait3A_143 : memref<1x1x1x120xi32, #tpu.memory_space<vmem>> -> memref<120xi32, #tpu.memory_space<vmem>>
      %dma_wait3A_145 = arith.constant 0 : i32
      %dma_wait3A_146 = arith.constant 0 : i32
      %dma_wait3A_147 = tpu.memref_slice %arg3[%dma_wait3A_145, %dma_wait3A_146] : memref<10000x128xf32, #tpu.memory_space<hbm>> -> memref<10000x128xf32, #tpu.memory_space<hbm>>
      tpu.wait_indirect_dma semaphore(%arg13 : memref<!tpu.dma_semaphore, #tpu.memory_space<semaphore_mem>>) src(%dma_wait3A_147 : memref<10000x128xf32, #tpu.memory_space<hbm>>) dst(%arg10 : memref<120x128xf32, #tpu.memory_space<vmem>>)
      %run_scoped3A_148 = arith.constant 0 : i32
      %run_scoped3A_149 = arith.constant 4 : i32
      %run_scoped3A_150 = arith.constant 1 : i32
      "tpu.region"() ({
        %run_scoped3A_308 = tpu.sem_alloc : memref<!tpu.dma_semaphore, #tpu.memory_space<semaphore_mem>>
        %dma_start3A_309 = arith.constant 0 : i32
        %dma_start3A_310 = tpu.memref_slice %arg8[%run_scoped3A_148, %run_scoped3A_149, %run_scoped3A_150, %dma_start3A_309] : memref<2x6x2x120xi32, #tpu.memory_space<vmem>> -> memref<1x1x1x120xi32, #tpu.memory_space<vmem>>
        %dma_start3A_311 = tpu.memref_squeeze %dma_start3A_310 : memref<1x1x1x120xi32, #tpu.memory_space<vmem>> -> memref<120xi32, #tpu.memory_space<vmem>>
        %dma_start3A_312 = arith.constant 0 : i32
        %dma_start3A_313 = arith.constant 0 : i32
        %dma_start3A_314 = tpu.memref_slice %arg7[%dma_start3A_312, %dma_start3A_313] : memref<10008x128xf32, #tpu.memory_space<vmem_shared>> -> memref<10008x128xf32, #tpu.memory_space<vmem_shared>>
        tpu.enqueue_indirect_dma source(%arg10 : memref<120x128xf32, #tpu.memory_space<vmem>>) target(%dma_start3A_314 : memref<10008x128xf32, #tpu.memory_space<vmem_shared>>) offsets(%dma_start3A_311 : memref<120xi32, #tpu.memory_space<vmem>>) semaphore(%run_scoped3A_308 : memref<!tpu.dma_semaphore, #tpu.memory_space<semaphore_mem>>) {add = true}
        %dma_wait3A_315 = arith.constant 0 : i32
        %dma_wait3A_316 = tpu.memref_slice %arg8[%run_scoped3A_148, %run_scoped3A_149, %run_scoped3A_150, %dma_wait3A_315] : memref<2x6x2x120xi32, #tpu.memory_space<vmem>> -> memref<1x1x1x120xi32, #tpu.memory_space<vmem>>
        %dma_wait3A_317 = tpu.memref_squeeze %dma_wait3A_316 : memref<1x1x1x120xi32, #tpu.memory_space<vmem>> -> memref<120xi32, #tpu.memory_space<vmem>>
        %dma_wait3A_318 = arith.constant 0 : i32
        %dma_wait3A_319 = arith.constant 0 : i32
        %dma_wait3A_320 = tpu.memref_slice %arg7[%dma_wait3A_318, %dma_wait3A_319] : memref<10008x128xf32, #tpu.memory_space<vmem_shared>> -> memref<10008x128xf32, #tpu.memory_space<vmem_shared>>
        tpu.wait_indirect_dma semaphore(%run_scoped3A_308 : memref<!tpu.dma_semaphore, #tpu.memory_space<semaphore_mem>>) src(%arg10 : memref<120x128xf32, #tpu.memory_space<vmem>>) dst(%dma_wait3A_320 : memref<10008x128xf32, #tpu.memory_space<vmem_shared>>)
        tpu.yield
      }) : () -> ()
      %add3A_151 = arith.constant 1 : i32
      %add3A_152 = arith.addi %add3A_51, %add3A_151 : i32
      %lt3A_153 = arith.constant 28 : i32
      %lt3A_154 = arith.cmpi slt, %add3A_152, %lt3A_153 : i32
      %convert_element_type3A_155 = arith.extui %lt3A_154 : i1 to i32
      %cond3A_156 = arith.constant 0 : i32
      %cond3A_157 = arith.cmpi ne, %convert_element_type3A_155, %cond3A_156 : i32
      scf.if %cond3A_157 {
        %dma_start3A_308 = arith.constant 1 : i32
        %dma_start3A_309 = arith.constant 1 : i32
        %dma_start3A_310 = arith.constant 0 : i32
        %dma_start3A_311 = arith.constant 0 : i32
        %dma_start3A_312 = tpu.memref_slice %arg8[%dma_start3A_308, %dma_start3A_309, %dma_start3A_310, %dma_start3A_311] : memref<2x6x2x120xi32, #tpu.memory_space<vmem>> -> memref<1x1x1x120xi32, #tpu.memory_space<vmem>>
        %dma_start3A_313 = tpu.memref_squeeze %dma_start3A_312 : memref<1x1x1x120xi32, #tpu.memory_space<vmem>> -> memref<120xi32, #tpu.memory_space<vmem>>
        %dma_start3A_314 = arith.constant 0 : i32
        %dma_start3A_315 = arith.constant 0 : i32
        %dma_start3A_316 = tpu.memref_slice %arg3[%dma_start3A_314, %dma_start3A_315] : memref<10000x128xf32, #tpu.memory_space<hbm>> -> memref<10000x128xf32, #tpu.memory_space<hbm>>
        tpu.enqueue_indirect_dma source(%dma_start3A_316 : memref<10000x128xf32, #tpu.memory_space<hbm>>) target(%arg10 : memref<120x128xf32, #tpu.memory_space<vmem>>) offsets(%dma_start3A_313 : memref<120xi32, #tpu.memory_space<vmem>>) semaphore(%arg13 : memref<!tpu.dma_semaphore, #tpu.memory_space<semaphore_mem>>)
      } else {
      }
      %dma_wait3A_158 = arith.constant 0 : i32
      %dma_wait3A_159 = arith.constant 5 : i32
      %dma_wait3A_160 = arith.constant 0 : i32
      %dma_wait3A_161 = arith.constant 0 : i32
      %dma_wait3A_162 = tpu.memref_slice %arg8[%dma_wait3A_158, %dma_wait3A_159, %dma_wait3A_160, %dma_wait3A_161] : memref<2x6x2x120xi32, #tpu.memory_space<vmem>> -> memref<1x1x1x120xi32, #tpu.memory_space<vmem>>
      %dma_wait3A_163 = tpu.memref_squeeze %dma_wait3A_162 : memref<1x1x1x120xi32, #tpu.memory_space<vmem>> -> memref<120xi32, #tpu.memory_space<vmem>>
      %dma_wait3A_164 = arith.constant 0 : i32
      %dma_wait3A_165 = arith.constant 0 : i32
      %dma_wait3A_166 = tpu.memref_slice %arg3[%dma_wait3A_164, %dma_wait3A_165] : memref<10000x128xf32, #tpu.memory_space<hbm>> -> memref<10000x128xf32, #tpu.memory_space<hbm>>
      tpu.wait_indirect_dma semaphore(%arg14 : memref<!tpu.dma_semaphore, #tpu.memory_space<semaphore_mem>>) src(%dma_wait3A_166 : memref<10000x128xf32, #tpu.memory_space<hbm>>) dst(%arg11 : memref<120x128xf32, #tpu.memory_space<vmem>>)
      %run_scoped3A_167 = arith.constant 0 : i32
      %run_scoped3A_168 = arith.constant 5 : i32
      %run_scoped3A_169 = arith.constant 1 : i32
      "tpu.region"() ({
        %run_scoped3A_308 = tpu.sem_alloc : memref<!tpu.dma_semaphore, #tpu.memory_space<semaphore_mem>>
        %dma_start3A_309 = arith.constant 0 : i32
        %dma_start3A_310 = tpu.memref_slice %arg8[%run_scoped3A_167, %run_scoped3A_168, %run_scoped3A_169, %dma_start3A_309] : memref<2x6x2x120xi32, #tpu.memory_space<vmem>> -> memref<1x1x1x120xi32, #tpu.memory_space<vmem>>
        %dma_start3A_311 = tpu.memref_squeeze %dma_start3A_310 : memref<1x1x1x120xi32, #tpu.memory_space<vmem>> -> memref<120xi32, #tpu.memory_space<vmem>>
        %dma_start3A_312 = arith.constant 0 : i32
        %dma_start3A_313 = arith.constant 0 : i32
        %dma_start3A_314 = tpu.memref_slice %arg7[%dma_start3A_312, %dma_start3A_313] : memref<10008x128xf32, #tpu.memory_space<vmem_shared>> -> memref<10008x128xf32, #tpu.memory_space<vmem_shared>>
        tpu.enqueue_indirect_dma source(%arg11 : memref<120x128xf32, #tpu.memory_space<vmem>>) target(%dma_start3A_314 : memref<10008x128xf32, #tpu.memory_space<vmem_shared>>) offsets(%dma_start3A_311 : memref<120xi32, #tpu.memory_space<vmem>>) semaphore(%run_scoped3A_308 : memref<!tpu.dma_semaphore, #tpu.memory_space<semaphore_mem>>) {add = true}
        %dma_wait3A_315 = arith.constant 0 : i32
        %dma_wait3A_316 = tpu.memref_slice %arg8[%run_scoped3A_167, %run_scoped3A_168, %run_scoped3A_169, %dma_wait3A_315] : memref<2x6x2x120xi32, #tpu.memory_space<vmem>> -> memref<1x1x1x120xi32, #tpu.memory_space<vmem>>
        %dma_wait3A_317 = tpu.memref_squeeze %dma_wait3A_316 : memref<1x1x1x120xi32, #tpu.memory_space<vmem>> -> memref<120xi32, #tpu.memory_space<vmem>>
        %dma_wait3A_318 = arith.constant 0 : i32
        %dma_wait3A_319 = arith.constant 0 : i32
        %dma_wait3A_320 = tpu.memref_slice %arg7[%dma_wait3A_318, %dma_wait3A_319] : memref<10008x128xf32, #tpu.memory_space<vmem_shared>> -> memref<10008x128xf32, #tpu.memory_space<vmem_shared>>
        tpu.wait_indirect_dma semaphore(%run_scoped3A_308 : memref<!tpu.dma_semaphore, #tpu.memory_space<semaphore_mem>>) src(%arg11 : memref<120x128xf32, #tpu.memory_space<vmem>>) dst(%dma_wait3A_320 : memref<10008x128xf32, #tpu.memory_space<vmem_shared>>)
        tpu.yield
      }) : () -> ()
      %add3A_170 = arith.constant 1 : i32
      %add3A_171 = arith.addi %add3A_51, %add3A_170 : i32
      %lt3A_172 = arith.constant 28 : i32
      %lt3A_173 = arith.cmpi slt, %add3A_171, %lt3A_172 : i32
      %convert_element_type3A_174 = arith.extui %lt3A_173 : i1 to i32
      %cond3A_175 = arith.constant 0 : i32
      %cond3A_176 = arith.cmpi ne, %convert_element_type3A_174, %cond3A_175 : i32
      scf.if %cond3A_176 {
        %dma_start3A_308 = arith.constant 1 : i32
        %dma_start3A_309 = arith.constant 2 : i32
        %dma_start3A_310 = arith.constant 0 : i32
        %dma_start3A_311 = arith.constant 0 : i32
        %dma_start3A_312 = tpu.memref_slice %arg8[%dma_start3A_308, %dma_start3A_309, %dma_start3A_310, %dma_start3A_311] : memref<2x6x2x120xi32, #tpu.memory_space<vmem>> -> memref<1x1x1x120xi32, #tpu.memory_space<vmem>>
        %dma_start3A_313 = tpu.memref_squeeze %dma_start3A_312 : memref<1x1x1x120xi32, #tpu.memory_space<vmem>> -> memref<120xi32, #tpu.memory_space<vmem>>
        %dma_start3A_314 = arith.constant 0 : i32
        %dma_start3A_315 = arith.constant 0 : i32
        %dma_start3A_316 = tpu.memref_slice %arg3[%dma_start3A_314, %dma_start3A_315] : memref<10000x128xf32, #tpu.memory_space<hbm>> -> memref<10000x128xf32, #tpu.memory_space<hbm>>
        tpu.enqueue_indirect_dma source(%dma_start3A_316 : memref<10000x128xf32, #tpu.memory_space<hbm>>) target(%arg11 : memref<120x128xf32, #tpu.memory_space<vmem>>) offsets(%dma_start3A_313 : memref<120xi32, #tpu.memory_space<vmem>>) semaphore(%arg14 : memref<!tpu.dma_semaphore, #tpu.memory_space<semaphore_mem>>)
      } else {
      }
      %mul3A_177 = arith.constant 2 : i32
      %mul3A_178 = arith.muli %mul3A_177, %scan3A_47 : i32
      %add3A_179 = arith.constant 1 : i32
      %add3A_180 = arith.addi %mul3A_178, %add3A_179 : i32
      %add3A_181 = arith.constant 1 : i32
      %add3A_182 = arith.addi %add3A_180, %add3A_181 : i32
      %lt3A_183 = arith.constant 28 : i32
      %lt3A_184 = arith.cmpi slt, %add3A_182, %lt3A_183 : i32
      %convert_element_type3A_185 = arith.extui %lt3A_184 : i1 to i32
      %cond3A_186 = arith.constant 0 : i32
      %cond3A_187 = arith.cmpi ne, %convert_element_type3A_185, %cond3A_186 : i32
      scf.if %cond3A_187 {
        %add3A_308 = arith.constant 1 : i32
        %add3A_309 = arith.addi %add3A_180, %add3A_308 : i32
        %dma_start3A_310 = arith.constant 0 : i32
        %dma_start3A_311 = arith.constant 0 : i32
        %dma_start3A_312 = arith.constant 0 : i32
        %dma_start3A_313 = arith.constant 0 : i32
        %dma_start3A_314 = tpu.memref_slice %arg8[%dma_start3A_310, %dma_start3A_311, %dma_start3A_312, %dma_start3A_313] : memref<2x6x2x120xi32, #tpu.memory_space<vmem>> -> memref<1x6x2x120xi32, #tpu.memory_space<vmem>>
        %dma_start3A_315 = tpu.memref_squeeze %dma_start3A_314 : memref<1x6x2x120xi32, #tpu.memory_space<vmem>> -> memref<6x2x120xi32, #tpu.memory_space<vmem>>
        %dma_start3A_316 = arith.constant 0 : i32
        %dma_start3A_317 = arith.constant 0 : i32
        %dma_start3A_318 = arith.constant 0 : i32
        %dma_start3A_319 = tpu.memref_slice %arg2[%add3A, %add3A_309, %dma_start3A_316, %dma_start3A_317, %dma_start3A_318] : memref<32x28x6x2x120xi32, #tpu.memory_space<hbm>> -> memref<1x1x6x2x120xi32, #tpu.memory_space<hbm>>
        %dma_start3A_320 = tpu.memref_squeeze %dma_start3A_319 : memref<1x1x6x2x120xi32, #tpu.memory_space<hbm>> -> memref<6x2x120xi32, #tpu.memory_space<hbm>>
        %dma_start3A_321 = arith.constant 0 : i32
        %dma_start3A_322 = arith.constant 0 : i32
        %dma_start3A_323 = arith.constant 0 : i32
        %dma_start3A_324 = tpu.memref_slice %arg8[%dma_start3A_310, %dma_start3A_321, %dma_start3A_322, %dma_start3A_323] : memref<2x6x2x120xi32, #tpu.memory_space<vmem>> -> memref<1x6x2x120xi32, #tpu.memory_space<vmem>>
        %dma_start3A_325 = tpu.memref_squeeze %dma_start3A_324 : memref<1x6x2x120xi32, #tpu.memory_space<vmem>> -> memref<6x2x120xi32, #tpu.memory_space<vmem>>
        %dma_start3A_326 = arith.constant 0 : i32
        %dma_start3A_327 = arith.constant 0 : i32
        %dma_start3A_328 = arith.constant 0 : i32
        %dma_start3A_329 = tpu.memref_slice %arg2[%add3A, %add3A_309, %dma_start3A_326, %dma_start3A_327, %dma_start3A_328] : memref<32x28x6x2x120xi32, #tpu.memory_space<hbm>> -> memref<1x1x6x2x120xi32, #tpu.memory_space<hbm>>
        %dma_start3A_330 = tpu.memref_squeeze %dma_start3A_329 : memref<1x1x6x2x120xi32, #tpu.memory_space<hbm>> -> memref<6x2x120xi32, #tpu.memory_space<hbm>>
        tpu.enqueue_dma source(%dma_start3A_330 : memref<6x2x120xi32, #tpu.memory_space<hbm>>) target(%dma_start3A_325 : memref<6x2x120xi32, #tpu.memory_space<vmem>>) target_semaphore(%arg15 : memref<!tpu.dma_semaphore, #tpu.memory_space<semaphore_mem>>)
      } else {
      }
      %dma_wait3A_188 = arith.constant 1 : i32
      %dma_wait3A_189 = arith.constant 0 : i32
      %dma_wait3A_190 = arith.constant 0 : i32
      %dma_wait3A_191 = arith.constant 0 : i32
      %dma_wait3A_192 = tpu.memref_slice %arg8[%dma_wait3A_188, %dma_wait3A_189, %dma_wait3A_190, %dma_wait3A_191] : memref<2x6x2x120xi32, #tpu.memory_space<vmem>> -> memref<1x1x1x120xi32, #tpu.memory_space<vmem>>
      %dma_wait3A_193 = tpu.memref_squeeze %dma_wait3A_192 : memref<1x1x1x120xi32, #tpu.memory_space<vmem>> -> memref<120xi32, #tpu.memory_space<vmem>>
      %dma_wait3A_194 = arith.constant 0 : i32
      %dma_wait3A_195 = arith.constant 0 : i32
      %dma_wait3A_196 = tpu.memref_slice %arg3[%dma_wait3A_194, %dma_wait3A_195] : memref<10000x128xf32, #tpu.memory_space<hbm>> -> memref<10000x128xf32, #tpu.memory_space<hbm>>
      tpu.wait_indirect_dma semaphore(%arg12 : memref<!tpu.dma_semaphore, #tpu.memory_space<semaphore_mem>>) src(%dma_wait3A_196 : memref<10000x128xf32, #tpu.memory_space<hbm>>) dst(%arg9 : memref<120x128xf32, #tpu.memory_space<vmem>>)
      %run_scoped3A_197 = arith.constant 1 : i32
      %run_scoped3A_198 = arith.constant 0 : i32
      %run_scoped3A_199 = arith.constant 1 : i32
      "tpu.region"() ({
        %run_scoped3A_308 = tpu.sem_alloc : memref<!tpu.dma_semaphore, #tpu.memory_space<semaphore_mem>>
        %dma_start3A_309 = arith.constant 0 : i32
        %dma_start3A_310 = tpu.memref_slice %arg8[%run_scoped3A_197, %run_scoped3A_198, %run_scoped3A_199, %dma_start3A_309] : memref<2x6x2x120xi32, #tpu.memory_space<vmem>> -> memref<1x1x1x120xi32, #tpu.memory_space<vmem>>
        %dma_start3A_311 = tpu.memref_squeeze %dma_start3A_310 : memref<1x1x1x120xi32, #tpu.memory_space<vmem>> -> memref<120xi32, #tpu.memory_space<vmem>>
        %dma_start3A_312 = arith.constant 0 : i32
        %dma_start3A_313 = arith.constant 0 : i32
        %dma_start3A_314 = tpu.memref_slice %arg7[%dma_start3A_312, %dma_start3A_313] : memref<10008x128xf32, #tpu.memory_space<vmem_shared>> -> memref<10008x128xf32, #tpu.memory_space<vmem_shared>>
        tpu.enqueue_indirect_dma source(%arg9 : memref<120x128xf32, #tpu.memory_space<vmem>>) target(%dma_start3A_314 : memref<10008x128xf32, #tpu.memory_space<vmem_shared>>) offsets(%dma_start3A_311 : memref<120xi32, #tpu.memory_space<vmem>>) semaphore(%run_scoped3A_308 : memref<!tpu.dma_semaphore, #tpu.memory_space<semaphore_mem>>) {add = true}
        %dma_wait3A_315 = arith.constant 0 : i32
        %dma_wait3A_316 = tpu.memref_slice %arg8[%run_scoped3A_197, %run_scoped3A_198, %run_scoped3A_199, %dma_wait3A_315] : memref<2x6x2x120xi32, #tpu.memory_space<vmem>> -> memref<1x1x1x120xi32, #tpu.memory_space<vmem>>
        %dma_wait3A_317 = tpu.memref_squeeze %dma_wait3A_316 : memref<1x1x1x120xi32, #tpu.memory_space<vmem>> -> memref<120xi32, #tpu.memory_space<vmem>>
        %dma_wait3A_318 = arith.constant 0 : i32
        %dma_wait3A_319 = arith.constant 0 : i32
        %dma_wait3A_320 = tpu.memref_slice %arg7[%dma_wait3A_318, %dma_wait3A_319] : memref<10008x128xf32, #tpu.memory_space<vmem_shared>> -> memref<10008x128xf32, #tpu.memory_space<vmem_shared>>
        tpu.wait_indirect_dma semaphore(%run_scoped3A_308 : memref<!tpu.dma_semaphore, #tpu.memory_space<semaphore_mem>>) src(%arg9 : memref<120x128xf32, #tpu.memory_space<vmem>>) dst(%dma_wait3A_320 : memref<10008x128xf32, #tpu.memory_space<vmem_shared>>)
        tpu.yield
      }) : () -> ()
      %dma_start3A_200 = arith.constant 1 : i32
      %dma_start3A_201 = arith.constant 3 : i32
      %dma_start3A_202 = arith.constant 0 : i32
      %dma_start3A_203 = arith.constant 0 : i32
      %dma_start3A_204 = tpu.memref_slice %arg8[%dma_start3A_200, %dma_start3A_201, %dma_start3A_202, %dma_start3A_203] : memref<2x6x2x120xi32, #tpu.memory_space<vmem>> -> memref<1x1x1x120xi32, #tpu.memory_space<vmem>>
      %dma_start3A_205 = tpu.memref_squeeze %dma_start3A_204 : memref<1x1x1x120xi32, #tpu.memory_space<vmem>> -> memref<120xi32, #tpu.memory_space<vmem>>
      %dma_start3A_206 = arith.constant 0 : i32
      %dma_start3A_207 = arith.constant 0 : i32
      %dma_start3A_208 = tpu.memref_slice %arg3[%dma_start3A_206, %dma_start3A_207] : memref<10000x128xf32, #tpu.memory_space<hbm>> -> memref<10000x128xf32, #tpu.memory_space<hbm>>
      tpu.enqueue_indirect_dma source(%dma_start3A_208 : memref<10000x128xf32, #tpu.memory_space<hbm>>) target(%arg9 : memref<120x128xf32, #tpu.memory_space<vmem>>) offsets(%dma_start3A_205 : memref<120xi32, #tpu.memory_space<vmem>>) semaphore(%arg12 : memref<!tpu.dma_semaphore, #tpu.memory_space<semaphore_mem>>)
      %dma_wait3A_209 = arith.constant 1 : i32
      %dma_wait3A_210 = arith.constant 1 : i32
      %dma_wait3A_211 = arith.constant 0 : i32
      %dma_wait3A_212 = arith.constant 0 : i32
      %dma_wait3A_213 = tpu.memref_slice %arg8[%dma_wait3A_209, %dma_wait3A_210, %dma_wait3A_211, %dma_wait3A_212] : memref<2x6x2x120xi32, #tpu.memory_space<vmem>> -> memref<1x1x1x120xi32, #tpu.memory_space<vmem>>
      %dma_wait3A_214 = tpu.memref_squeeze %dma_wait3A_213 : memref<1x1x1x120xi32, #tpu.memory_space<vmem>> -> memref<120xi32, #tpu.memory_space<vmem>>
      %dma_wait3A_215 = arith.constant 0 : i32
      %dma_wait3A_216 = arith.constant 0 : i32
      %dma_wait3A_217 = tpu.memref_slice %arg3[%dma_wait3A_215, %dma_wait3A_216] : memref<10000x128xf32, #tpu.memory_space<hbm>> -> memref<10000x128xf32, #tpu.memory_space<hbm>>
      tpu.wait_indirect_dma semaphore(%arg13 : memref<!tpu.dma_semaphore, #tpu.memory_space<semaphore_mem>>) src(%dma_wait3A_217 : memref<10000x128xf32, #tpu.memory_space<hbm>>) dst(%arg10 : memref<120x128xf32, #tpu.memory_space<vmem>>)
      %run_scoped3A_218 = arith.constant 1 : i32
      %run_scoped3A_219 = arith.constant 1 : i32
      %run_scoped3A_220 = arith.constant 1 : i32
      "tpu.region"() ({
        %run_scoped3A_308 = tpu.sem_alloc : memref<!tpu.dma_semaphore, #tpu.memory_space<semaphore_mem>>
        %dma_start3A_309 = arith.constant 0 : i32
        %dma_start3A_310 = tpu.memref_slice %arg8[%run_scoped3A_218, %run_scoped3A_219, %run_scoped3A_220, %dma_start3A_309] : memref<2x6x2x120xi32, #tpu.memory_space<vmem>> -> memref<1x1x1x120xi32, #tpu.memory_space<vmem>>
        %dma_start3A_311 = tpu.memref_squeeze %dma_start3A_310 : memref<1x1x1x120xi32, #tpu.memory_space<vmem>> -> memref<120xi32, #tpu.memory_space<vmem>>
        %dma_start3A_312 = arith.constant 0 : i32
        %dma_start3A_313 = arith.constant 0 : i32
        %dma_start3A_314 = tpu.memref_slice %arg7[%dma_start3A_312, %dma_start3A_313] : memref<10008x128xf32, #tpu.memory_space<vmem_shared>> -> memref<10008x128xf32, #tpu.memory_space<vmem_shared>>
        tpu.enqueue_indirect_dma source(%arg10 : memref<120x128xf32, #tpu.memory_space<vmem>>) target(%dma_start3A_314 : memref<10008x128xf32, #tpu.memory_space<vmem_shared>>) offsets(%dma_start3A_311 : memref<120xi32, #tpu.memory_space<vmem>>) semaphore(%run_scoped3A_308 : memref<!tpu.dma_semaphore, #tpu.memory_space<semaphore_mem>>) {add = true}
        %dma_wait3A_315 = arith.constant 0 : i32
        %dma_wait3A_316 = tpu.memref_slice %arg8[%run_scoped3A_218, %run_scoped3A_219, %run_scoped3A_220, %dma_wait3A_315] : memref<2x6x2x120xi32, #tpu.memory_space<vmem>> -> memref<1x1x1x120xi32, #tpu.memory_space<vmem>>
        %dma_wait3A_317 = tpu.memref_squeeze %dma_wait3A_316 : memref<1x1x1x120xi32, #tpu.memory_space<vmem>> -> memref<120xi32, #tpu.memory_space<vmem>>
        %dma_wait3A_318 = arith.constant 0 : i32
        %dma_wait3A_319 = arith.constant 0 : i32
        %dma_wait3A_320 = tpu.memref_slice %arg7[%dma_wait3A_318, %dma_wait3A_319] : memref<10008x128xf32, #tpu.memory_space<vmem_shared>> -> memref<10008x128xf32, #tpu.memory_space<vmem_shared>>
        tpu.wait_indirect_dma semaphore(%run_scoped3A_308 : memref<!tpu.dma_semaphore, #tpu.memory_space<semaphore_mem>>) src(%arg10 : memref<120x128xf32, #tpu.memory_space<vmem>>) dst(%dma_wait3A_320 : memref<10008x128xf32, #tpu.memory_space<vmem_shared>>)
        tpu.yield
      }) : () -> ()
      %dma_start3A_221 = arith.constant 1 : i32
      %dma_start3A_222 = arith.constant 4 : i32
      %dma_start3A_223 = arith.constant 0 : i32
      %dma_start3A_224 = arith.constant 0 : i32
      %dma_start3A_225 = tpu.memref_slice %arg8[%dma_start3A_221, %dma_start3A_222, %dma_start3A_223, %dma_start3A_224] : memref<2x6x2x120xi32, #tpu.memory_space<vmem>> -> memref<1x1x1x120xi32, #tpu.memory_space<vmem>>
      %dma_start3A_226 = tpu.memref_squeeze %dma_start3A_225 : memref<1x1x1x120xi32, #tpu.memory_space<vmem>> -> memref<120xi32, #tpu.memory_space<vmem>>
      %dma_start3A_227 = arith.constant 0 : i32
      %dma_start3A_228 = arith.constant 0 : i32
      %dma_start3A_229 = tpu.memref_slice %arg3[%dma_start3A_227, %dma_start3A_228] : memref<10000x128xf32, #tpu.memory_space<hbm>> -> memref<10000x128xf32, #tpu.memory_space<hbm>>
      tpu.enqueue_indirect_dma source(%dma_start3A_229 : memref<10000x128xf32, #tpu.memory_space<hbm>>) target(%arg10 : memref<120x128xf32, #tpu.memory_space<vmem>>) offsets(%dma_start3A_226 : memref<120xi32, #tpu.memory_space<vmem>>) semaphore(%arg13 : memref<!tpu.dma_semaphore, #tpu.memory_space<semaphore_mem>>)
      %dma_wait3A_230 = arith.constant 1 : i32
      %dma_wait3A_231 = arith.constant 2 : i32
      %dma_wait3A_232 = arith.constant 0 : i32
      %dma_wait3A_233 = arith.constant 0 : i32
      %dma_wait3A_234 = tpu.memref_slice %arg8[%dma_wait3A_230, %dma_wait3A_231, %dma_wait3A_232, %dma_wait3A_233] : memref<2x6x2x120xi32, #tpu.memory_space<vmem>> -> memref<1x1x1x120xi32, #tpu.memory_space<vmem>>
      %dma_wait3A_235 = tpu.memref_squeeze %dma_wait3A_234 : memref<1x1x1x120xi32, #tpu.memory_space<vmem>> -> memref<120xi32, #tpu.memory_space<vmem>>
      %dma_wait3A_236 = arith.constant 0 : i32
      %dma_wait3A_237 = arith.constant 0 : i32
      %dma_wait3A_238 = tpu.memref_slice %arg3[%dma_wait3A_236, %dma_wait3A_237] : memref<10000x128xf32, #tpu.memory_space<hbm>> -> memref<10000x128xf32, #tpu.memory_space<hbm>>
      tpu.wait_indirect_dma semaphore(%arg14 : memref<!tpu.dma_semaphore, #tpu.memory_space<semaphore_mem>>) src(%dma_wait3A_238 : memref<10000x128xf32, #tpu.memory_space<hbm>>) dst(%arg11 : memref<120x128xf32, #tpu.memory_space<vmem>>)
      %run_scoped3A_239 = arith.constant 1 : i32
      %run_scoped3A_240 = arith.constant 2 : i32
      %run_scoped3A_241 = arith.constant 1 : i32
      "tpu.region"() ({
        %run_scoped3A_308 = tpu.sem_alloc : memref<!tpu.dma_semaphore, #tpu.memory_space<semaphore_mem>>
        %dma_start3A_309 = arith.constant 0 : i32
        %dma_start3A_310 = tpu.memref_slice %arg8[%run_scoped3A_239, %run_scoped3A_240, %run_scoped3A_241, %dma_start3A_309] : memref<2x6x2x120xi32, #tpu.memory_space<vmem>> -> memref<1x1x1x120xi32, #tpu.memory_space<vmem>>
        %dma_start3A_311 = tpu.memref_squeeze %dma_start3A_310 : memref<1x1x1x120xi32, #tpu.memory_space<vmem>> -> memref<120xi32, #tpu.memory_space<vmem>>
        %dma_start3A_312 = arith.constant 0 : i32
        %dma_start3A_313 = arith.constant 0 : i32
        %dma_start3A_314 = tpu.memref_slice %arg7[%dma_start3A_312, %dma_start3A_313] : memref<10008x128xf32, #tpu.memory_space<vmem_shared>> -> memref<10008x128xf32, #tpu.memory_space<vmem_shared>>
        tpu.enqueue_indirect_dma source(%arg11 : memref<120x128xf32, #tpu.memory_space<vmem>>) target(%dma_start3A_314 : memref<10008x128xf32, #tpu.memory_space<vmem_shared>>) offsets(%dma_start3A_311 : memref<120xi32, #tpu.memory_space<vmem>>) semaphore(%run_scoped3A_308 : memref<!tpu.dma_semaphore, #tpu.memory_space<semaphore_mem>>) {add = true}
        %dma_wait3A_315 = arith.constant 0 : i32
        %dma_wait3A_316 = tpu.memref_slice %arg8[%run_scoped3A_239, %run_scoped3A_240, %run_scoped3A_241, %dma_wait3A_315] : memref<2x6x2x120xi32, #tpu.memory_space<vmem>> -> memref<1x1x1x120xi32, #tpu.memory_space<vmem>>
        %dma_wait3A_317 = tpu.memref_squeeze %dma_wait3A_316 : memref<1x1x1x120xi32, #tpu.memory_space<vmem>> -> memref<120xi32, #tpu.memory_space<vmem>>
        %dma_wait3A_318 = arith.constant 0 : i32
        %dma_wait3A_319 = arith.constant 0 : i32
        %dma_wait3A_320 = tpu.memref_slice %arg7[%dma_wait3A_318, %dma_wait3A_319] : memref<10008x128xf32, #tpu.memory_space<vmem_shared>> -> memref<10008x128xf32, #tpu.memory_space<vmem_shared>>
        tpu.wait_indirect_dma semaphore(%run_scoped3A_308 : memref<!tpu.dma_semaphore, #tpu.memory_space<semaphore_mem>>) src(%arg11 : memref<120x128xf32, #tpu.memory_space<vmem>>) dst(%dma_wait3A_320 : memref<10008x128xf32, #tpu.memory_space<vmem_shared>>)
        tpu.yield
      }) : () -> ()
      %dma_start3A_242 = arith.constant 1 : i32
      %dma_start3A_243 = arith.constant 5 : i32
      %dma_start3A_244 = arith.constant 0 : i32
      %dma_start3A_245 = arith.constant 0 : i32
      %dma_start3A_246 = tpu.memref_slice %arg8[%dma_start3A_242, %dma_start3A_243, %dma_start3A_244, %dma_start3A_245] : memref<2x6x2x120xi32, #tpu.memory_space<vmem>> -> memref<1x1x1x120xi32, #tpu.memory_space<vmem>>
      %dma_start3A_247 = tpu.memref_squeeze %dma_start3A_246 : memref<1x1x1x120xi32, #tpu.memory_space<vmem>> -> memref<120xi32, #tpu.memory_space<vmem>>
      %dma_start3A_248 = arith.constant 0 : i32
      %dma_start3A_249 = arith.constant 0 : i32
      %dma_start3A_250 = tpu.memref_slice %arg3[%dma_start3A_248, %dma_start3A_249] : memref<10000x128xf32, #tpu.memory_space<hbm>> -> memref<10000x128xf32, #tpu.memory_space<hbm>>
      tpu.enqueue_indirect_dma source(%dma_start3A_250 : memref<10000x128xf32, #tpu.memory_space<hbm>>) target(%arg11 : memref<120x128xf32, #tpu.memory_space<vmem>>) offsets(%dma_start3A_247 : memref<120xi32, #tpu.memory_space<vmem>>) semaphore(%arg14 : memref<!tpu.dma_semaphore, #tpu.memory_space<semaphore_mem>>)
      %dma_wait3A_251 = arith.constant 1 : i32
      %dma_wait3A_252 = arith.constant 3 : i32
      %dma_wait3A_253 = arith.constant 0 : i32
      %dma_wait3A_254 = arith.constant 0 : i32
      %dma_wait3A_255 = tpu.memref_slice %arg8[%dma_wait3A_251, %dma_wait3A_252, %dma_wait3A_253, %dma_wait3A_254] : memref<2x6x2x120xi32, #tpu.memory_space<vmem>> -> memref<1x1x1x120xi32, #tpu.memory_space<vmem>>
      %dma_wait3A_256 = tpu.memref_squeeze %dma_wait3A_255 : memref<1x1x1x120xi32, #tpu.memory_space<vmem>> -> memref<120xi32, #tpu.memory_space<vmem>>
      %dma_wait3A_257 = arith.constant 0 : i32
      %dma_wait3A_258 = arith.constant 0 : i32
      %dma_wait3A_259 = tpu.memref_slice %arg3[%dma_wait3A_257, %dma_wait3A_258] : memref<10000x128xf32, #tpu.memory_space<hbm>> -> memref<10000x128xf32, #tpu.memory_space<hbm>>
      tpu.wait_indirect_dma semaphore(%arg12 : memref<!tpu.dma_semaphore, #tpu.memory_space<semaphore_mem>>) src(%dma_wait3A_259 : memref<10000x128xf32, #tpu.memory_space<hbm>>) dst(%arg9 : memref<120x128xf32, #tpu.memory_space<vmem>>)
      %run_scoped3A_260 = arith.constant 1 : i32
      %run_scoped3A_261 = arith.constant 3 : i32
      %run_scoped3A_262 = arith.constant 1 : i32
      "tpu.region"() ({
        %run_scoped3A_308 = tpu.sem_alloc : memref<!tpu.dma_semaphore, #tpu.memory_space<semaphore_mem>>
        %dma_start3A_309 = arith.constant 0 : i32
        %dma_start3A_310 = tpu.memref_slice %arg8[%run_scoped3A_260, %run_scoped3A_261, %run_scoped3A_262, %dma_start3A_309] : memref<2x6x2x120xi32, #tpu.memory_space<vmem>> -> memref<1x1x1x120xi32, #tpu.memory_space<vmem>>
        %dma_start3A_311 = tpu.memref_squeeze %dma_start3A_310 : memref<1x1x1x120xi32, #tpu.memory_space<vmem>> -> memref<120xi32, #tpu.memory_space<vmem>>
        %dma_start3A_312 = arith.constant 0 : i32
        %dma_start3A_313 = arith.constant 0 : i32
        %dma_start3A_314 = tpu.memref_slice %arg7[%dma_start3A_312, %dma_start3A_313] : memref<10008x128xf32, #tpu.memory_space<vmem_shared>> -> memref<10008x128xf32, #tpu.memory_space<vmem_shared>>
        tpu.enqueue_indirect_dma source(%arg9 : memref<120x128xf32, #tpu.memory_space<vmem>>) target(%dma_start3A_314 : memref<10008x128xf32, #tpu.memory_space<vmem_shared>>) offsets(%dma_start3A_311 : memref<120xi32, #tpu.memory_space<vmem>>) semaphore(%run_scoped3A_308 : memref<!tpu.dma_semaphore, #tpu.memory_space<semaphore_mem>>) {add = true}
        %dma_wait3A_315 = arith.constant 0 : i32
        %dma_wait3A_316 = tpu.memref_slice %arg8[%run_scoped3A_260, %run_scoped3A_261, %run_scoped3A_262, %dma_wait3A_315] : memref<2x6x2x120xi32, #tpu.memory_space<vmem>> -> memref<1x1x1x120xi32, #tpu.memory_space<vmem>>
        %dma_wait3A_317 = tpu.memref_squeeze %dma_wait3A_316 : memref<1x1x1x120xi32, #tpu.memory_space<vmem>> -> memref<120xi32, #tpu.memory_space<vmem>>
        %dma_wait3A_318 = arith.constant 0 : i32
        %dma_wait3A_319 = arith.constant 0 : i32
        %dma_wait3A_320 = tpu.memref_slice %arg7[%dma_wait3A_318, %dma_wait3A_319] : memref<10008x128xf32, #tpu.memory_space<vmem_shared>> -> memref<10008x128xf32, #tpu.memory_space<vmem_shared>>
        tpu.wait_indirect_dma semaphore(%run_scoped3A_308 : memref<!tpu.dma_semaphore, #tpu.memory_space<semaphore_mem>>) src(%arg9 : memref<120x128xf32, #tpu.memory_space<vmem>>) dst(%dma_wait3A_320 : memref<10008x128xf32, #tpu.memory_space<vmem_shared>>)
        tpu.yield
      }) : () -> ()
      %add3A_263 = arith.constant 1 : i32
      %add3A_264 = arith.addi %add3A_180, %add3A_263 : i32
      %lt3A_265 = arith.constant 28 : i32
      %lt3A_266 = arith.cmpi slt, %add3A_264, %lt3A_265 : i32
      %convert_element_type3A_267 = arith.extui %lt3A_266 : i1 to i32
      %cond3A_268 = arith.constant 0 : i32
      %cond3A_269 = arith.cmpi ne, %convert_element_type3A_267, %cond3A_268 : i32
      scf.if %cond3A_269 {
        %add3A_308 = arith.constant 1 : i32
        %add3A_309 = arith.addi %add3A_180, %add3A_308 : i32
        %dma_wait3A_310 = arith.constant 0 : i32
        %dma_wait3A_311 = arith.constant 0 : i32
        %dma_wait3A_312 = arith.constant 0 : i32
        %dma_wait3A_313 = arith.constant 0 : i32
        %dma_wait3A_314 = tpu.memref_slice %arg8[%dma_wait3A_310, %dma_wait3A_311, %dma_wait3A_312, %dma_wait3A_313] : memref<2x6x2x120xi32, #tpu.memory_space<vmem>> -> memref<1x6x2x120xi32, #tpu.memory_space<vmem>>
        %dma_wait3A_315 = tpu.memref_squeeze %dma_wait3A_314 : memref<1x6x2x120xi32, #tpu.memory_space<vmem>> -> memref<6x2x120xi32, #tpu.memory_space<vmem>>
        %dma_wait3A_316 = arith.constant 0 : i32
        %dma_wait3A_317 = arith.constant 0 : i32
        %dma_wait3A_318 = arith.constant 0 : i32
        %dma_wait3A_319 = tpu.memref_slice %arg2[%add3A, %add3A_309, %dma_wait3A_316, %dma_wait3A_317, %dma_wait3A_318] : memref<32x28x6x2x120xi32, #tpu.memory_space<hbm>> -> memref<1x1x6x2x120xi32, #tpu.memory_space<hbm>>
        %dma_wait3A_320 = tpu.memref_squeeze %dma_wait3A_319 : memref<1x1x6x2x120xi32, #tpu.memory_space<hbm>> -> memref<6x2x120xi32, #tpu.memory_space<hbm>>
        %dma_wait3A_321 = arith.constant 0 : i32
        %dma_wait3A_322 = arith.constant 0 : i32
        %dma_wait3A_323 = arith.constant 0 : i32
        %dma_wait3A_324 = tpu.memref_slice %arg8[%dma_wait3A_310, %dma_wait3A_321, %dma_wait3A_322, %dma_wait3A_323] : memref<2x6x2x120xi32, #tpu.memory_space<vmem>> -> memref<1x6x2x120xi32, #tpu.memory_space<vmem>>
        %dma_wait3A_325 = tpu.memref_squeeze %dma_wait3A_324 : memref<1x6x2x120xi32, #tpu.memory_space<vmem>> -> memref<6x2x120xi32, #tpu.memory_space<vmem>>
        %dma_wait3A_326 = arith.constant 0 : i32
        %dma_wait3A_327 = arith.constant 0 : i32
        %dma_wait3A_328 = arith.constant 0 : i32
        %dma_wait3A_329 = tpu.memref_slice %arg2[%add3A, %add3A_309, %dma_wait3A_326, %dma_wait3A_327, %dma_wait3A_328] : memref<32x28x6x2x120xi32, #tpu.memory_space<hbm>> -> memref<1x1x6x2x120xi32, #tpu.memory_space<hbm>>
        %dma_wait3A_330 = tpu.memref_squeeze %dma_wait3A_329 : memref<1x1x6x2x120xi32, #tpu.memory_space<hbm>> -> memref<6x2x120xi32, #tpu.memory_space<hbm>>
        tpu.wait_dma2 semaphore(%arg15 : memref<!tpu.dma_semaphore, #tpu.memory_space<semaphore_mem>>) src(%dma_wait3A_330 : memref<6x2x120xi32, #tpu.memory_space<hbm>>) dst(%dma_wait3A_325 : memref<6x2x120xi32, #tpu.memory_space<vmem>>)
        %dma_start3A_331 = arith.constant 0 : i32
        %dma_start3A_332 = arith.constant 0 : i32
        %dma_start3A_333 = arith.constant 0 : i32
        %dma_start3A_334 = arith.constant 0 : i32
        %dma_start3A_335 = tpu.memref_slice %arg8[%dma_start3A_331, %dma_start3A_332, %dma_start3A_333, %dma_start3A_334] : memref<2x6x2x120xi32, #tpu.memory_space<vmem>> -> memref<1x1x1x120xi32, #tpu.memory_space<vmem>>
        %dma_start3A_336 = tpu.memref_squeeze %dma_start3A_335 : memref<1x1x1x120xi32, #tpu.memory_space<vmem>> -> memref<120xi32, #tpu.memory_space<vmem>>
        %dma_start3A_337 = arith.constant 0 : i32
        %dma_start3A_338 = arith.constant 0 : i32
        %dma_start3A_339 = tpu.memref_slice %arg3[%dma_start3A_337, %dma_start3A_338] : memref<10000x128xf32, #tpu.memory_space<hbm>> -> memref<10000x128xf32, #tpu.memory_space<hbm>>
        tpu.enqueue_indirect_dma source(%dma_start3A_339 : memref<10000x128xf32, #tpu.memory_space<hbm>>) target(%arg9 : memref<120x128xf32, #tpu.memory_space<vmem>>) offsets(%dma_start3A_336 : memref<120xi32, #tpu.memory_space<vmem>>) semaphore(%arg12 : memref<!tpu.dma_semaphore, #tpu.memory_space<semaphore_mem>>)
      } else {
      }
      %dma_wait3A_270 = arith.constant 1 : i32
      %dma_wait3A_271 = arith.constant 4 : i32
      %dma_wait3A_272 = arith.constant 0 : i32
      %dma_wait3A_273 = arith.constant 0 : i32
      %dma_wait3A_274 = tpu.memref_slice %arg8[%dma_wait3A_270, %dma_wait3A_271, %dma_wait3A_272, %dma_wait3A_273] : memref<2x6x2x120xi32, #tpu.memory_space<vmem>> -> memref<1x1x1x120xi32, #tpu.memory_space<vmem>>
      %dma_wait3A_275 = tpu.memref_squeeze %dma_wait3A_274 : memref<1x1x1x120xi32, #tpu.memory_space<vmem>> -> memref<120xi32, #tpu.memory_space<vmem>>
      %dma_wait3A_276 = arith.constant 0 : i32
      %dma_wait3A_277 = arith.constant 0 : i32
      %dma_wait3A_278 = tpu.memref_slice %arg3[%dma_wait3A_276, %dma_wait3A_277] : memref<10000x128xf32, #tpu.memory_space<hbm>> -> memref<10000x128xf32, #tpu.memory_space<hbm>>
      tpu.wait_indirect_dma semaphore(%arg13 : memref<!tpu.dma_semaphore, #tpu.memory_space<semaphore_mem>>) src(%dma_wait3A_278 : memref<10000x128xf32, #tpu.memory_space<hbm>>) dst(%arg10 : memref<120x128xf32, #tpu.memory_space<vmem>>)
      %run_scoped3A_279 = arith.constant 1 : i32
      %run_scoped3A_280 = arith.constant 4 : i32
      %run_scoped3A_281 = arith.constant 1 : i32
      "tpu.region"() ({
        %run_scoped3A_308 = tpu.sem_alloc : memref<!tpu.dma_semaphore, #tpu.memory_space<semaphore_mem>>
        %dma_start3A_309 = arith.constant 0 : i32
        %dma_start3A_310 = tpu.memref_slice %arg8[%run_scoped3A_279, %run_scoped3A_280, %run_scoped3A_281, %dma_start3A_309] : memref<2x6x2x120xi32, #tpu.memory_space<vmem>> -> memref<1x1x1x120xi32, #tpu.memory_space<vmem>>
        %dma_start3A_311 = tpu.memref_squeeze %dma_start3A_310 : memref<1x1x1x120xi32, #tpu.memory_space<vmem>> -> memref<120xi32, #tpu.memory_space<vmem>>
        %dma_start3A_312 = arith.constant 0 : i32
        %dma_start3A_313 = arith.constant 0 : i32
        %dma_start3A_314 = tpu.memref_slice %arg7[%dma_start3A_312, %dma_start3A_313] : memref<10008x128xf32, #tpu.memory_space<vmem_shared>> -> memref<10008x128xf32, #tpu.memory_space<vmem_shared>>
        tpu.enqueue_indirect_dma source(%arg10 : memref<120x128xf32, #tpu.memory_space<vmem>>) target(%dma_start3A_314 : memref<10008x128xf32, #tpu.memory_space<vmem_shared>>) offsets(%dma_start3A_311 : memref<120xi32, #tpu.memory_space<vmem>>) semaphore(%run_scoped3A_308 : memref<!tpu.dma_semaphore, #tpu.memory_space<semaphore_mem>>) {add = true}
        %dma_wait3A_315 = arith.constant 0 : i32
        %dma_wait3A_316 = tpu.memref_slice %arg8[%run_scoped3A_279, %run_scoped3A_280, %run_scoped3A_281, %dma_wait3A_315] : memref<2x6x2x120xi32, #tpu.memory_space<vmem>> -> memref<1x1x1x120xi32, #tpu.memory_space<vmem>>
        %dma_wait3A_317 = tpu.memref_squeeze %dma_wait3A_316 : memref<1x1x1x120xi32, #tpu.memory_space<vmem>> -> memref<120xi32, #tpu.memory_space<vmem>>
        %dma_wait3A_318 = arith.constant 0 : i32
        %dma_wait3A_319 = arith.constant 0 : i32
        %dma_wait3A_320 = tpu.memref_slice %arg7[%dma_wait3A_318, %dma_wait3A_319] : memref<10008x128xf32, #tpu.memory_space<vmem_shared>> -> memref<10008x128xf32, #tpu.memory_space<vmem_shared>>
        tpu.wait_indirect_dma semaphore(%run_scoped3A_308 : memref<!tpu.dma_semaphore, #tpu.memory_space<semaphore_mem>>) src(%arg10 : memref<120x128xf32, #tpu.memory_space<vmem>>) dst(%dma_wait3A_320 : memref<10008x128xf32, #tpu.memory_space<vmem_shared>>)
        tpu.yield
      }) : () -> ()
      %add3A_282 = arith.constant 1 : i32
      %add3A_283 = arith.addi %add3A_180, %add3A_282 : i32
      %lt3A_284 = arith.constant 28 : i32
      %lt3A_285 = arith.cmpi slt, %add3A_283, %lt3A_284 : i32
      %convert_element_type3A_286 = arith.extui %lt3A_285 : i1 to i32
      %cond3A_287 = arith.constant 0 : i32
      %cond3A_288 = arith.cmpi ne, %convert_element_type3A_286, %cond3A_287 : i32
      scf.if %cond3A_288 {
        %dma_start3A_308 = arith.constant 0 : i32
        %dma_start3A_309 = arith.constant 1 : i32
        %dma_start3A_310 = arith.constant 0 : i32
        %dma_start3A_311 = arith.constant 0 : i32
        %dma_start3A_312 = tpu.memref_slice %arg8[%dma_start3A_308, %dma_start3A_309, %dma_start3A_310, %dma_start3A_311] : memref<2x6x2x120xi32, #tpu.memory_space<vmem>> -> memref<1x1x1x120xi32, #tpu.memory_space<vmem>>
        %dma_start3A_313 = tpu.memref_squeeze %dma_start3A_312 : memref<1x1x1x120xi32, #tpu.memory_space<vmem>> -> memref<120xi32, #tpu.memory_space<vmem>>
        %dma_start3A_314 = arith.constant 0 : i32
        %dma_start3A_315 = arith.constant 0 : i32
        %dma_start3A_316 = tpu.memref_slice %arg3[%dma_start3A_314, %dma_start3A_315] : memref<10000x128xf32, #tpu.memory_space<hbm>> -> memref<10000x128xf32, #tpu.memory_space<hbm>>
        tpu.enqueue_indirect_dma source(%dma_start3A_316 : memref<10000x128xf32, #tpu.memory_space<hbm>>) target(%arg10 : memref<120x128xf32, #tpu.memory_space<vmem>>) offsets(%dma_start3A_313 : memref<120xi32, #tpu.memory_space<vmem>>) semaphore(%arg13 : memref<!tpu.dma_semaphore, #tpu.memory_space<semaphore_mem>>)
      } else {
      }
      %dma_wait3A_289 = arith.constant 1 : i32
      %dma_wait3A_290 = arith.constant 5 : i32
      %dma_wait3A_291 = arith.constant 0 : i32
      %dma_wait3A_292 = arith.constant 0 : i32
      %dma_wait3A_293 = tpu.memref_slice %arg8[%dma_wait3A_289, %dma_wait3A_290, %dma_wait3A_291, %dma_wait3A_292] : memref<2x6x2x120xi32, #tpu.memory_space<vmem>> -> memref<1x1x1x120xi32, #tpu.memory_space<vmem>>
      %dma_wait3A_294 = tpu.memref_squeeze %dma_wait3A_293 : memref<1x1x1x120xi32, #tpu.memory_space<vmem>> -> memref<120xi32, #tpu.memory_space<vmem>>
      %dma_wait3A_295 = arith.constant 0 : i32
      %dma_wait3A_296 = arith.constant 0 : i32
      %dma_wait3A_297 = tpu.memref_slice %arg3[%dma_wait3A_295, %dma_wait3A_296] : memref<10000x128xf32, #tpu.memory_space<hbm>> -> memref<10000x128xf32, #tpu.memory_space<hbm>>
      tpu.wait_indirect_dma semaphore(%arg14 : memref<!tpu.dma_semaphore, #tpu.memory_space<semaphore_mem>>) src(%dma_wait3A_297 : memref<10000x128xf32, #tpu.memory_space<hbm>>) dst(%arg11 : memref<120x128xf32, #tpu.memory_space<vmem>>)
      %run_scoped3A_298 = arith.constant 1 : i32
      %run_scoped3A_299 = arith.constant 5 : i32
      %run_scoped3A_300 = arith.constant 1 : i32
      "tpu.region"() ({
        %run_scoped3A_308 = tpu.sem_alloc : memref<!tpu.dma_semaphore, #tpu.memory_space<semaphore_mem>>
        %dma_start3A_309 = arith.constant 0 : i32
        %dma_start3A_310 = tpu.memref_slice %arg8[%run_scoped3A_298, %run_scoped3A_299, %run_scoped3A_300, %dma_start3A_309] : memref<2x6x2x120xi32, #tpu.memory_space<vmem>> -> memref<1x1x1x120xi32, #tpu.memory_space<vmem>>
        %dma_start3A_311 = tpu.memref_squeeze %dma_start3A_310 : memref<1x1x1x120xi32, #tpu.memory_space<vmem>> -> memref<120xi32, #tpu.memory_space<vmem>>
        %dma_start3A_312 = arith.constant 0 : i32
        %dma_start3A_313 = arith.constant 0 : i32
        %dma_start3A_314 = tpu.memref_slice %arg7[%dma_start3A_312, %dma_start3A_313] : memref<10008x128xf32, #tpu.memory_space<vmem_shared>> -> memref<10008x128xf32, #tpu.memory_space<vmem_shared>>
        tpu.enqueue_indirect_dma source(%arg11 : memref<120x128xf32, #tpu.memory_space<vmem>>) target(%dma_start3A_314 : memref<10008x128xf32, #tpu.memory_space<vmem_shared>>) offsets(%dma_start3A_311 : memref<120xi32, #tpu.memory_space<vmem>>) semaphore(%run_scoped3A_308 : memref<!tpu.dma_semaphore, #tpu.memory_space<semaphore_mem>>) {add = true}
        %dma_wait3A_315 = arith.constant 0 : i32
        %dma_wait3A_316 = tpu.memref_slice %arg8[%run_scoped3A_298, %run_scoped3A_299, %run_scoped3A_300, %dma_wait3A_315] : memref<2x6x2x120xi32, #tpu.memory_space<vmem>> -> memref<1x1x1x120xi32, #tpu.memory_space<vmem>>
        %dma_wait3A_317 = tpu.memref_squeeze %dma_wait3A_316 : memref<1x1x1x120xi32, #tpu.memory_space<vmem>> -> memref<120xi32, #tpu.memory_space<vmem>>
        %dma_wait3A_318 = arith.constant 0 : i32
        %dma_wait3A_319 = arith.constant 0 : i32
        %dma_wait3A_320 = tpu.memref_slice %arg7[%dma_wait3A_318, %dma_wait3A_319] : memref<10008x128xf32, #tpu.memory_space<vmem_shared>> -> memref<10008x128xf32, #tpu.memory_space<vmem_shared>>
        tpu.wait_indirect_dma semaphore(%run_scoped3A_308 : memref<!tpu.dma_semaphore, #tpu.memory_space<semaphore_mem>>) src(%arg11 : memref<120x128xf32, #tpu.memory_space<vmem>>) dst(%dma_wait3A_320 : memref<10008x128xf32, #tpu.memory_space<vmem_shared>>)
        tpu.yield
      }) : () -> ()
      %add3A_301 = arith.constant 1 : i32
      %add3A_302 = arith.addi %add3A_180, %add3A_301 : i32
      %lt3A_303 = arith.constant 28 : i32
      %lt3A_304 = arith.cmpi slt, %add3A_302, %lt3A_303 : i32
      %convert_element_type3A_305 = arith.extui %lt3A_304 : i1 to i32
      %cond3A_306 = arith.constant 0 : i32
      %cond3A_307 = arith.cmpi ne, %convert_element_type3A_305, %cond3A_306 : i32
      scf.if %cond3A_307 {
        %dma_start3A_308 = arith.constant 0 : i32
        %dma_start3A_309 = arith.constant 2 : i32
        %dma_start3A_310 = arith.constant 0 : i32
        %dma_start3A_311 = arith.constant 0 : i32
        %dma_start3A_312 = tpu.memref_slice %arg8[%dma_start3A_308, %dma_start3A_309, %dma_start3A_310, %dma_start3A_311] : memref<2x6x2x120xi32, #tpu.memory_space<vmem>> -> memref<1x1x1x120xi32, #tpu.memory_space<vmem>>
        %dma_start3A_313 = tpu.memref_squeeze %dma_start3A_312 : memref<1x1x1x120xi32, #tpu.memory_space<vmem>> -> memref<120xi32, #tpu.memory_space<vmem>>
        %dma_start3A_314 = arith.constant 0 : i32
        %dma_start3A_315 = arith.constant 0 : i32
        %dma_start3A_316 = tpu.memref_slice %arg3[%dma_start3A_314, %dma_start3A_315] : memref<10000x128xf32, #tpu.memory_space<hbm>> -> memref<10000x128xf32, #tpu.memory_space<hbm>>
        tpu.enqueue_indirect_dma source(%dma_start3A_316 : memref<10000x128xf32, #tpu.memory_space<hbm>>) target(%arg11 : memref<120x128xf32, #tpu.memory_space<vmem>>) offsets(%dma_start3A_313 : memref<120xi32, #tpu.memory_space<vmem>>) semaphore(%arg14 : memref<!tpu.dma_semaphore, #tpu.memory_space<semaphore_mem>>)
      } else {
      }
    }
    %scan3A_40 = arith.constant 14 : i32
    %barrier3A_41 = arith.constant 0 : index
    tpu.barrier barrier_id(%barrier3A_41)
    "tpu.region"() ({
      %run_scoped3A_47 = tpu.sem_alloc : memref<!tpu.dma_semaphore, #tpu.memory_space<semaphore_mem>>
      %dma_start3A_48 = arith.constant 0 : i32
      %dma_start3A_49 = arith.constant 0 : i32
      %dma_start3A_50 = tpu.memref_slice %arg6[%arg0, %dma_start3A_48, %dma_start3A_49] : memref<2x10000x128xf32, #tpu.memory_space<hbm>> -> memref<1x10000x128xf32, #tpu.memory_space<hbm>>
      %dma_start3A_51 = tpu.memref_squeeze %dma_start3A_50 : memref<1x10000x128xf32, #tpu.memory_space<hbm>> -> memref<10000x128xf32, #tpu.memory_space<hbm>>
      %dma_start3A_52 = arith.constant 0 : i32
      %dma_start3A_53 = tpu.memref_slice %dma_start3A_51[%multiple_of3A, %dma_start3A_52] : memref<10000x128xf32, #tpu.memory_space<hbm>> -> memref<624x128xf32, #tpu.memory_space<hbm>>
      %dma_start3A_54 = arith.constant 0 : i32
      %dma_start3A_55 = tpu.memref_slice %arg7[%multiple_of3A, %dma_start3A_54] : memref<10008x128xf32, #tpu.memory_space<vmem_shared>> -> memref<624x128xf32, #tpu.memory_space<vmem_shared>>
      tpu.enqueue_dma source(%dma_start3A_55 : memref<624x128xf32, #tpu.memory_space<vmem_shared>>) target(%dma_start3A_53 : memref<624x128xf32, #tpu.memory_space<hbm>>) target_semaphore(%run_scoped3A_47 : memref<!tpu.dma_semaphore, #tpu.memory_space<semaphore_mem>>)
      %dma_wait3A = arith.constant 0 : i32
      %dma_wait3A_56 = arith.constant 0 : i32
      %dma_wait3A_57 = tpu.memref_slice %arg6[%arg0, %dma_wait3A, %dma_wait3A_56] : memref<2x10000x128xf32, #tpu.memory_space<hbm>> -> memref<1x10000x128xf32, #tpu.memory_space<hbm>>
      %dma_wait3A_58 = tpu.memref_squeeze %dma_wait3A_57 : memref<1x10000x128xf32, #tpu.memory_space<hbm>> -> memref<10000x128xf32, #tpu.memory_space<hbm>>
      %dma_wait3A_59 = arith.constant 0 : i32
      %dma_wait3A_60 = tpu.memref_slice %dma_wait3A_58[%multiple_of3A, %dma_wait3A_59] : memref<10000x128xf32, #tpu.memory_space<hbm>> -> memref<624x128xf32, #tpu.memory_space<hbm>>
      %dma_wait3A_61 = arith.constant 0 : i32
      %dma_wait3A_62 = tpu.memref_slice %arg7[%multiple_of3A, %dma_wait3A_61] : memref<10008x128xf32, #tpu.memory_space<vmem_shared>> -> memref<624x128xf32, #tpu.memory_space<vmem_shared>>
      tpu.wait_dma2 semaphore(%run_scoped3A_47 : memref<!tpu.dma_semaphore, #tpu.memory_space<semaphore_mem>>) src(%dma_wait3A_62 : memref<624x128xf32, #tpu.memory_space<vmem_shared>>) dst(%dma_wait3A_60 : memref<624x128xf32, #tpu.memory_space<hbm>>)
      tpu.yield
    }) : () -> ()
    %eq3A_42 = arith.constant 15 : i32
    %eq3A_43 = arith.cmpi eq, %arg1, %eq3A_42 : i32
    %convert_element_type3A_44 = arith.extui %eq3A_43 : i1 to i32
    %cond3A_45 = arith.constant 0 : i32
    %cond3A_46 = arith.cmpi ne, %convert_element_type3A_44, %cond3A_45 : i32
    scf.if %cond3A_46 {
      "tpu.region"() ({
        %run_scoped3A_47 = tpu.sem_alloc : memref<!tpu.dma_semaphore, #tpu.memory_space<semaphore_mem>>
        %dma_start3A_48 = arith.constant 0 : i32
        %dma_start3A_49 = arith.constant 0 : i32
        %dma_start3A_50 = tpu.memref_slice %arg6[%arg0, %dma_start3A_48, %dma_start3A_49] : memref<2x10000x128xf32, #tpu.memory_space<hbm>> -> memref<1x10000x128xf32, #tpu.memory_space<hbm>>
        %dma_start3A_51 = tpu.memref_squeeze %dma_start3A_50 : memref<1x10000x128xf32, #tpu.memory_space<hbm>> -> memref<10000x128xf32, #tpu.memory_space<hbm>>
        %dma_start3A_52 = arith.constant 9984 : i32
        %dma_start3A_53 = arith.constant 0 : i32
        %dma_start3A_54 = tpu.memref_slice %dma_start3A_51[%dma_start3A_52, %dma_start3A_53] : memref<10000x128xf32, #tpu.memory_space<hbm>> -> memref<16x128xf32, #tpu.memory_space<hbm>>
        %dma_start3A_55 = arith.constant 9984 : i32
        %dma_start3A_56 = arith.constant 0 : i32
        %dma_start3A_57 = tpu.memref_slice %arg7[%dma_start3A_55, %dma_start3A_56] : memref<10008x128xf32, #tpu.memory_space<vmem_shared>> -> memref<16x128xf32, #tpu.memory_space<vmem_shared>>
        tpu.enqueue_dma source(%dma_start3A_57 : memref<16x128xf32, #tpu.memory_space<vmem_shared>>) target(%dma_start3A_54 : memref<16x128xf32, #tpu.memory_space<hbm>>) target_semaphore(%run_scoped3A_47 : memref<!tpu.dma_semaphore, #tpu.memory_space<semaphore_mem>>)
        %dma_wait3A = arith.constant 0 : i32
        %dma_wait3A_58 = arith.constant 0 : i32
        %dma_wait3A_59 = tpu.memref_slice %arg6[%arg0, %dma_wait3A, %dma_wait3A_58] : memref<2x10000x128xf32, #tpu.memory_space<hbm>> -> memref<1x10000x128xf32, #tpu.memory_space<hbm>>
        %dma_wait3A_60 = tpu.memref_squeeze %dma_wait3A_59 : memref<1x10000x128xf32, #tpu.memory_space<hbm>> -> memref<10000x128xf32, #tpu.memory_space<hbm>>
        %dma_wait3A_61 = arith.constant 9984 : i32
        %dma_wait3A_62 = arith.constant 0 : i32
        %dma_wait3A_63 = tpu.memref_slice %dma_wait3A_60[%dma_wait3A_61, %dma_wait3A_62] : memref<10000x128xf32, #tpu.memory_space<hbm>> -> memref<16x128xf32, #tpu.memory_space<hbm>>
        %dma_wait3A_64 = arith.constant 9984 : i32
        %dma_wait3A_65 = arith.constant 0 : i32
        %dma_wait3A_66 = tpu.memref_slice %arg7[%dma_wait3A_64, %dma_wait3A_65] : memref<10008x128xf32, #tpu.memory_space<vmem_shared>> -> memref<16x128xf32, #tpu.memory_space<vmem_shared>>
        tpu.wait_dma2 semaphore(%run_scoped3A_47 : memref<!tpu.dma_semaphore, #tpu.memory_space<semaphore_mem>>) src(%dma_wait3A_66 : memref<16x128xf32, #tpu.memory_space<vmem_shared>>) dst(%dma_wait3A_63 : memref<16x128xf32, #tpu.memory_space<hbm>>)
        tpu.yield
      }) : () -> ()
    } else {
    }
    return
  }
}

module attributes {stable_mosaic.version = 14 : i64} {
  func.func @_mm_relu1_body(%arg0: i32, %arg1: memref<1000x128xf32, #tpu.memory_space<vmem>>, %arg2: memref<128x128xf32, #tpu.memory_space<vmem>>, %arg3: memref<1x128xf32, #tpu.memory_space<vmem>>, %arg4: memref<128x128xf32, #tpu.memory_space<vmem>>, %arg5: memref<1x128xf32, #tpu.memory_space<vmem>>, %arg6: memref<1000x128xf32, #tpu.memory_space<vmem>>, %arg7: memref<1000x128xf32, #tpu.memory_space<vmem>>) attributes {dimension_semantics = [#tpu.dimension_semantics<arbitrary>], iteration_bounds = array<i64: 10>, scalar_prefetch = 0 : i64, scratch_operands = 0 : i64, tpu.core_type = #tpu.core_type<tc>, window_params = [{transform_indices = @transform_0, window_bounds = array<i64: 1000, 128>}, {pipeline_mode = #tpu.pipeline_mode<synchronous>, transform_indices = @transform_1, window_bounds = array<i64: 128, 128>}, {pipeline_mode = #tpu.pipeline_mode<synchronous>, transform_indices = @transform_2, window_bounds = array<i64: 1, 128>}, {pipeline_mode = #tpu.pipeline_mode<synchronous>, transform_indices = @transform_3, window_bounds = array<i64: 128, 128>}, {pipeline_mode = #tpu.pipeline_mode<synchronous>, transform_indices = @transform_4, window_bounds = array<i64: 1, 128>}, {transform_indices = @transform_5, window_bounds = array<i64: 1000, 128>}, {transform_indices = @transform_6, window_bounds = array<i64: 1000, 128>}]} {
    %get3A = arith.constant 0 : index
    %get3A_0 = arith.constant 0 : index
    %get3A_1 = vector.load %arg1[%get3A, %get3A_0] : memref<1000x128xf32, #tpu.memory_space<vmem>>, vector<1000x128xf32>
    %max3A = arith.constant 0.000000e+00 : f32
    %max3A_2 = vector.broadcast %max3A : f32 to vector<1000x128xf32>
    %max3A_3 = arith.maximumf %get3A_1, %max3A_2 : vector<1000x128xf32>
    %get3A_4 = arith.constant 0 : index
    %get3A_5 = arith.constant 0 : index
    %get3A_6 = vector.load %arg2[%get3A_4, %get3A_5] : memref<128x128xf32, #tpu.memory_space<vmem>>, vector<128x128xf32>
    %dot_general3A = arith.constant dense<0.000000e+00> : vector<1000x128xf32>
    %dot_general3A_7 = tpu.matmul %max3A_3, %get3A_6, %dot_general3A {dimension_numbers = #tpu.dot_dimension_numbers<[1], [0], [0], [1], [0, 0, 1, 1], [], []>, transpose_lhs_hint = false} : vector<1000x128xf32>, vector<128x128xf32>, vector<1000x128xf32> -> vector<1000x128xf32>
    %get3A_8 = arith.constant 0 : index
    %get3A_9 = arith.constant 0 : index
    %get3A_10 = vector.load %arg3[%get3A_8, %get3A_9] : memref<1x128xf32, #tpu.memory_space<vmem>>, vector<1x128xf32>
    %add3A = vector.broadcast %get3A_10 : vector<1x128xf32> to vector<1000x128xf32>
    %add3A_11 = arith.addf %dot_general3A_7, %add3A : vector<1000x128xf32>
    %swap3A = arith.constant 0 : index
    %swap3A_12 = arith.constant 0 : index
    %swap3A_13 = vector.load %arg6[%swap3A, %swap3A_12] : memref<1000x128xf32, #tpu.memory_space<vmem>>, vector<1000x128xf32>
    tpu.vector_store %arg6[%swap3A, %swap3A_12], %add3A_11 {strides = array<i32>} : memref<1000x128xf32, #tpu.memory_space<vmem>>, vector<1000x128xf32>,
    %get3A_14 = arith.constant 0 : index
    %get3A_15 = arith.constant 0 : index
    %get3A_16 = vector.load %arg4[%get3A_14, %get3A_15] : memref<128x128xf32, #tpu.memory_space<vmem>>, vector<128x128xf32>
    %dot_general3A_17 = arith.constant dense<0.000000e+00> : vector<1000x128xf32>
    %dot_general3A_18 = tpu.matmul %max3A_3, %get3A_16, %dot_general3A_17 {dimension_numbers = #tpu.dot_dimension_numbers<[1], [0], [0], [1], [0, 0, 1, 1], [], []>, transpose_lhs_hint = false} : vector<1000x128xf32>, vector<128x128xf32>, vector<1000x128xf32> -> vector<1000x128xf32>
    %get3A_19 = arith.constant 0 : index
    %get3A_20 = arith.constant 0 : index
    %get3A_21 = vector.load %arg5[%get3A_19, %get3A_20] : memref<1x128xf32, #tpu.memory_space<vmem>>, vector<1x128xf32>
    %add3A_22 = vector.broadcast %get3A_21 : vector<1x128xf32> to vector<1000x128xf32>
    %add3A_23 = arith.addf %dot_general3A_18, %add3A_22 : vector<1000x128xf32>
    %swap3A_24 = arith.constant 0 : index
    %swap3A_25 = arith.constant 0 : index
    %swap3A_26 = vector.load %arg7[%swap3A_24, %swap3A_25] : memref<1000x128xf32, #tpu.memory_space<vmem>>, vector<1000x128xf32>
    tpu.vector_store %arg7[%swap3A_24, %swap3A_25], %add3A_23 {strides = array<i32>} : memref<1000x128xf32, #tpu.memory_space<vmem>>, vector<1000x128xf32>,
    return
  }
  func.func @transform_0(%arg0: i32) -> (i32, i32) {
    %c0_i32 = arith.constant 0 : i32
    %c0_i32_0 = arith.constant 0 : i32
    return %arg0, %c0_i32 : i32, i32
  }
  func.func @transform_1(%arg0: i32) -> (i32, i32) {
    %c0_i32 = arith.constant 0 : i32
    %c0_i32_0 = arith.constant 0 : i32
    %c0_i32_1 = arith.constant 0 : i32
    return %c0_i32, %c0_i32_0 : i32, i32
  }
  func.func @transform_2(%arg0: i32) -> (i32, i32) {
    %c0_i32 = arith.constant 0 : i32
    %c0_i32_0 = arith.constant 0 : i32
    %c0_i32_1 = arith.constant 0 : i32
    return %c0_i32, %c0_i32_0 : i32, i32
  }
  func.func @transform_3(%arg0: i32) -> (i32, i32) {
    %c0_i32 = arith.constant 0 : i32
    %c0_i32_0 = arith.constant 0 : i32
    %c0_i32_1 = arith.constant 0 : i32
    return %c0_i32, %c0_i32_0 : i32, i32
  }
  func.func @transform_4(%arg0: i32) -> (i32, i32) {
    %c0_i32 = arith.constant 0 : i32
    %c0_i32_0 = arith.constant 0 : i32
    %c0_i32_1 = arith.constant 0 : i32
    return %c0_i32, %c0_i32_0 : i32, i32
  }
  func.func @transform_5(%arg0: i32) -> (i32, i32) {
    %c0_i32 = arith.constant 0 : i32
    %c0_i32_0 = arith.constant 0 : i32
    return %arg0, %c0_i32 : i32, i32
  }
  func.func @transform_6(%arg0: i32) -> (i32, i32) {
    %c0_i32 = arith.constant 0 : i32
    %c0_i32_0 = arith.constant 0 : i32
    return %arg0, %c0_i32 : i32, i32
  }
}

module attributes {stable_mosaic.version = 14 : i64} {
  func.func @_mm_relu2_body(%arg0: i32, %arg1: memref<1000x128xf32, #tpu.memory_space<vmem>>, %arg2: memref<1000x128xf32, #tpu.memory_space<vmem>>, %arg3: memref<128x128xf32, #tpu.memory_space<vmem>>, %arg4: memref<1x128xf32, #tpu.memory_space<vmem>>, %arg5: memref<128x128xf32, #tpu.memory_space<vmem>>, %arg6: memref<1x128xf32, #tpu.memory_space<vmem>>, %arg7: memref<1000x128xf32, #tpu.memory_space<vmem>>, %arg8: memref<1000x128xf32, #tpu.memory_space<vmem>>) attributes {dimension_semantics = [#tpu.dimension_semantics<arbitrary>], iteration_bounds = array<i64: 10>, scalar_prefetch = 0 : i64, scratch_operands = 0 : i64, tpu.core_type = #tpu.core_type<tc>, window_params = [{transform_indices = @transform_0, window_bounds = array<i64: 1000, 128>}, {transform_indices = @transform_1, window_bounds = array<i64: 1000, 128>}, {pipeline_mode = #tpu.pipeline_mode<synchronous>, transform_indices = @transform_2, window_bounds = array<i64: 128, 128>}, {pipeline_mode = #tpu.pipeline_mode<synchronous>, transform_indices = @transform_3, window_bounds = array<i64: 1, 128>}, {pipeline_mode = #tpu.pipeline_mode<synchronous>, transform_indices = @transform_4, window_bounds = array<i64: 128, 128>}, {pipeline_mode = #tpu.pipeline_mode<synchronous>, transform_indices = @transform_5, window_bounds = array<i64: 1, 128>}, {transform_indices = @transform_6, window_bounds = array<i64: 1000, 128>}, {transform_indices = @transform_7, window_bounds = array<i64: 1000, 128>}]} {
    %get3A = arith.constant 0 : index
    %get3A_0 = arith.constant 0 : index
    %get3A_1 = vector.load %arg1[%get3A, %get3A_0] : memref<1000x128xf32, #tpu.memory_space<vmem>>, vector<1000x128xf32>
    %get3A_2 = arith.constant 0 : index
    %get3A_3 = arith.constant 0 : index
    %get3A_4 = vector.load %arg2[%get3A_2, %get3A_3] : memref<1000x128xf32, #tpu.memory_space<vmem>>, vector<1000x128xf32>
    %add3A = arith.addf %get3A_1, %get3A_4 : vector<1000x128xf32>
    %max3A = arith.constant 0.000000e+00 : f32
    %max3A_5 = vector.broadcast %max3A : f32 to vector<1000x128xf32>
    %max3A_6 = arith.maximumf %add3A, %max3A_5 : vector<1000x128xf32>
    %get3A_7 = arith.constant 0 : index
    %get3A_8 = arith.constant 0 : index
    %get3A_9 = vector.load %arg3[%get3A_7, %get3A_8] : memref<128x128xf32, #tpu.memory_space<vmem>>, vector<128x128xf32>
    %dot_general3A = arith.constant dense<0.000000e+00> : vector<1000x128xf32>
    %dot_general3A_10 = tpu.matmul %max3A_6, %get3A_9, %dot_general3A {dimension_numbers = #tpu.dot_dimension_numbers<[1], [0], [0], [1], [0, 0, 1, 1], [], []>, transpose_lhs_hint = false} : vector<1000x128xf32>, vector<128x128xf32>, vector<1000x128xf32> -> vector<1000x128xf32>
    %get3A_11 = arith.constant 0 : index
    %get3A_12 = arith.constant 0 : index
    %get3A_13 = vector.load %arg4[%get3A_11, %get3A_12] : memref<1x128xf32, #tpu.memory_space<vmem>>, vector<1x128xf32>
    %add3A_14 = vector.broadcast %get3A_13 : vector<1x128xf32> to vector<1000x128xf32>
    %add3A_15 = arith.addf %dot_general3A_10, %add3A_14 : vector<1000x128xf32>
    %swap3A = arith.constant 0 : index
    %swap3A_16 = arith.constant 0 : index
    %swap3A_17 = vector.load %arg7[%swap3A, %swap3A_16] : memref<1000x128xf32, #tpu.memory_space<vmem>>, vector<1000x128xf32>
    tpu.vector_store %arg7[%swap3A, %swap3A_16], %add3A_15 {strides = array<i32>} : memref<1000x128xf32, #tpu.memory_space<vmem>>, vector<1000x128xf32>,
    %get3A_18 = arith.constant 0 : index
    %get3A_19 = arith.constant 0 : index
    %get3A_20 = vector.load %arg5[%get3A_18, %get3A_19] : memref<128x128xf32, #tpu.memory_space<vmem>>, vector<128x128xf32>
    %dot_general3A_21 = arith.constant dense<0.000000e+00> : vector<1000x128xf32>
    %dot_general3A_22 = tpu.matmul %max3A_6, %get3A_20, %dot_general3A_21 {dimension_numbers = #tpu.dot_dimension_numbers<[1], [0], [0], [1], [0, 0, 1, 1], [], []>, transpose_lhs_hint = false} : vector<1000x128xf32>, vector<128x128xf32>, vector<1000x128xf32> -> vector<1000x128xf32>
    %get3A_23 = arith.constant 0 : index
    %get3A_24 = arith.constant 0 : index
    %get3A_25 = vector.load %arg6[%get3A_23, %get3A_24] : memref<1x128xf32, #tpu.memory_space<vmem>>, vector<1x128xf32>
    %add3A_26 = vector.broadcast %get3A_25 : vector<1x128xf32> to vector<1000x128xf32>
    %add3A_27 = arith.addf %dot_general3A_22, %add3A_26 : vector<1000x128xf32>
    %swap3A_28 = arith.constant 0 : index
    %swap3A_29 = arith.constant 0 : index
    %swap3A_30 = vector.load %arg8[%swap3A_28, %swap3A_29] : memref<1000x128xf32, #tpu.memory_space<vmem>>, vector<1000x128xf32>
    tpu.vector_store %arg8[%swap3A_28, %swap3A_29], %add3A_27 {strides = array<i32>} : memref<1000x128xf32, #tpu.memory_space<vmem>>, vector<1000x128xf32>,
    return
  }
  func.func @transform_0(%arg0: i32) -> (i32, i32) {
    %c0_i32 = arith.constant 0 : i32
    %c0_i32_0 = arith.constant 0 : i32
    return %arg0, %c0_i32 : i32, i32
  }
  func.func @transform_1(%arg0: i32) -> (i32, i32) {
    %c0_i32 = arith.constant 0 : i32
    %c0_i32_0 = arith.constant 0 : i32
    return %arg0, %c0_i32 : i32, i32
  }
  func.func @transform_2(%arg0: i32) -> (i32, i32) {
    %c0_i32 = arith.constant 0 : i32
    %c0_i32_0 = arith.constant 0 : i32
    %c0_i32_1 = arith.constant 0 : i32
    return %c0_i32, %c0_i32_0 : i32, i32
  }
  func.func @transform_3(%arg0: i32) -> (i32, i32) {
    %c0_i32 = arith.constant 0 : i32
    %c0_i32_0 = arith.constant 0 : i32
    %c0_i32_1 = arith.constant 0 : i32
    return %c0_i32, %c0_i32_0 : i32, i32
  }
  func.func @transform_4(%arg0: i32) -> (i32, i32) {
    %c0_i32 = arith.constant 0 : i32
    %c0_i32_0 = arith.constant 0 : i32
    %c0_i32_1 = arith.constant 0 : i32
    return %c0_i32, %c0_i32_0 : i32, i32
  }
  func.func @transform_5(%arg0: i32) -> (i32, i32) {
    %c0_i32 = arith.constant 0 : i32
    %c0_i32_0 = arith.constant 0 : i32
    %c0_i32_1 = arith.constant 0 : i32
    return %c0_i32, %c0_i32_0 : i32, i32
  }
  func.func @transform_6(%arg0: i32) -> (i32, i32) {
    %c0_i32 = arith.constant 0 : i32
    %c0_i32_0 = arith.constant 0 : i32
    return %arg0, %c0_i32 : i32, i32
  }
  func.func @transform_7(%arg0: i32) -> (i32, i32) {
    %c0_i32 = arith.constant 0 : i32
    %c0_i32_0 = arith.constant 0 : i32
    return %arg0, %c0_i32 : i32, i32
  }
}

module attributes {stable_mosaic.version = 14 : i64} {
  func.func @_add_body(%arg0: i32, %arg1: memref<1000x128xf32, #tpu.memory_space<vmem>>, %arg2: memref<1000x128xf32, #tpu.memory_space<vmem>>, %arg3: memref<1000x128xf32, #tpu.memory_space<vmem>>) attributes {dimension_semantics = [#tpu.dimension_semantics<arbitrary>], iteration_bounds = array<i64: 10>, scalar_prefetch = 0 : i64, scratch_operands = 0 : i64, tpu.core_type = #tpu.core_type<tc>, window_params = [{transform_indices = @transform_0, window_bounds = array<i64: 1000, 128>}, {transform_indices = @transform_1, window_bounds = array<i64: 1000, 128>}, {transform_indices = @transform_2, window_bounds = array<i64: 1000, 128>}]} {
    %get3A = arith.constant 0 : index
    %get3A_0 = arith.constant 0 : index
    %get3A_1 = vector.load %arg1[%get3A, %get3A_0] : memref<1000x128xf32, #tpu.memory_space<vmem>>, vector<1000x128xf32>
    %get3A_2 = arith.constant 0 : index
    %get3A_3 = arith.constant 0 : index
    %get3A_4 = vector.load %arg2[%get3A_2, %get3A_3] : memref<1000x128xf32, #tpu.memory_space<vmem>>, vector<1000x128xf32>
    %add3A = arith.addf %get3A_1, %get3A_4 : vector<1000x128xf32>
    %swap3A = arith.constant 0 : index
    %swap3A_5 = arith.constant 0 : index
    %swap3A_6 = vector.load %arg3[%swap3A, %swap3A_5] : memref<1000x128xf32, #tpu.memory_space<vmem>>, vector<1000x128xf32>
    tpu.vector_store %arg3[%swap3A, %swap3A_5], %add3A {strides = array<i32>} : memref<1000x128xf32, #tpu.memory_space<vmem>>, vector<1000x128xf32>,
    return
  }
  func.func @transform_0(%arg0: i32) -> (i32, i32) {
    %c0_i32 = arith.constant 0 : i32
    %c0_i32_0 = arith.constant 0 : i32
    return %arg0, %c0_i32 : i32, i32
  }
  func.func @transform_1(%arg0: i32) -> (i32, i32) {
    %c0_i32 = arith.constant 0 : i32
    %c0_i32_0 = arith.constant 0 : i32
    return %arg0, %c0_i32 : i32, i32
  }
  func.func @transform_2(%arg0: i32) -> (i32, i32) {
    %c0_i32 = arith.constant 0 : i32
    %c0_i32_0 = arith.constant 0 : i32
    return %arg0, %c0_i32 : i32, i32
  }
}

</mosaic_0001>

<sc_bundles>
// kernel: kernel.10.cloned.1.call-start
scs
__scs_entry_jumppad:
0x0: {  	(pc) =	sbr.rel $0x88, $3  }
0x1: {  	(tag) =	ssettag $0x0;
	lr =	simm.s32 $0x1  }
0x2: {  	[smem:$0x3F97] =	sst lr;
	_ =	strace $0xD0000000  }
0x3: {  	_ = 	snop  }
0x4: {  	_ = 	snop  }
0x5: {  	_ = 	snop  }
0x6: {  	_ = 	snop  }
0x7: {  	_ = 	snop  }
__scs_overlays_trampoline_lowered:
0x8: {  	[smem:$0x3FA6] =	sst s0  }
0x9: {  	[smem:$0x3FA7] =	sst s1  }
0xa: {  	[smem:$0x3FA8] =	sst s2  }
0xb: {  	[smem:$0x3FA9] =	sst s3  }
0xc: {  	[smem:$0x3FAA] =	sst s4  }
0xd: {  	[smem:$0x3FAB] =	sst s5  }
0xe: {  	[smem:$0x3FAC] =	sst s6  }
0xf: {  	[smem:$0x3FAD] =	sst s7  }
0x10: {  	[smem:$0x3FAE] =	sst s8  }
0x11: {  	[smem:$0x3FAF] =	sst s9;
	s0 =	simm.s32 @!p0 $0x0  }
0x12: {  	s1 =	sld [smem:$0x3F95];
	s0 =	simm.s32 @p0 $0x1  }
0x13: {  	[smem:$0x3FB0] =	sst s0;
	s0 =	simm.s32 @!p1 $0x0  }
0x14: {  	s2 =	sld [smem:$0x3F94];
	s0 =	simm.s32 @p1 $0x1  }
0x15: {  	[smem:$0x3FB1] =	sst s0;
	s0 =	simm.s32 @!p2 $0x0  }
0x16: {  	s3 =	sld [smem:$0x3FDB];
	s0 =	simm.s32 @p2 $0x1  }
0x17: {  	s4 =	simm.s32 $0x1BF5;
	[smem:$0x3FB3] =	sst s0  }
0x18: {  	s0 =	sld [smem:$0x3F96];
	_ =	swait.ge [sflag:s4], $0x0  }
0x19: {  	s7 =	sld [smem:$0x3F97]  }
0x1a: {  	s8 =	sadd.s32 $0xFFFFE003, lr  }
0x1b: {  	s9 =	sadd.s32 $0xFFFFFEF7, lr;
	s5 =	simm.s32 $0xFFFFFFFF;
	p2 =	slt.u32 s8, $0xFFFFF086  }
0x1c: {  	p1 =	slt.u32 s9, $0xF7A;
	s5 =	simm.s32 @!p2 $0x0  }
0x1d: {  	s5 =	simm.s32 @p1 $0x1;
	p0 =	seq.s32 s7, s2  }
0x1e: {  	s7 =	smul.u32 @!p0 $0xF7A, s2;
	p2 =	seq.s32 @!p0 s5, $0x0  }
0x1f: {  	s9 =	smul.u32 $0xF7A, s1;
	s8 =	simm.s32 @!p0 $0x1BF5;
	p2 =	por !p2, p0  }
0x20: {  	[sflag:s8] =	ssyncset.s32 @!p0 $0xFFFFF086;
	s6 =	sadd.s32 @!p0 s3, s7;
	s7 =	simm.s32 @!p0 $0x108  }
0x21: {  	s3 =	sadd.s32 s3, s9;
	s6 =	sadd.s32 @!p0 $0x88, s6;
	s7 =	simm.s32 @p2 $0x1082  }
0x22: {  	[simem:s7], [sflag:s8] =	dma.local @!p0 [hbm:s6], $0xF7A  }
0x23: {  	s9 =	sor.u32 $0xD0000000, s2;
	s6 =	simm.s32 $0x108;
	_ =	swait.ge @!p0 [sflag:s8], $0x0  }
0x24: {  	s3 =	sadd.s32 $0x88, s3;
	s6 =	simm.s32 @!p1 $0x1082;
	[sflag:s4] =	ssyncset.s32 $0xFFFFF086  }
0x25: {  	[simem:s6], [sflag:s4] =	dma.local [hbm:s3], $0xF7A  }
0x26: {  	[smem:$0x3F97] =	sst s1;
	(tag) =	ssettag s2;
	_ =	strace s9  }
0x27: {  	s1 =	sld [smem:$0x3FA7]  }
0x28: {  	s2 =	sld [smem:$0x3FA8]  }
0x29: {  	s4 =	sld [smem:$0x3FAA]  }
0x2a: {  	p0 =	seq.s32 s5, $0x0;
	s5 =	sld [smem:$0x3FAB]  }
0x2b: {  	s6 =	sld [smem:$0x3FAC]  }
0x2c: {  	s7 =	sld [smem:$0x3FAD]  }
0x2d: {  	s3 =	simm.s32 $0x108;
	s8 =	sld [smem:$0x3FAE]  }
0x2e: {  	s3 =	simm.s32 @!p0 $0x1082;
	s9 =	sld [smem:$0x3FAF]  }
0x2f: {  	lr =	sadd.s32 s0, s3;
	s0 =	sld [smem:$0x3FA6]  }
0x30: {  	s3 =	sld [smem:$0x3FA9]  }
0x31: {  	[smem:$0x3FB2] =	sst s10  }
0x32: {  	s10 =	sld [smem:$0x3FB0];
	_ =	sdelay $0x3  }
0x33: {  	p0 =	seq.s32 s10, $0x1;
	s10 =	sld [smem:$0x3FB2];
	_ =	sdelay $0x3  }
0x34: {  	[smem:$0x3FB2] =	sst s10  }
0x35: {  	s10 =	sld [smem:$0x3FB1];
	_ =	sdelay $0x3  }
0x36: {  	p1 =	seq.s32 s10, $0x1;
	s10 =	sld [smem:$0x3FB2];
	_ =	sdelay $0x3  }
0x37: {  	[smem:$0x3FB2] =	sst s10  }
0x38: {  	s10 =	sld [smem:$0x3FB3]  }
0x39: {  	_ = 	snop;
	(pc) =	sbr.ind lr, $3  }
0x3a: {  	_ = 	snop  }
0x3b: {  	_ = 	snop  }
0x3c: {  	p2 =	seq.s32 s10, $0x1;
	s10 =	sld [smem:$0x3FB2]  }
0x3d: {  	_ =	shalt  }
0x3e: {  	_ =	shalt  }
0x3f: {  	_ =	shalt  }
0x40: {  	_ =	shalt  }
0x41: {  	_ =	shalt  }
0x42: {  	_ =	shalt  }
0x43: {  	_ =	shalt  }
0x44: {  	_ =	shalt  }
0x45: {  	_ =	shalt  }
0x46: {  	_ =	shalt  }
0x47: {  	_ =	shalt  }
0x48: {  	_ =	shalt  }
0x49: {  	_ =	shalt  }
0x4a: {  	_ =	shalt  }
0x4b: {  	_ =	shalt  }
0x4c: {  	_ =	shalt  }
0x4d: {  	_ =	shalt  }
0x4e: {  	_ =	shalt  }
0x4f: {  	_ =	shalt  }
0x50: {  	_ =	shalt  }
0x51: {  	_ =	shalt  }
0x52: {  	_ =	shalt  }
0x53: {  	_ =	shalt  }
0x54: {  	_ =	shalt  }
0x55: {  	_ =	shalt  }
0x56: {  	_ =	shalt  }
0x57: {  	_ =	shalt  }
0x58: {  	_ =	shalt  }
0x59: {  	_ =	shalt  }
0x5a: {  	_ =	shalt  }
0x5b: {  	_ =	shalt  }
0x5c: {  	_ =	shalt  }
0x5d: {  	_ =	shalt  }
0x5e: {  	_ =	shalt  }
0x5f: {  	_ =	shalt  }
0x60: {  	_ =	shalt  }
0x61: {  	_ =	shalt  }
0x62: {  	_ =	shalt  }
0x63: {  	_ =	shalt  }
0x64: {  	_ =	shalt  }
0x65: {  	_ =	shalt  }
0x66: {  	_ =	shalt  }
0x67: {  	_ =	shalt  }
0x68: {  	_ =	shalt  }
0x69: {  	_ =	shalt  }
0x6a: {  	_ =	shalt  }
0x6b: {  	_ =	shalt  }
0x6c: {  	_ =	shalt  }
0x6d: {  	_ =	shalt  }
0x6e: {  	_ =	shalt  }
0x6f: {  	_ =	shalt  }
0x70: {  	_ =	shalt  }
0x71: {  	_ =	shalt  }
0x72: {  	_ =	shalt  }
0x73: {  	_ =	shalt  }
0x74: {  	_ =	shalt  }
0x75: {  	_ =	shalt  }
0x76: {  	_ =	shalt  }
0x77: {  	_ =	shalt  }
0x78: {  	_ =	shalt  }
0x79: {  	_ =	shalt  }
0x7a: {  	_ =	shalt  }
0x7b: {  	_ =	shalt  }
0x7c: {  	_ =	shalt  }
0x7d: {  	_ =	shalt  }
0x7e: {  	_ =	shalt  }
0x7f: {  	_ =	shalt  }
0x80: {  	_ =	shalt  }
0x81: {  	_ =	shalt  }
0x82: {  	_ =	shalt  }
0x83: {  	_ =	shalt  }
0x84: {  	_ =	shalt  }
0x85: {  	_ =	shalt  }
0x86: {  	_ =	shalt  }
0x87: {  	_ =	shalt  }
.Lfunc_end0:
.L_simem_size_0:
called_computation.1_lowered:
.L_overlay_start_0:
0x88: {  	s2 =	sld [smem:$0x3FD9]  }
0x89: {  	s3 =	sld [smem:$0x3FFE];
	_ =	sdelay $0x1  }
0x8a: {  	s1 =	srdreg.scid  }
0x8b: {  	s0 =	sand.u32 $0x1, s1  }
0x8c: {  	s17 =	sshll.u32 s0, $0xA;
	s2 =	sadd.s32 s3, s2  }
0x8d: {  	s2 =	sadd.s32 s2, s17  }
0x8e: {  	[smem:$0x3FBE] =	sst s2  }
0x8f: {  	_ = 	snop  }
0x90: {  	s2 =	sld [smem:$0x3FC9]  }
0x91: {  	s18 =	sld [smem:$0x3FD0];
	(tm) =	ssettm $0x1  }
0x92: {  	s4 =	sld [smem:$0x3FFB];
	_ =	sdelay $0x3  }
0x93: {  	_ =	strace s4  }
0x94: {  	s4 =	sld [smem:$0x3FFC];
	_ =	sdelay $0x3  }
0x95: {  	_ =	strace s4  }
0x96: {  	s4 =	sld [smem:$0x3FFD];
	_ =	sdelay $0x3  }
0x97: {  	_ =	strace s4  }
0x98: {  	_ =	strace $0x8FFFFFFF  }
0x99: {  	s19 =	sld [smem:$0x3FDB];
	_ =	sdelay $0x1  }
0x9a: {  	s5 =	simm.s32 $_scs_section_size  }
0x9b: {  	s6 =	simm.s32 $_size__tile_overlayer_lowered;
	s7 =	simm.s32 $_tile_overlayer_lowered  }
0x9c: {  	s22 =	simm.s32 $0x1BFF;
	s21 =	sshll.u32 s7, $0x1;
	s4 =	sadd.s32 s5, s19  }
0x9d: {  	s8 =	simm.s32 $0x0;
	s20 =	sshll.u32 s6, $0x1;
	s6 =	sadd.s32 s21, s4  }
0x9e: {  	[timem:s8], [sflag:s22] =	dma.local [hbm:s6], s20  }
0x9f: {  	_ =	swait.ge [sflag:s22], s20  }
0xa0: {  	s5 =	ssub.s32 $0x0, s20;
	[sflag:s22] =	ssyncset.done $0x0  }
0xa1: {  	[sflag:s22] =	ssyncadd.s32 s5;
	_ =	sdelay $0x1  }
0xa2: {  	s23 =	simm.s32 $0x1B8B  }
0xa3: {  	_ =	swait.ge [sflag:s23], $0x1  }
0xa4: {  	[sflag:s23] =	ssyncset.done $0x0  }
0xa5: {  	s25 =	simm.s32 $0x1B8E;
	s24 =	sld [smem:$0x3FFE];
	[sflag:s23] =	ssyncadd.s32 $0xFFFFFFFF  }
0xa6: {  	s26 =	simm.s32 $execute0_lowered;
	[smem:$0x3FD2] =	sst s25  }
0xa7: {  	s6 =	sshll.u32 s26, $0x1;
	_ =	strace $0x80000049;
	[dreg:$0x1] =	wrdreg $0xFFFFFFFF  }
0xa8: {  	s28 =	simm.s32 $_size_execute0_lowered;
	s4 =	sadd.s32 s4, s6;
	[dreg:$0x0] =	wrdreg $0x0  }
0xa9: {  	s6 =	sshll.u32 s28, $0x1;
	[dreg:$0x2] =	wrdreg s4  }
0xaa: {  	[dreg:$0x3] =	wrdreg s6  }
0xab: {  	[dreg:$0x4] =	wrdreg $0xC0  }
0xac: {  	_ =	task [dreg:s8], $0x5FFFF  }
0xad: {  	[dreg:$0x1] =	wrdreg $0xFFFFFFFF  }
0xae: {  	[dreg:$0x0] =	wrdreg $0x60  }
0xaf: {  	[dreg:$0x2] =	wrdreg s24  }
0xb0: {  	[dreg:$0x3] =	wrdreg s18  }
0xb1: {  	[dreg:$0x4] =	wrdreg s2  }
0xb2: {  	[dreg:$0x5] =	wrdreg $0x0  }
0xb3: {  	[dreg:$0x6] =	wrdreg $0x9  }
0xb4: {  	_ =	task.clear_ibuf [dreg:s8], $0x7FFFF;
	_ =	strace $0x90000049  }
0xb5: {  	s29 =	simm.s32 $0x9;
	_ =	strace $0x8000004B  }
0xb6: {  	_ =	swait.ge [sflag:s29], $0x1  }
0xb7: {  	[sflag:s29] =	ssyncadd.s32 $0xFFFFFFFF  }
0xb8: {  	_ =	strace $0x9000004B  }
0xb9: {  	_ =	sfence  }
0xba: {  	s30 =	sld [smem:$0x0];
	_ =	sdelay $0x2  }
0xbb: {  	s31 =	sshll.u32 s1, $0xD;
	s1 =	sshrl.u32 s1, $0x2  }
0xbc: {  	s3 =	sand.u32 $0x4000, s31;
	s1 =	sadd.s32 s1, s30  }
0xbd: {  	s0 =	sor.u32 s3, s0;
	s1 =	sshll.u32 s1, $0x11  }
0xbe: {  	s0 =	sor.u32 s1, s0  }
0xbf: {  	s0 =	sadd.s32 $0x8F2B, s0  }
0xc0: {  	[sflag:s0] =	ssyncadd.remote.s32 $0x1  }
0xc1: {  	_ =	sfence.sel $0xFFFF  }
0xc2: {  	[dreg:$0x0] =	wrdreg $0xFFFFFFFF;
	(pc) =	sbr.abs _section_cstart, $3  }
0xc3: {  	[dreg:$0x1] =	wrdreg $0xFFFFFFFF  }
0xc4: {  	_ =	task.clear_ibuf [dreg:s8], $0x2FFFF;
	_ =	strace $0x9FFFFFFF  }
0xc5: {  	(tm) =	ssettm $0x7FFFFFFF  }
tec
execute0_lowered:
.L_overlay_start_1:
0x0: {  	(tag) =	ssettag $0x1  }
0x1: {  	s0 =	rddreg [dreg:$0x0]  }
0x2: {  	s1 =	rddreg [dreg:$0x1]  }
0x3: {  	s11 =	rddreg [dreg:$0x2]  }
0x4: {  	s3 =	rddreg [dreg:$0x3];
	s2 =	srdreg.scid;
	s5 =	simm.s32 $0x0  }
0x5: {  	s12 =	stileid.u32;
	s29 =	simm.s32 $0x1BCC0;
	s30 =	simm.s32 $0x13EC0  }
0x6: {  	s31 =	simm.s32 $0x1;
	s15 =	simm.s32 $0x13E40;
	s28 =	simm.s32 $0x143C0  }
0x7: {  	s2 =	sand.u32 $0x1, s2;
	[smem:$0x7FF] =	sst s5;
	s6 =	smul.u32 $0x4E000, s12  }
0x8: {  	s13 =	smul.u32 $0x2700, s12;
	s7 =	sadd.s32 $0x2A00, s0;
	s14 =	sadd.s32 $0x2CA00, s0  }
0x9: {  	s10 =	smul.u32 $0xA800, s12;
	s19 =	sadd.s32 $0x138000, s3;
	s25 =	sshll.u32 s12, $0x6  }
0xa: {  	p1 =	seq.s32 s12, $0xF;
	p2 =	sne.s32 s12, $0xF;
	s4 =	smul.u32 $0x27100, s2  }
0xb: {  	s16 =	sshll.u32 s2, $0x4;
	_ =	strace $0x8000004A;
	[dreg:$0x6] =	wrdreg s14  }
0xc: {  	s17 =	ssub.s32 $0x2, s2;
	s8 =	smul.u32 $0xA8000, s2;
	[dreg:$0xe] =	wrdreg s25  }
0xd: {  	p0 =	sne.s32 s2, $0x0;
	[dreg:$0x8] =	wrdreg s19;
	s26 =	sshrl.u32 s19, $0x3  }
0xe: {  	s2 =	simm.s32 $0x2;
	s19 =	simm.s32 $0x142C0;
	s5 =	sor.u32 s12, s16  }
0xf: {  	s9 =	sshrl.u32 s17, $0x1;
	s6 =	sshrl.u32 s6, $0x2;
	[dreg:$0x5] =	wrdreg s13  }
0x10: {  	s18 =	sadd.s32 s11, s13;
	s20 =	sadd.s32 s14, s13;
	[dreg:$0x11] =	wrdreg s26  }
0x11: {  	s26 =	simm.s32 $0x180C0;
	s12 =	simm.s32 $0x5;
	s13 =	simm.s32 $0x14040  }
0x12: {  	s11 =	simm.s32 $0x0;
	s5 =	smul.u32 $0xA800, s5;
	s0 =	sadd.s32 s4, s0  }
0x13: {  	s4 =	ssub.s32 s17, s9;
	s6 =	sadd.s32 s6, s3;
	[dreg:$0x7] =	wrdreg s18  }
0x14: {  	s8 =	sadd.s32 s10, s8;
	[dreg:$0x9] =	wrdreg s20;
	s20 =	simm.s32 $0x6  }
0x15: {  	s10 =	simm.s32 $0x13FC0;
	s18 =	simm.s32 $0x13F40;
	s17 =	simm.s32 $0x141C0  }
0x16: {  	s21 =	sor.u32 $0x600, s8;
	s0 =	sadd.s32 $0x53C00, s0;
	s22 =	smax.u32 s4, $0x1  }
0x17: {  	s24 =	sadd.s32 $0xC00, s8;
	s14 =	sshrl.u32 s6, $0x3;
	s8 =	simm.s32 $0x3  }
0x18: {  	s4 =	simm.s32 $0x14440;
	s5 =	sshrl.u32 s5, $0x3;
	[dreg:$0xb] =	wrdreg s0  }
.Ltmp0:
0x19: {  	[dreg:$0xc] =	wrdreg s22;
	s23 =	sshrl.u32 s21, $0x3;
	(pc) =	sbr.rel .LBB2_1-.Ltmp0, $4  }
0x1a: {  	[dreg:$0xd] =	wrdreg s24;
	s0 =	sor.u32 $0x1C06, s25;
	s24 =	simm.s32 $0x144C0  }
0x1b: {  	s22 =	simm.s32 $0x140C0;
	[dreg:$0x10] =	wrdreg s14;
	s5 =	sadd.s32 s7, s5  }
0x1c: {  	s16 =	sadd.s32 s23, s7;
	[dreg:$0xf] =	wrdreg s0;
	s23 =	simm.s32 $0x78  }
0x1d: {  	s0 =	simm.s32 $0x14240;
	[dreg:$0xa] =	wrdreg s5;
	s5 =	simm.s32 $0x14140  }
.LBB2_8:
0x1e: {  	[bflag:$0x0] =	sbarrier.arrive $0xFFFF  }
0x1f: {  	s6 =	rddreg [dreg:$0x5]  }
0x20: {  	s11 =	rddreg [dreg:$0xb]  }
0x21: {  	s9 =	rddreg [dreg:$0xe]  }
0x22: {  	s14 =	rddreg [dreg:$0x10];
	s6 =	sadd.s32 s6, s11;
	s9 =	sor.u32 $0x1C06, s9  }
0x23: {  	[hbm:s6], [sflag:s9] =	dma.local [spmem:s14], $0x2700  }
0x24: {  	_ =	swait.ge [sflag:s20], $0x2700  }
0x25: {  	s6 =	sadd.s32 @!p2 $0x27000, s11;
	[sflag:s20] =	ssyncset.done $0x0;
	s11 =	rddreg [dreg:$0x8]  }
0x26: {  	[sflag:s20] =	ssyncadd.s32 $0xFFFFD900;
	s11 =	sshrl.u32 @!p2 s11, $0x3  }
0x27: {  	[hbm:s6], [sflag:s9] =	dma.local @!p2 [spmem:s11], $0x100  }
0x28: {  	s6 =	simm.s32 @!p2 $0x6  }
0x29: {  	_ =	swait.ge @!p2 [sflag:s6], $0x100  }
0x2a: {  	s21 =	rddreg [dreg:$0x12]  }
0x2b: {  	s25 =	rddreg [dreg:$0xc];
	s11 =	sadd.s32 $0x1, s21  }
0x2c: {  	p3 =	sne.s32 s11, s25  }
.Ltmp1:
0x2d: {  	_ = 	snop;
	(pc) =	sbr.rel @!p3 .LBB2_9-.Ltmp1, $3  }
0x2e: {  	_ =	sdelay $0x1  }
0x2f: {  	[sflag:s6] =	ssyncset.done @!p2 $0x0  }
0x30: {  	[sflag:s6] =	ssyncadd.s32 @!p2 $0xFFFFFF00  }
.LBB2_1:
.Ltmp2:
0x31: {  	(pc) =	sbr.rel @p0 .LBB2_3-.Ltmp2, $2  }
0x32: {  	_ =	sdelay $0x2  }
0x33: {  	[dreg:$0x12] =	wrdreg s11  }
0x34: {  	s6 =	rddreg [dreg:$0x9]  }
0x35: {  	s9 =	rddreg [dreg:$0xf]  }
0x36: {  	[spmem:s14], [sflag:s9] =	dma.local [hbm:s6], $0x2700  }
.Ltmp3:
0x37: {  	_ = 	snop;
	(pc) =	sbr.rel @p1 .LBB2_4-.Ltmp3, $4  }
.Ltmp4:
0x38: {  	_ = 	snop;
	(pc) =	sbr.rel @!p1 .LBB2_5-.Ltmp4, $4  }
0x39: {  	_ =	swait.ge [sflag:s20], $0x2700  }
0x3a: {  	[sflag:s20] =	ssyncset.done $0x0  }
0x3b: {  	s11 =	rddreg [dreg:$0x6];
	[sflag:s20] =	ssyncadd.s32 $0xFFFFD900  }
0x3c: {  	_ = 	snop  }
.LBB2_3:
0x3d: {  	s6 =	rddreg [dreg:$0xe]  }
0x3e: {  	s25 =	rddreg [dreg:$0x7];
	s9 =	sor.u32 $0x1C06, s6  }
0x3f: {  	[spmem:s14], [sflag:s9] =	dma.local [hbm:s25], $0x2700  }
.Ltmp5:
0x40: {  	_ = 	snop;
	(pc) =	sbr.rel @p2 .LBB2_5-.Ltmp5, $4  }
0x41: {  	_ =	swait.ge [sflag:s20], $0x2700  }
0x42: {  	[sflag:s20] =	ssyncset.done $0x0  }
0x43: {  	[sflag:s20] =	ssyncadd.s32 $0xFFFFD900  }
0x44: {  	s11 =	rddreg [dreg:$0x2]  }
.LBB2_4:
0x45: {  	s11 =	sadd.s32 $0x27000, s11;
	s6 =	rddreg [dreg:$0x11]  }
0x46: {  	[spmem:s6], [sflag:s9] =	dma.local [hbm:s11], $0x100  }
0x47: {  	_ =	swait.ge [sflag:s20], $0x100  }
0x48: {  	[sflag:s20] =	ssyncset.done $0x0  }
0x49: {  	[sflag:s20] =	ssyncadd.s32 $0xFFFFFF00  }
.LBB2_5:
0x4a: {  	s9 =	simm.s32 $0x0;
	s6 =	rddreg [dreg:$0xa];
	s11 =	simm.s32 $0x138C0  }
0x4b: {  	[tilespmem:s11], [sflag:$0x6] =	stream.linear.gather [hbm4b:s6+s9], $0x600, $0x38;
	[tilespmem:$0x1F8C0] =	vst v63  }
0x4c: {  	_ =	swait.ge [sflag:s20], $0x600  }
0x4d: {  	[sflag:s20] =	ssyncset.done $0x0  }
0x4e: {  	[sflag:s20] =	ssyncadd.s32 $0xFFFFFA00  }
0x4f: {  	[tilespmem:s24], [sflag:$0x1] =	stream.indirect.gather [hbm4b:s1+s23], $0x80, s11, s23, $0xb8;
	[tilespmem:$0x1F8C0] =	vst v63  }
0x50: {  	s21 =	simm.s32 $0x139C0  }
0x51: {  	[tilespmem:s26], [sflag:$0x2] =	stream.indirect.gather [hbm4b:s1+s23], $0x80, s21, s23, $0xb8;
	[tilespmem:$0x1F8C0] =	vst v63  }
0x52: {  	s25 =	simm.s32 $0x13AC0  }
0x53: {  	[tilespmem:s29], [sflag:$0x3] =	stream.indirect.gather [hbm4b:s1+s23], $0x80, s25, s23, $0xb8;
	[tilespmem:$0x1F8C0] =	vst v63  }
0x54: {  	[bflag:$0x0] =	sbarrier.arrive $0xFFFF  }
0x55: {  	s11 =	rddreg [dreg:$0xd]  }
.LBB2_6:
0x56: {  	s25 =	sadd.s32 s9, s16;
	s6 =	simm.s32 $0x0  }
0x57: {  	[tilespmem:s30], [sflag:$0x5] =	stream.linear.gather [hbm4b:s25+s6], $0x600, $0x38;
	[tilespmem:$0x1F8C0] =	vst v63  }
0x58: {  	_ =	swait.ge [sflag:s31], $0x3C00  }
0x59: {  	[sflag:s31] =	ssyncset.done $0x0  }
0x5a: {  	s21 =	simm.s32 $0x13940;
	[sflag:s31] =	ssyncadd.s32 $0xFFFFC400  }
0x5b: {  	[spmem:s3] =	stream.indirect.scatter.add.f32 [tilespmem:s24], [sflag:$0x6], $0x80, s21, s23, $0xb8;
	[tilespmem:$0x1F8C0] =	vst v63  }
0x5c: {  	_ =	swait.ge [sflag:s20], $0x3C00  }
0x5d: {  	[sflag:s20] =	ssyncset.done $0x0  }
0x5e: {  	s25 =	simm.s32 $0x13BC0;
	[sflag:s20] =	ssyncadd.s32 $0xFFFFC400  }
0x5f: {  	[tilespmem:s24], [sflag:$0x1] =	stream.indirect.gather [hbm4b:s1+s23], $0x80, s25, s23, $0xb8;
	[tilespmem:$0x1F8C0] =	vst v63  }
0x60: {  	_ =	swait.ge [sflag:s2], $0x3C00  }
0x61: {  	[sflag:s2] =	ssyncset.done $0x0  }
0x62: {  	s14 =	simm.s32 $0x13A40;
	[sflag:s2] =	ssyncadd.s32 $0xFFFFC400  }
0x63: {  	[spmem:s3] =	stream.indirect.scatter.add.f32 [tilespmem:s26], [sflag:$0x6], $0x80, s14, s23, $0xb8;
	[tilespmem:$0x1F8C0] =	vst v63  }
0x64: {  	_ =	swait.ge [sflag:s20], $0x3C00  }
0x65: {  	[sflag:s20] =	ssyncset.done $0x0  }
0x66: {  	s21 =	simm.s32 $0x13CC0;
	[sflag:s20] =	ssyncadd.s32 $0xFFFFC400  }
0x67: {  	[tilespmem:s26], [sflag:$0x2] =	stream.indirect.gather [hbm4b:s1+s23], $0x80, s21, s23, $0xb8;
	[tilespmem:$0x1F8C0] =	vst v63  }
0x68: {  	_ =	swait.ge [sflag:s8], $0x3C00  }
0x69: {  	[sflag:s8] =	ssyncset.done $0x0  }
0x6a: {  	s25 =	simm.s32 $0x13B40;
	[sflag:s8] =	ssyncadd.s32 $0xFFFFC400  }
0x6b: {  	[spmem:s3] =	stream.indirect.scatter.add.f32 [tilespmem:s29], [sflag:$0x6], $0x80, s25, s23, $0xb8;
	[tilespmem:$0x1F8C0] =	vst v63  }
0x6c: {  	_ =	swait.ge [sflag:s20], $0x3C00  }
0x6d: {  	[sflag:s20] =	ssyncset.done $0x0  }
0x6e: {  	s14 =	simm.s32 $0x13DC0;
	[sflag:s20] =	ssyncadd.s32 $0xFFFFC400  }
0x6f: {  	[tilespmem:s29], [sflag:$0x3] =	stream.indirect.gather [hbm4b:s1+s23], $0x80, s14, s23, $0xb8;
	[tilespmem:$0x1F8C0] =	vst v63  }
0x70: {  	_ =	swait.ge [sflag:s31], $0x3C00  }
0x71: {  	[sflag:s31] =	ssyncset.done $0x0  }
0x72: {  	s21 =	simm.s32 $0x13C40;
	[sflag:s31] =	ssyncadd.s32 $0xFFFFC400  }
0x73: {  	[spmem:s3] =	stream.indirect.scatter.add.f32 [tilespmem:s24], [sflag:$0x6], $0x80, s21, s23, $0xb8;
	[tilespmem:$0x1F8C0] =	vst v63  }
0x74: {  	_ =	swait.ge [sflag:s20], $0x3C00  }
0x75: {  	[sflag:s20] =	ssyncset.done $0x0  }
0x76: {  	[sflag:s20] =	ssyncadd.s32 $0xFFFFC400  }
0x77: {  	_ =	swait.ge [sflag:s12], $0x600  }
0x78: {  	[sflag:s12] =	ssyncset.done $0x0  }
0x79: {  	[sflag:s12] =	ssyncadd.s32 $0xFFFFFA00  }
0x7a: {  	[tilespmem:s24], [sflag:$0x1] =	stream.indirect.gather [hbm4b:s1+s23], $0x80, s30, s23, $0xb8;
	[tilespmem:$0x1F8C0] =	vst v63  }
0x7b: {  	_ =	swait.ge [sflag:s2], $0x3C00  }
0x7c: {  	[sflag:s2] =	ssyncset.done $0x0  }
0x7d: {  	s25 =	simm.s32 $0x13D40;
	[sflag:s2] =	ssyncadd.s32 $0xFFFFC400  }
0x7e: {  	[spmem:s3] =	stream.indirect.scatter.add.f32 [tilespmem:s26], [sflag:$0x6], $0x80, s25, s23, $0xb8;
	[tilespmem:$0x1F8C0] =	vst v63  }
0x7f: {  	_ =	swait.ge [sflag:s20], $0x3C00  }
0x80: {  	[sflag:s20] =	ssyncset.done $0x0  }
0x81: {  	[sflag:s20] =	ssyncadd.s32 $0xFFFFC400  }
0x82: {  	[tilespmem:s26], [sflag:$0x2] =	stream.indirect.gather [hbm4b:s1+s23], $0x80, s10, s23, $0xb8;
	[tilespmem:$0x1F8C0] =	vst v63  }
0x83: {  	_ =	swait.ge [sflag:s8], $0x3C00  }
0x84: {  	[sflag:s8] =	ssyncset.done $0x0  }
0x85: {  	[sflag:s8] =	ssyncadd.s32 $0xFFFFC400  }
0x86: {  	[spmem:s3] =	stream.indirect.scatter.add.f32 [tilespmem:s29], [sflag:$0x6], $0x80, s15, s23, $0xb8;
	[tilespmem:$0x1F8C0] =	vst v63  }
0x87: {  	_ =	swait.ge [sflag:s20], $0x3C00  }
0x88: {  	p3 =	seq.s32 s9, $0x1380;
	[sflag:s20] =	ssyncset.done $0x0  }
0x89: {  	s25 =	sshrl.u32 @!p3 s11, $0x3;
	[sflag:s20] =	ssyncadd.s32 $0xFFFFC400  }
0x8a: {  	[tilespmem:s29], [sflag:$0x3] =	stream.indirect.gather [hbm4b:s1+s23], $0x80, s22, s23, $0xb8;
	[tilespmem:$0x1F8C0] =	vst v63  }
0x8b: {  	s6 =	simm.s32 @!p3 $0x138C0;
	s21 =	simm.s32 @!p3 $0x0;
	s25 =	sadd.s32 @!p3 s7, s25  }
0x8c: {  	[tilespmem:s6], [sflag:$0x4] =	stream.linear.gather @!p3 [hbm4b:s25+s21], $0x600, $0x38;
	[tilespmem:$0x1F8C0] =	vst v63  }
0x8d: {  	_ =	swait.ge [sflag:s31], $0x3C00  }
0x8e: {  	[sflag:s31] =	ssyncset.done $0x0  }
0x8f: {  	[sflag:s31] =	ssyncadd.s32 $0xFFFFC400  }
0x90: {  	[spmem:s3] =	stream.indirect.scatter.add.f32 [tilespmem:s24], [sflag:$0x6], $0x80, s18, s23, $0xb8;
	[tilespmem:$0x1F8C0] =	vst v63  }
0x91: {  	_ =	swait.ge [sflag:s20], $0x3C00  }
0x92: {  	[sflag:s20] =	ssyncset.done $0x0  }
0x93: {  	[sflag:s20] =	ssyncadd.s32 $0xFFFFC400  }
0x94: {  	[tilespmem:s24], [sflag:$0x1] =	stream.indirect.gather [hbm4b:s1+s23], $0x80, s17, s23, $0xb8;
	[tilespmem:$0x1F8C0] =	vst v63  }
0x95: {  	_ =	swait.ge [sflag:s2], $0x3C00  }
0x96: {  	[sflag:s2] =	ssyncset.done $0x0  }
0x97: {  	[sflag:s2] =	ssyncadd.s32 $0xFFFFC400  }
0x98: {  	[spmem:s3] =	stream.indirect.scatter.add.f32 [tilespmem:s26], [sflag:$0x6], $0x80, s13, s23, $0xb8;
	[tilespmem:$0x1F8C0] =	vst v63  }
0x99: {  	_ =	swait.ge [sflag:s20], $0x3C00  }
0x9a: {  	[sflag:s20] =	ssyncset.done $0x0  }
0x9b: {  	[sflag:s20] =	ssyncadd.s32 $0xFFFFC400  }
0x9c: {  	[tilespmem:s26], [sflag:$0x2] =	stream.indirect.gather [hbm4b:s1+s23], $0x80, s19, s23, $0xb8;
	[tilespmem:$0x1F8C0] =	vst v63  }
0x9d: {  	_ =	swait.ge [sflag:s8], $0x3C00  }
0x9e: {  	[sflag:s8] =	ssyncset.done $0x0  }
0x9f: {  	[sflag:s8] =	ssyncadd.s32 $0xFFFFC400  }
0xa0: {  	[spmem:s3] =	stream.indirect.scatter.add.f32 [tilespmem:s29], [sflag:$0x6], $0x80, s5, s23, $0xb8;
	[tilespmem:$0x1F8C0] =	vst v63  }
0xa1: {  	_ =	swait.ge [sflag:s20], $0x3C00  }
0xa2: {  	[sflag:s20] =	ssyncset.done $0x0  }
0xa3: {  	[sflag:s20] =	ssyncadd.s32 $0xFFFFC400  }
0xa4: {  	[tilespmem:s29], [sflag:$0x3] =	stream.indirect.gather [hbm4b:s1+s23], $0x80, s28, s23, $0xb8;
	[tilespmem:$0x1F8C0] =	vst v63  }
0xa5: {  	_ =	swait.ge [sflag:s31], $0x3C00  }
0xa6: {  	[sflag:s31] =	ssyncset.done $0x0  }
0xa7: {  	[sflag:s31] =	ssyncadd.s32 $0xFFFFC400  }
0xa8: {  	[spmem:s3] =	stream.indirect.scatter.add.f32 [tilespmem:s24], [sflag:$0x6], $0x80, s0, s23, $0xb8;
	[tilespmem:$0x1F8C0] =	vst v63  }
0xa9: {  	_ =	swait.ge [sflag:s20], $0x3C00  }
0xaa: {  	[sflag:s20] =	ssyncset.done $0x0  }
0xab: {  	s21 =	simm.s32 @p3 $0x2;
	[sflag:s20] =	ssyncadd.s32 $0xFFFFC400  }
0xac: {  	_ =	swait.ge @p3 [sflag:s21], $0x3C00  }
0xad: {  	s14 =	simm.s32 @p3 $0x180C0;
	[sflag:s21] =	ssyncset.done @p3 $0x0  }
0xae: {  	s25 =	simm.s32 @p3 $0x14340;
	[sflag:s21] =	ssyncadd.s32 @p3 $0xFFFFC400;
	s21 =	simm.s32 @p3 $0x78  }
0xaf: {  	[spmem:s3] =	stream.indirect.scatter.add.f32 @p3 [tilespmem:s14], [sflag:$0x6], $0x80, s25, s21, $0xb8;
	[tilespmem:$0x1F8C0] =	vst v63  }
0xb0: {  	s14 =	simm.s32 @p3 $0x6  }
0xb1: {  	_ =	swait.ge @p3 [sflag:s14], $0x3C00  }
0xb2: {  	[sflag:s14] =	ssyncset.done @p3 $0x0  }
0xb3: {  	[sflag:s14] =	ssyncadd.s32 @p3 $0xFFFFC400;
	s14 =	simm.s32 @!p3 $0x4  }
0xb4: {  	_ =	swait.ge @!p3 [sflag:s14], $0x600  }
0xb5: {  	[sflag:s14] =	ssyncset.done @!p3 $0x0  }
0xb6: {  	s21 =	simm.s32 @!p3 $0x144C0;
	[sflag:s14] =	ssyncadd.s32 @!p3 $0xFFFFFA00;
	s14 =	simm.s32 @!p3 $0x78  }
0xb7: {  	[tilespmem:s21], [sflag:$0x1] =	stream.indirect.gather @!p3 [hbm4b:s1+s14], $0x80, s6, s14, $0xb8;
	[tilespmem:$0x1F8C0] =	vst v63  }
0xb8: {  	s6 =	simm.s32 @!p3 $0x2  }
0xb9: {  	_ =	swait.ge @!p3 [sflag:s6], $0x3C00  }
0xba: {  	[sflag:s6] =	ssyncset.done @!p3 $0x0  }
0xbb: {  	s21 =	simm.s32 @!p3 $0x180C0;
	[sflag:s6] =	ssyncadd.s32 @!p3 $0xFFFFC400;
	s6 =	simm.s32 @!p3 $0x14340  }
0xbc: {  	[spmem:s3] =	stream.indirect.scatter.add.f32 @!p3 [tilespmem:s21], [sflag:$0x6], $0x80, s6, s14, $0xb8;
	[tilespmem:$0x1F8C0] =	vst v63  }
0xbd: {  	s6 =	simm.s32 @!p3 $0x6  }
0xbe: {  	_ =	swait.ge @!p3 [sflag:s6], $0x3C00  }
0xbf: {  	[sflag:s6] =	ssyncset.done @!p3 $0x0  }
0xc0: {  	[sflag:s6] =	ssyncadd.s32 @!p3 $0xFFFFC400;
	s6 =	simm.s32 @!p3 $0x139C0  }
0xc1: {  	[tilespmem:s21], [sflag:$0x2] =	stream.indirect.gather @!p3 [hbm4b:s1+s14], $0x80, s6, s14, $0xb8;
	[tilespmem:$0x1F8C0] =	vst v63  }
0xc2: {  	_ =	swait.ge [sflag:s8], $0x3C00  }
0xc3: {  	[sflag:s8] =	ssyncset.done $0x0  }
.Ltmp6:
0xc4: {  	[sflag:s8] =	ssyncadd.s32 $0xFFFFC400;
	(pc) =	sbr.rel @p3 .LBB2_8-.Ltmp6, $4  }
0xc5: {  	[spmem:s3] =	stream.indirect.scatter.add.f32 [tilespmem:s29], [sflag:$0x6], $0x80, s4, s23, $0xb8;
	[tilespmem:$0x1F8C0] =	vst v63  }
0xc6: {  	_ =	swait.ge [sflag:s20], $0x3C00  }
0xc7: {  	[sflag:s20] =	ssyncset.done $0x0  }
0xc8: {  	[sflag:s20] =	ssyncadd.s32 $0xFFFFC400  }
.Ltmp7:
0xc9: {  	(pc) =	sbr.rel .LBB2_6-.Ltmp7, $3  }
0xca: {  	_ =	sdelay $0x1  }
0xcb: {  	s6 =	simm.s32 $0x13AC0;
	s11 =	sadd.s32 $0xC00, s11;
	s9 =	sadd.s32 $0x180, s9  }
0xcc: {  	[tilespmem:s29], [sflag:$0x3] =	stream.indirect.gather [hbm4b:s1+s23], $0x80, s6, s23, $0xb8;
	[tilespmem:$0x1F8C0] =	vst v63  }
.LBB2_9:
0xcd: {  	_ =	sfence.sel $0x180000  }
0xce: {  	[bflag:$0x0] =	sbarrier.arrive $0xFFFF  }
0xcf: {  	_ =	strace $0x9000004A  }
0xd0: {  	s0 =	stileid.u32;
	[bflag:$0x2] =	sbarrier.arrive $0xFFFF  }
0xd1: {  	p0 =	sne.s32 s0, $0x0;
	s0 =	rddreg [dreg:$0x4]  }
0xd2: {  	s0 =	sadd.s32 @!p0 $0x100000, s0  }
0xd3: {  	[sflag:s0] =	ssyncadd.tile.s32 @!p0 $0x1;
	_ =	shalt  }
.Lfunc_end2:
_tile_overlayer_lowered:
.L_overlay_start_2:
0xd4: {  	(tag) =	ssettag $0x2  }
0xd5: {  	s0 =	rddreg [dreg:$0x0];
	s2 =	stileid.u32  }
0xd6: {  	s1 =	rddreg [dreg:$0x1];
	p0 =	sne.s32 s2, $0x0  }
0xd7: {  	s3 =	rddreg [dreg:$0x2];
	[bflag:$0x3] =	sbarrier.arrive $0xFFFF;
	s2 =	simm.s32 @!p0 $0x1C06  }
0xd8: {  	[timem:s3], [sflag:s2] =	dma.local @!p0 [hbm:s0], s1  }
0xd9: {  	s0 =	simm.s32 @!p0 $0x6  }
0xda: {  	_ =	swait.ge @!p0 [sflag:s0], s1  }
0xdb: {  	s1 =	ssub.s32 @!p0 $0x0, s1;
	[sflag:s0] =	ssyncset.done @!p0 $0x0  }
0xdc: {  	[sflag:s0] =	ssyncadd.s32 @!p0 s1  }
0xdd: {  	[bflag:$0x3] =	sbarrier.arrive $0xFFFF  }
0xde: {  	_ =	shalt  }

// kernel: kernel.7.cloned.1.call-start
scs
__scs_entry_jumppad:
0x0: {  	(pc) =	sbr.rel $0x88, $3  }
0x1: {  	(tag) =	ssettag $0x0;
	lr =	simm.s32 $0x1  }
0x2: {  	[smem:$0x3F97] =	sst lr;
	_ =	strace $0xD0000000  }
0x3: {  	_ = 	snop  }
0x4: {  	_ = 	snop  }
0x5: {  	_ = 	snop  }
0x6: {  	_ = 	snop  }
0x7: {  	_ = 	snop  }
__scs_overlays_trampoline_lowered:
0x8: {  	[smem:$0x3FA6] =	sst s0  }
0x9: {  	[smem:$0x3FA7] =	sst s1  }
0xa: {  	[smem:$0x3FA8] =	sst s2  }
0xb: {  	[smem:$0x3FA9] =	sst s3  }
0xc: {  	[smem:$0x3FAA] =	sst s4  }
0xd: {  	[smem:$0x3FAB] =	sst s5  }
0xe: {  	[smem:$0x3FAC] =	sst s6  }
0xf: {  	[smem:$0x3FAD] =	sst s7  }
0x10: {  	[smem:$0x3FAE] =	sst s8  }
0x11: {  	[smem:$0x3FAF] =	sst s9;
	s0 =	simm.s32 @!p0 $0x0  }
0x12: {  	s1 =	sld [smem:$0x3F95];
	s0 =	simm.s32 @p0 $0x1  }
0x13: {  	[smem:$0x3FB0] =	sst s0;
	s0 =	simm.s32 @!p1 $0x0  }
0x14: {  	s2 =	sld [smem:$0x3F94];
	s0 =	simm.s32 @p1 $0x1  }
0x15: {  	[smem:$0x3FB1] =	sst s0;
	s0 =	simm.s32 @!p2 $0x0  }
0x16: {  	s3 =	sld [smem:$0x3FDB];
	s0 =	simm.s32 @p2 $0x1  }
0x17: {  	s4 =	simm.s32 $0x1BF5;
	[smem:$0x3FB3] =	sst s0  }
0x18: {  	s0 =	sld [smem:$0x3F96];
	_ =	swait.ge [sflag:s4], $0x0  }
0x19: {  	s7 =	sld [smem:$0x3F97]  }
0x1a: {  	s8 =	sadd.s32 $0xFFFFE003, lr  }
0x1b: {  	s9 =	sadd.s32 $0xFFFFFEF7, lr;
	s5 =	simm.s32 $0xFFFFFFFF;
	p2 =	slt.u32 s8, $0xFFFFF086  }
0x1c: {  	p1 =	slt.u32 s9, $0xF7A;
	s5 =	simm.s32 @!p2 $0x0  }
0x1d: {  	s5 =	simm.s32 @p1 $0x1;
	p0 =	seq.s32 s7, s2  }
0x1e: {  	s7 =	smul.u32 @!p0 $0xF7A, s2;
	p2 =	seq.s32 @!p0 s5, $0x0  }
0x1f: {  	s9 =	smul.u32 $0xF7A, s1;
	s8 =	simm.s32 @!p0 $0x1BF5;
	p2 =	por !p2, p0  }
0x20: {  	[sflag:s8] =	ssyncset.s32 @!p0 $0xFFFFF086;
	s6 =	sadd.s32 @!p0 s3, s7;
	s7 =	simm.s32 @!p0 $0x108  }
0x21: {  	s3 =	sadd.s32 s3, s9;
	s6 =	sadd.s32 @!p0 $0x88, s6;
	s7 =	simm.s32 @p2 $0x1082  }
0x22: {  	[simem:s7], [sflag:s8] =	dma.local @!p0 [hbm:s6], $0xF7A  }
0x23: {  	s9 =	sor.u32 $0xD0000000, s2;
	s6 =	simm.s32 $0x108;
	_ =	swait.ge @!p0 [sflag:s8], $0x0  }
0x24: {  	s3 =	sadd.s32 $0x88, s3;
	s6 =	simm.s32 @!p1 $0x1082;
	[sflag:s4] =	ssyncset.s32 $0xFFFFF086  }
0x25: {  	[simem:s6], [sflag:s4] =	dma.local [hbm:s3], $0xF7A  }
0x26: {  	[smem:$0x3F97] =	sst s1;
	(tag) =	ssettag s2;
	_ =	strace s9  }
0x27: {  	s1 =	sld [smem:$0x3FA7]  }
0x28: {  	s2 =	sld [smem:$0x3FA8]  }
0x29: {  	s4 =	sld [smem:$0x3FAA]  }
0x2a: {  	p0 =	seq.s32 s5, $0x0;
	s5 =	sld [smem:$0x3FAB]  }
0x2b: {  	s6 =	sld [smem:$0x3FAC]  }
0x2c: {  	s7 =	sld [smem:$0x3FAD]  }
0x2d: {  	s3 =	simm.s32 $0x108;
	s8 =	sld [smem:$0x3FAE]  }
0x2e: {  	s3 =	simm.s32 @!p0 $0x1082;
	s9 =	sld [smem:$0x3FAF]  }
0x2f: {  	lr =	sadd.s32 s0, s3;
	s0 =	sld [smem:$0x3FA6]  }
0x30: {  	s3 =	sld [smem:$0x3FA9]  }
0x31: {  	[smem:$0x3FB2] =	sst s10  }
0x32: {  	s10 =	sld [smem:$0x3FB0];
	_ =	sdelay $0x3  }
0x33: {  	p0 =	seq.s32 s10, $0x1;
	s10 =	sld [smem:$0x3FB2];
	_ =	sdelay $0x3  }
0x34: {  	[smem:$0x3FB2] =	sst s10  }
0x35: {  	s10 =	sld [smem:$0x3FB1];
	_ =	sdelay $0x3  }
0x36: {  	p1 =	seq.s32 s10, $0x1;
	s10 =	sld [smem:$0x3FB2];
	_ =	sdelay $0x3  }
0x37: {  	[smem:$0x3FB2] =	sst s10  }
0x38: {  	s10 =	sld [smem:$0x3FB3]  }
0x39: {  	_ = 	snop;
	(pc) =	sbr.ind lr, $3  }
0x3a: {  	_ = 	snop  }
0x3b: {  	_ = 	snop  }
0x3c: {  	p2 =	seq.s32 s10, $0x1;
	s10 =	sld [smem:$0x3FB2]  }
0x3d: {  	_ =	shalt  }
0x3e: {  	_ =	shalt  }
0x3f: {  	_ =	shalt  }
0x40: {  	_ =	shalt  }
0x41: {  	_ =	shalt  }
0x42: {  	_ =	shalt  }
0x43: {  	_ =	shalt  }
0x44: {  	_ =	shalt  }
0x45: {  	_ =	shalt  }
0x46: {  	_ =	shalt  }
0x47: {  	_ =	shalt  }
0x48: {  	_ =	shalt  }
0x49: {  	_ =	shalt  }
0x4a: {  	_ =	shalt  }
0x4b: {  	_ =	shalt  }
0x4c: {  	_ =	shalt  }
0x4d: {  	_ =	shalt  }
0x4e: {  	_ =	shalt  }
0x4f: {  	_ =	shalt  }
0x50: {  	_ =	shalt  }
0x51: {  	_ =	shalt  }
0x52: {  	_ =	shalt  }
0x53: {  	_ =	shalt  }
0x54: {  	_ =	shalt  }
0x55: {  	_ =	shalt  }
0x56: {  	_ =	shalt  }
0x57: {  	_ =	shalt  }
0x58: {  	_ =	shalt  }
0x59: {  	_ =	shalt  }
0x5a: {  	_ =	shalt  }
0x5b: {  	_ =	shalt  }
0x5c: {  	_ =	shalt  }
0x5d: {  	_ =	shalt  }
0x5e: {  	_ =	shalt  }
0x5f: {  	_ =	shalt  }
0x60: {  	_ =	shalt  }
0x61: {  	_ =	shalt  }
0x62: {  	_ =	shalt  }
0x63: {  	_ =	shalt  }
0x64: {  	_ =	shalt  }
0x65: {  	_ =	shalt  }
0x66: {  	_ =	shalt  }
0x67: {  	_ =	shalt  }
0x68: {  	_ =	shalt  }
0x69: {  	_ =	shalt  }
0x6a: {  	_ =	shalt  }
0x6b: {  	_ =	shalt  }
0x6c: {  	_ =	shalt  }
0x6d: {  	_ =	shalt  }
0x6e: {  	_ =	shalt  }
0x6f: {  	_ =	shalt  }
0x70: {  	_ =	shalt  }
0x71: {  	_ =	shalt  }
0x72: {  	_ =	shalt  }
0x73: {  	_ =	shalt  }
0x74: {  	_ =	shalt  }
0x75: {  	_ =	shalt  }
0x76: {  	_ =	shalt  }
0x77: {  	_ =	shalt  }
0x78: {  	_ =	shalt  }
0x79: {  	_ =	shalt  }
0x7a: {  	_ =	shalt  }
0x7b: {  	_ =	shalt  }
0x7c: {  	_ =	shalt  }
0x7d: {  	_ =	shalt  }
0x7e: {  	_ =	shalt  }
0x7f: {  	_ =	shalt  }
0x80: {  	_ =	shalt  }
0x81: {  	_ =	shalt  }
0x82: {  	_ =	shalt  }
0x83: {  	_ =	shalt  }
0x84: {  	_ =	shalt  }
0x85: {  	_ =	shalt  }
0x86: {  	_ =	shalt  }
0x87: {  	_ =	shalt  }
.Lfunc_end0:
.L_simem_size_0:
called_computation_lowered:
.L_overlay_start_0:
0x88: {  	s2 =	sld [smem:$0x3FD9]  }
0x89: {  	s3 =	sld [smem:$0x3FFE];
	_ =	sdelay $0x1  }
0x8a: {  	s1 =	srdreg.scid  }
0x8b: {  	s0 =	sand.u32 $0x1, s1  }
0x8c: {  	s17 =	sshll.u32 s0, $0xA;
	s2 =	sadd.s32 s3, s2  }
0x8d: {  	s2 =	sadd.s32 s2, s17  }
0x8e: {  	[smem:$0x3FBE] =	sst s2  }
0x8f: {  	_ = 	snop  }
0x90: {  	s2 =	sld [smem:$0x3FD0];
	(tm) =	ssettm $0x1  }
0x91: {  	s18 =	sld [smem:$0x3FFB];
	_ =	sdelay $0x3  }
0x92: {  	_ =	strace s18  }
0x93: {  	s3 =	sld [smem:$0x3FFC];
	_ =	sdelay $0x3  }
0x94: {  	_ =	strace s3  }
0x95: {  	s3 =	sld [smem:$0x3FFD];
	_ =	sdelay $0x3  }
0x96: {  	_ =	strace s3  }
0x97: {  	_ =	strace $0x8FFFFFFF  }
0x98: {  	s19 =	sld [smem:$0x3FDB];
	_ =	sdelay $0x1  }
0x99: {  	s4 =	simm.s32 $_scs_section_size  }
0x9a: {  	s5 =	simm.s32 $_size__tile_overlayer_lowered;
	s6 =	simm.s32 $_tile_overlayer_lowered  }
0x9b: {  	s22 =	simm.s32 $0x1BFF;
	s21 =	sshll.u32 s6, $0x1;
	s3 =	sadd.s32 s4, s19  }
0x9c: {  	s7 =	simm.s32 $0x0;
	s20 =	sshll.u32 s5, $0x1;
	s5 =	sadd.s32 s21, s3  }
0x9d: {  	[timem:s7], [sflag:s22] =	dma.local [hbm:s5], s20  }
0x9e: {  	_ =	swait.ge [sflag:s22], s20  }
0x9f: {  	s4 =	ssub.s32 $0x0, s20;
	[sflag:s22] =	ssyncset.done $0x0  }
0xa0: {  	[sflag:s22] =	ssyncadd.s32 s4;
	_ =	sdelay $0x1  }
0xa1: {  	s23 =	simm.s32 $0x1B8B  }
0xa2: {  	_ =	swait.ge [sflag:s23], $0x1  }
0xa3: {  	[sflag:s23] =	ssyncset.done $0x0  }
0xa4: {  	s25 =	simm.s32 $0x1B8E;
	s24 =	sld [smem:$0x3FFE];
	[sflag:s23] =	ssyncadd.s32 $0xFFFFFFFF  }
0xa5: {  	s26 =	simm.s32 $execute0_lowered;
	[smem:$0x3FD2] =	sst s25  }
0xa6: {  	s5 =	sshll.u32 s26, $0x1;
	_ =	strace $0x80000046;
	[dreg:$0x1] =	wrdreg $0xFFFFFFFF  }
0xa7: {  	s28 =	simm.s32 $_size_execute0_lowered;
	s3 =	sadd.s32 s3, s5;
	[dreg:$0x0] =	wrdreg $0x0  }
0xa8: {  	s5 =	sshll.u32 s28, $0x1;
	[dreg:$0x2] =	wrdreg s3  }
0xa9: {  	[dreg:$0x3] =	wrdreg s5  }
0xaa: {  	[dreg:$0x4] =	wrdreg $0xC0  }
0xab: {  	_ =	task [dreg:s7], $0x5FFFF  }
0xac: {  	[dreg:$0x1] =	wrdreg $0xFFFFFFFF  }
0xad: {  	[dreg:$0x0] =	wrdreg $0x60  }
0xae: {  	[dreg:$0x2] =	wrdreg s24  }
0xaf: {  	[dreg:$0x3] =	wrdreg s2  }
0xb0: {  	[dreg:$0x4] =	wrdreg $0x0  }
0xb1: {  	[dreg:$0x5] =	wrdreg $0x9  }
0xb2: {  	_ =	task.clear_ibuf [dreg:s7], $0x6FFFF;
	_ =	strace $0x90000046  }
0xb3: {  	s29 =	simm.s32 $0x9;
	_ =	strace $0x80000048  }
0xb4: {  	_ =	swait.ge [sflag:s29], $0x1  }
0xb5: {  	[sflag:s29] =	ssyncadd.s32 $0xFFFFFFFF  }
0xb6: {  	_ =	strace $0x90000048  }
0xb7: {  	_ =	sfence  }
0xb8: {  	s30 =	sld [smem:$0x0];
	_ =	sdelay $0x2  }
0xb9: {  	s31 =	sshll.u32 s1, $0xD;
	s1 =	sshrl.u32 s1, $0x2  }
0xba: {  	s3 =	sand.u32 $0x4000, s31;
	s1 =	sadd.s32 s1, s30  }
0xbb: {  	s0 =	sor.u32 s3, s0;
	s1 =	sshll.u32 s1, $0x11  }
0xbc: {  	s0 =	sor.u32 s1, s0  }
0xbd: {  	s0 =	sadd.s32 $0x8F2B, s0  }
0xbe: {  	[sflag:s0] =	ssyncadd.remote.s32 $0x1  }
0xbf: {  	_ =	sfence.sel $0xFFFF  }
0xc0: {  	[dreg:$0x0] =	wrdreg $0xFFFFFFFF;
	(pc) =	sbr.abs _section_cstart, $3  }
0xc1: {  	[dreg:$0x1] =	wrdreg $0xFFFFFFFF  }
0xc2: {  	_ =	task.clear_ibuf [dreg:s7], $0x2FFFF;
	_ =	strace $0x9FFFFFFF  }
0xc3: {  	(tm) =	ssettm $0x7FFFFFFF  }
tec
execute0_lowered:
.L_overlay_start_1:
0x0: {  	(tag) =	ssettag $0x1  }
0x1: {  	s0 =	rddreg [dreg:$0x0]  }
0x2: {  	s1 =	rddreg [dreg:$0x1]  }
0x3: {  	s2 =	rddreg [dreg:$0x2];
	s4 =	simm.s32 $0x0  }
0x4: {  	s3 =	srdreg.scid;
	s11 =	stileid.u32;
	s29 =	simm.s32 $0x1BCC0  }
0x5: {  	s30 =	simm.s32 $0x13EC0;
	s31 =	simm.s32 $0x1;
	s15 =	simm.s32 $0x13E40  }
0x6: {  	s28 =	simm.s32 $0x143C0;
	[smem:$0x7FF] =	sst s4;
	s7 =	smul.u32 $0x4E000, s11  }
0x7: {  	s3 =	sand.u32 $0x1, s3;
	s5 =	sadd.s32 $0x2A00, s0;
	s12 =	smul.u32 $0x2700, s11  }
0x8: {  	s13 =	sadd.s32 $0x2CA00, s0;
	s14 =	sadd.s32 $0x53C00, s0;
	s10 =	smul.u32 $0xA800, s11  }
0x9: {  	s19 =	sadd.s32 $0x138000, s2;
	s25 =	sshll.u32 s11, $0x6;
	p1 =	seq.s32 s11, $0xF  }
0xa: {  	p2 =	sne.s32 s11, $0xF;
	_ =	strace $0x80000047;
	[dreg:$0x6] =	wrdreg s14  }
0xb: {  	s16 =	smul.u32 $0x27100, s3;
	s6 =	sshll.u32 s3, $0x4;
	[dreg:$0x5] =	wrdreg s13  }
0xc: {  	s17 =	ssub.s32 $0x2, s3;
	s8 =	smul.u32 $0xA8000, s3;
	[dreg:$0xe] =	wrdreg s25  }
0xd: {  	p0 =	sne.s32 s3, $0x0;
	[dreg:$0x8] =	wrdreg s19;
	s26 =	sshrl.u32 s19, $0x3  }
0xe: {  	s19 =	simm.s32 $0x142C0;
	s3 =	simm.s32 $0x14140;
	s6 =	sor.u32 s11, s6  }
0xf: {  	s9 =	sshrl.u32 s17, $0x1;
	s7 =	sshrl.u32 s7, $0x2;
	[dreg:$0x4] =	wrdreg s12  }
0x10: {  	s18 =	sadd.s32 s14, s12;
	s20 =	sadd.s32 s13, s12;
	[dreg:$0x11] =	wrdreg s26  }
0x11: {  	s26 =	simm.s32 $0x180C0;
	s12 =	simm.s32 $0x5;
	s13 =	simm.s32 $0x14040  }
0x12: {  	s11 =	simm.s32 $0x0;
	s6 =	smul.u32 $0xA800, s6;
	s0 =	sadd.s32 s16, s0  }
0x13: {  	s4 =	ssub.s32 s17, s9;
	s7 =	sadd.s32 s7, s2;
	[dreg:$0x7] =	wrdreg s18  }
0x14: {  	s8 =	sadd.s32 s10, s8;
	[dreg:$0x9] =	wrdreg s20;
	s20 =	simm.s32 $0x6  }
0x15: {  	s9 =	simm.s32 $0x2;
	s10 =	simm.s32 $0x13FC0;
	s18 =	simm.s32 $0x13F40  }
0x16: {  	s17 =	simm.s32 $0x141C0;
	s21 =	sor.u32 $0x600, s8;
	s0 =	sadd.s32 $0x7AE00, s0  }
0x17: {  	s22 =	smax.u32 s4, $0x1;
	s24 =	sadd.s32 $0xC00, s8;
	s14 =	sshrl.u32 s7, $0x3  }
0x18: {  	s8 =	simm.s32 $0x3;
	s4 =	simm.s32 $0x14440;
	[dreg:$0xb] =	wrdreg s0  }
.Ltmp0:
0x19: {  	s6 =	sshrl.u32 s6, $0x3;
	[dreg:$0xc] =	wrdreg s22;
	(pc) =	sbr.rel .LBB2_1-.Ltmp0, $4  }
0x1a: {  	s23 =	sshrl.u32 s21, $0x3;
	[dreg:$0xd] =	wrdreg s24;
	s0 =	sor.u32 $0x1C06, s25  }
0x1b: {  	s24 =	simm.s32 $0x144C0;
	s22 =	simm.s32 $0x140C0;
	[dreg:$0x10] =	wrdreg s14  }
0x1c: {  	s6 =	sadd.s32 s5, s6;
	s16 =	sadd.s32 s23, s5;
	[dreg:$0xf] =	wrdreg s0  }
0x1d: {  	s23 =	simm.s32 $0x78;
	s0 =	simm.s32 $0x14240;
	[dreg:$0xa] =	wrdreg s6  }
.LBB2_8:
0x1e: {  	[bflag:$0x0] =	sbarrier.arrive $0xFFFF  }
0x1f: {  	s6 =	rddreg [dreg:$0x4]  }
0x20: {  	s11 =	rddreg [dreg:$0xb]  }
0x21: {  	s7 =	rddreg [dreg:$0xe]  }
0x22: {  	s14 =	rddreg [dreg:$0x10];
	s6 =	sadd.s32 s6, s11;
	s7 =	sor.u32 $0x1C06, s7  }
0x23: {  	[hbm:s6], [sflag:s7] =	dma.local [spmem:s14], $0x2700  }
0x24: {  	_ =	swait.ge [sflag:s20], $0x2700  }
0x25: {  	s6 =	sadd.s32 @!p2 $0x27000, s11;
	[sflag:s20] =	ssyncset.done $0x0;
	s11 =	rddreg [dreg:$0x8]  }
0x26: {  	[sflag:s20] =	ssyncadd.s32 $0xFFFFD900;
	s11 =	sshrl.u32 @!p2 s11, $0x3  }
0x27: {  	[hbm:s6], [sflag:s7] =	dma.local @!p2 [spmem:s11], $0x100  }
0x28: {  	s6 =	simm.s32 @!p2 $0x6  }
0x29: {  	_ =	swait.ge @!p2 [sflag:s6], $0x100  }
0x2a: {  	s21 =	rddreg [dreg:$0x12]  }
0x2b: {  	s25 =	rddreg [dreg:$0xc];
	s11 =	sadd.s32 $0x1, s21  }
0x2c: {  	p3 =	sne.s32 s11, s25  }
.Ltmp1:
0x2d: {  	_ = 	snop;
	(pc) =	sbr.rel @!p3 .LBB2_9-.Ltmp1, $3  }
0x2e: {  	_ =	sdelay $0x1  }
0x2f: {  	[sflag:s6] =	ssyncset.done @!p2 $0x0  }
0x30: {  	[sflag:s6] =	ssyncadd.s32 @!p2 $0xFFFFFF00  }
.LBB2_1:
.Ltmp2:
0x31: {  	(pc) =	sbr.rel @p0 .LBB2_3-.Ltmp2, $2  }
0x32: {  	_ =	sdelay $0x2  }
0x33: {  	[dreg:$0x12] =	wrdreg s11  }
0x34: {  	s6 =	rddreg [dreg:$0x9]  }
0x35: {  	s7 =	rddreg [dreg:$0xf]  }
0x36: {  	[spmem:s14], [sflag:s7] =	dma.local [hbm:s6], $0x2700  }
.Ltmp3:
0x37: {  	_ = 	snop;
	(pc) =	sbr.rel @p1 .LBB2_4-.Ltmp3, $4  }
.Ltmp4:
0x38: {  	_ = 	snop;
	(pc) =	sbr.rel @!p1 .LBB2_5-.Ltmp4, $4  }
0x39: {  	_ =	swait.ge [sflag:s20], $0x2700  }
0x3a: {  	[sflag:s20] =	ssyncset.done $0x0  }
0x3b: {  	s11 =	rddreg [dreg:$0x5];
	[sflag:s20] =	ssyncadd.s32 $0xFFFFD900  }
0x3c: {  	_ = 	snop  }
.LBB2_3:
0x3d: {  	s6 =	rddreg [dreg:$0xe]  }
.Ltmp5:
0x3e: {  	s25 =	rddreg [dreg:$0x7];
	s7 =	sor.u32 $0x1C06, s6;
	(pc) =	sbr.rel @p2 .LBB2_5-.Ltmp5, $4  }
0x3f: {  	[spmem:s14], [sflag:s7] =	dma.local [hbm:s25], $0x2700  }
0x40: {  	_ =	swait.ge [sflag:s20], $0x2700  }
0x41: {  	[sflag:s20] =	ssyncset.done $0x0  }
0x42: {  	s11 =	rddreg [dreg:$0x6];
	[sflag:s20] =	ssyncadd.s32 $0xFFFFD900  }
.LBB2_4:
0x43: {  	s11 =	sadd.s32 $0x27000, s11;
	s6 =	rddreg [dreg:$0x11]  }
0x44: {  	[spmem:s6], [sflag:s7] =	dma.local [hbm:s11], $0x100  }
0x45: {  	_ =	swait.ge [sflag:s20], $0x100  }
0x46: {  	[sflag:s20] =	ssyncset.done $0x0  }
0x47: {  	[sflag:s20] =	ssyncadd.s32 $0xFFFFFF00  }
.LBB2_5:
0x48: {  	s11 =	simm.s32 $0x0;
	s6 =	rddreg [dreg:$0xa];
	s7 =	simm.s32 $0x138C0  }
0x49: {  	[tilespmem:s7], [sflag:$0x6] =	stream.linear.gather [hbm4b:s6+s11], $0x600, $0x38;
	[tilespmem:$0x1F8C0] =	vst v63  }
0x4a: {  	_ =	swait.ge [sflag:s20], $0x600  }
0x4b: {  	[sflag:s20] =	ssyncset.done $0x0  }
0x4c: {  	[sflag:s20] =	ssyncadd.s32 $0xFFFFFA00  }
0x4d: {  	[tilespmem:s24], [sflag:$0x1] =	stream.indirect.gather [hbm4b:s1+s23], $0x80, s7, s23, $0xb8;
	[tilespmem:$0x1F8C0] =	vst v63  }
0x4e: {  	s21 =	simm.s32 $0x139C0  }
0x4f: {  	[tilespmem:s26], [sflag:$0x2] =	stream.indirect.gather [hbm4b:s1+s23], $0x80, s21, s23, $0xb8;
	[tilespmem:$0x1F8C0] =	vst v63  }
0x50: {  	s25 =	simm.s32 $0x13AC0  }
0x51: {  	[tilespmem:s29], [sflag:$0x3] =	stream.indirect.gather [hbm4b:s1+s23], $0x80, s25, s23, $0xb8;
	[tilespmem:$0x1F8C0] =	vst v63  }
0x52: {  	[bflag:$0x0] =	sbarrier.arrive $0xFFFF  }
0x53: {  	s7 =	rddreg [dreg:$0xd]  }
.LBB2_6:
0x54: {  	s25 =	sadd.s32 s11, s16;
	s6 =	simm.s32 $0x0  }
0x55: {  	[tilespmem:s30], [sflag:$0x5] =	stream.linear.gather [hbm4b:s25+s6], $0x600, $0x38;
	[tilespmem:$0x1F8C0] =	vst v63  }
0x56: {  	_ =	swait.ge [sflag:s31], $0x3C00  }
0x57: {  	[sflag:s31] =	ssyncset.done $0x0  }
0x58: {  	s21 =	simm.s32 $0x13940;
	[sflag:s31] =	ssyncadd.s32 $0xFFFFC400  }
0x59: {  	[spmem:s2] =	stream.indirect.scatter.add.f32 [tilespmem:s24], [sflag:$0x6], $0x80, s21, s23, $0xb8;
	[tilespmem:$0x1F8C0] =	vst v63  }
0x5a: {  	_ =	swait.ge [sflag:s20], $0x3C00  }
0x5b: {  	[sflag:s20] =	ssyncset.done $0x0  }
0x5c: {  	s25 =	simm.s32 $0x13BC0;
	[sflag:s20] =	ssyncadd.s32 $0xFFFFC400  }
0x5d: {  	[tilespmem:s24], [sflag:$0x1] =	stream.indirect.gather [hbm4b:s1+s23], $0x80, s25, s23, $0xb8;
	[tilespmem:$0x1F8C0] =	vst v63  }
0x5e: {  	_ =	swait.ge [sflag:s9], $0x3C00  }
0x5f: {  	[sflag:s9] =	ssyncset.done $0x0  }
0x60: {  	s14 =	simm.s32 $0x13A40;
	[sflag:s9] =	ssyncadd.s32 $0xFFFFC400  }
0x61: {  	[spmem:s2] =	stream.indirect.scatter.add.f32 [tilespmem:s26], [sflag:$0x6], $0x80, s14, s23, $0xb8;
	[tilespmem:$0x1F8C0] =	vst v63  }
0x62: {  	_ =	swait.ge [sflag:s20], $0x3C00  }
0x63: {  	[sflag:s20] =	ssyncset.done $0x0  }
0x64: {  	s21 =	simm.s32 $0x13CC0;
	[sflag:s20] =	ssyncadd.s32 $0xFFFFC400  }
0x65: {  	[tilespmem:s26], [sflag:$0x2] =	stream.indirect.gather [hbm4b:s1+s23], $0x80, s21, s23, $0xb8;
	[tilespmem:$0x1F8C0] =	vst v63  }
0x66: {  	_ =	swait.ge [sflag:s8], $0x3C00  }
0x67: {  	[sflag:s8] =	ssyncset.done $0x0  }
0x68: {  	s25 =	simm.s32 $0x13B40;
	[sflag:s8] =	ssyncadd.s32 $0xFFFFC400  }
0x69: {  	[spmem:s2] =	stream.indirect.scatter.add.f32 [tilespmem:s29], [sflag:$0x6], $0x80, s25, s23, $0xb8;
	[tilespmem:$0x1F8C0] =	vst v63  }
0x6a: {  	_ =	swait.ge [sflag:s20], $0x3C00  }
0x6b: {  	[sflag:s20] =	ssyncset.done $0x0  }
0x6c: {  	s14 =	simm.s32 $0x13DC0;
	[sflag:s20] =	ssyncadd.s32 $0xFFFFC400  }
0x6d: {  	[tilespmem:s29], [sflag:$0x3] =	stream.indirect.gather [hbm4b:s1+s23], $0x80, s14, s23, $0xb8;
	[tilespmem:$0x1F8C0] =	vst v63  }
0x6e: {  	_ =	swait.ge [sflag:s31], $0x3C00  }
0x6f: {  	[sflag:s31] =	ssyncset.done $0x0  }
0x70: {  	s21 =	simm.s32 $0x13C40;
	[sflag:s31] =	ssyncadd.s32 $0xFFFFC400  }
0x71: {  	[spmem:s2] =	stream.indirect.scatter.add.f32 [tilespmem:s24], [sflag:$0x6], $0x80, s21, s23, $0xb8;
	[tilespmem:$0x1F8C0] =	vst v63  }
0x72: {  	_ =	swait.ge [sflag:s20], $0x3C00  }
0x73: {  	[sflag:s20] =	ssyncset.done $0x0  }
0x74: {  	[sflag:s20] =	ssyncadd.s32 $0xFFFFC400  }
0x75: {  	_ =	swait.ge [sflag:s12], $0x600  }
0x76: {  	[sflag:s12] =	ssyncset.done $0x0  }
0x77: {  	[sflag:s12] =	ssyncadd.s32 $0xFFFFFA00  }
0x78: {  	[tilespmem:s24], [sflag:$0x1] =	stream.indirect.gather [hbm4b:s1+s23], $0x80, s30, s23, $0xb8;
	[tilespmem:$0x1F8C0] =	vst v63  }
0x79: {  	_ =	swait.ge [sflag:s9], $0x3C00  }
0x7a: {  	[sflag:s9] =	ssyncset.done $0x0  }
0x7b: {  	s25 =	simm.s32 $0x13D40;
	[sflag:s9] =	ssyncadd.s32 $0xFFFFC400  }
0x7c: {  	[spmem:s2] =	stream.indirect.scatter.add.f32 [tilespmem:s26], [sflag:$0x6], $0x80, s25, s23, $0xb8;
	[tilespmem:$0x1F8C0] =	vst v63  }
0x7d: {  	_ =	swait.ge [sflag:s20], $0x3C00  }
0x7e: {  	[sflag:s20] =	ssyncset.done $0x0  }
0x7f: {  	[sflag:s20] =	ssyncadd.s32 $0xFFFFC400  }
0x80: {  	[tilespmem:s26], [sflag:$0x2] =	stream.indirect.gather [hbm4b:s1+s23], $0x80, s10, s23, $0xb8;
	[tilespmem:$0x1F8C0] =	vst v63  }
0x81: {  	_ =	swait.ge [sflag:s8], $0x3C00  }
0x82: {  	[sflag:s8] =	ssyncset.done $0x0  }
0x83: {  	[sflag:s8] =	ssyncadd.s32 $0xFFFFC400  }
0x84: {  	[spmem:s2] =	stream.indirect.scatter.add.f32 [tilespmem:s29], [sflag:$0x6], $0x80, s15, s23, $0xb8;
	[tilespmem:$0x1F8C0] =	vst v63  }
0x85: {  	_ =	swait.ge [sflag:s20], $0x3C00  }
0x86: {  	p3 =	seq.s32 s11, $0x1380;
	[sflag:s20] =	ssyncset.done $0x0  }
0x87: {  	s25 =	sshrl.u32 @!p3 s7, $0x3;
	[sflag:s20] =	ssyncadd.s32 $0xFFFFC400  }
0x88: {  	[tilespmem:s29], [sflag:$0x3] =	stream.indirect.gather [hbm4b:s1+s23], $0x80, s22, s23, $0xb8;
	[tilespmem:$0x1F8C0] =	vst v63  }
0x89: {  	s6 =	simm.s32 @!p3 $0x138C0;
	s21 =	simm.s32 @!p3 $0x0;
	s25 =	sadd.s32 @!p3 s5, s25  }
0x8a: {  	[tilespmem:s6], [sflag:$0x4] =	stream.linear.gather @!p3 [hbm4b:s25+s21], $0x600, $0x38;
	[tilespmem:$0x1F8C0] =	vst v63  }
0x8b: {  	_ =	swait.ge [sflag:s31], $0x3C00  }
0x8c: {  	[sflag:s31] =	ssyncset.done $0x0  }
0x8d: {  	[sflag:s31] =	ssyncadd.s32 $0xFFFFC400  }
0x8e: {  	[spmem:s2] =	stream.indirect.scatter.add.f32 [tilespmem:s24], [sflag:$0x6], $0x80, s18, s23, $0xb8;
	[tilespmem:$0x1F8C0] =	vst v63  }
0x8f: {  	_ =	swait.ge [sflag:s20], $0x3C00  }
0x90: {  	[sflag:s20] =	ssyncset.done $0x0  }
0x91: {  	[sflag:s20] =	ssyncadd.s32 $0xFFFFC400  }
0x92: {  	[tilespmem:s24], [sflag:$0x1] =	stream.indirect.gather [hbm4b:s1+s23], $0x80, s17, s23, $0xb8;
	[tilespmem:$0x1F8C0] =	vst v63  }
0x93: {  	_ =	swait.ge [sflag:s9], $0x3C00  }
0x94: {  	[sflag:s9] =	ssyncset.done $0x0  }
0x95: {  	[sflag:s9] =	ssyncadd.s32 $0xFFFFC400  }
0x96: {  	[spmem:s2] =	stream.indirect.scatter.add.f32 [tilespmem:s26], [sflag:$0x6], $0x80, s13, s23, $0xb8;
	[tilespmem:$0x1F8C0] =	vst v63  }
0x97: {  	_ =	swait.ge [sflag:s20], $0x3C00  }
0x98: {  	[sflag:s20] =	ssyncset.done $0x0  }
0x99: {  	[sflag:s20] =	ssyncadd.s32 $0xFFFFC400  }
0x9a: {  	[tilespmem:s26], [sflag:$0x2] =	stream.indirect.gather [hbm4b:s1+s23], $0x80, s19, s23, $0xb8;
	[tilespmem:$0x1F8C0] =	vst v63  }
0x9b: {  	_ =	swait.ge [sflag:s8], $0x3C00  }
0x9c: {  	[sflag:s8] =	ssyncset.done $0x0  }
0x9d: {  	[sflag:s8] =	ssyncadd.s32 $0xFFFFC400  }
0x9e: {  	[spmem:s2] =	stream.indirect.scatter.add.f32 [tilespmem:s29], [sflag:$0x6], $0x80, s3, s23, $0xb8;
	[tilespmem:$0x1F8C0] =	vst v63  }
0x9f: {  	_ =	swait.ge [sflag:s20], $0x3C00  }
0xa0: {  	[sflag:s20] =	ssyncset.done $0x0  }
0xa1: {  	[sflag:s20] =	ssyncadd.s32 $0xFFFFC400  }
0xa2: {  	[tilespmem:s29], [sflag:$0x3] =	stream.indirect.gather [hbm4b:s1+s23], $0x80, s28, s23, $0xb8;
	[tilespmem:$0x1F8C0] =	vst v63  }
0xa3: {  	_ =	swait.ge [sflag:s31], $0x3C00  }
0xa4: {  	[sflag:s31] =	ssyncset.done $0x0  }
0xa5: {  	[sflag:s31] =	ssyncadd.s32 $0xFFFFC400  }
0xa6: {  	[spmem:s2] =	stream.indirect.scatter.add.f32 [tilespmem:s24], [sflag:$0x6], $0x80, s0, s23, $0xb8;
	[tilespmem:$0x1F8C0] =	vst v63  }
0xa7: {  	_ =	swait.ge [sflag:s20], $0x3C00  }
0xa8: {  	[sflag:s20] =	ssyncset.done $0x0  }
0xa9: {  	s21 =	simm.s32 @p3 $0x2;
	[sflag:s20] =	ssyncadd.s32 $0xFFFFC400  }
0xaa: {  	_ =	swait.ge @p3 [sflag:s21], $0x3C00  }
0xab: {  	s14 =	simm.s32 @p3 $0x180C0;
	[sflag:s21] =	ssyncset.done @p3 $0x0  }
0xac: {  	s25 =	simm.s32 @p3 $0x14340;
	[sflag:s21] =	ssyncadd.s32 @p3 $0xFFFFC400;
	s21 =	simm.s32 @p3 $0x78  }
0xad: {  	[spmem:s2] =	stream.indirect.scatter.add.f32 @p3 [tilespmem:s14], [sflag:$0x6], $0x80, s25, s21, $0xb8;
	[tilespmem:$0x1F8C0] =	vst v63  }
0xae: {  	s14 =	simm.s32 @p3 $0x6  }
0xaf: {  	_ =	swait.ge @p3 [sflag:s14], $0x3C00  }
0xb0: {  	[sflag:s14] =	ssyncset.done @p3 $0x0  }
0xb1: {  	[sflag:s14] =	ssyncadd.s32 @p3 $0xFFFFC400;
	s14 =	simm.s32 @!p3 $0x4  }
0xb2: {  	_ =	swait.ge @!p3 [sflag:s14], $0x600  }
0xb3: {  	[sflag:s14] =	ssyncset.done @!p3 $0x0  }
0xb4: {  	s21 =	simm.s32 @!p3 $0x144C0;
	[sflag:s14] =	ssyncadd.s32 @!p3 $0xFFFFFA00;
	s14 =	simm.s32 @!p3 $0x78  }
0xb5: {  	[tilespmem:s21], [sflag:$0x1] =	stream.indirect.gather @!p3 [hbm4b:s1+s14], $0x80, s6, s14, $0xb8;
	[tilespmem:$0x1F8C0] =	vst v63  }
0xb6: {  	s6 =	simm.s32 @!p3 $0x2  }
0xb7: {  	_ =	swait.ge @!p3 [sflag:s6], $0x3C00  }
0xb8: {  	[sflag:s6] =	ssyncset.done @!p3 $0x0  }
0xb9: {  	s21 =	simm.s32 @!p3 $0x180C0;
	[sflag:s6] =	ssyncadd.s32 @!p3 $0xFFFFC400;
	s6 =	simm.s32 @!p3 $0x14340  }
0xba: {  	[spmem:s2] =	stream.indirect.scatter.add.f32 @!p3 [tilespmem:s21], [sflag:$0x6], $0x80, s6, s14, $0xb8;
	[tilespmem:$0x1F8C0] =	vst v63  }
0xbb: {  	s6 =	simm.s32 @!p3 $0x6  }
0xbc: {  	_ =	swait.ge @!p3 [sflag:s6], $0x3C00  }
0xbd: {  	[sflag:s6] =	ssyncset.done @!p3 $0x0  }
0xbe: {  	[sflag:s6] =	ssyncadd.s32 @!p3 $0xFFFFC400;
	s6 =	simm.s32 @!p3 $0x139C0  }
0xbf: {  	[tilespmem:s21], [sflag:$0x2] =	stream.indirect.gather @!p3 [hbm4b:s1+s14], $0x80, s6, s14, $0xb8;
	[tilespmem:$0x1F8C0] =	vst v63  }
0xc0: {  	_ =	swait.ge [sflag:s8], $0x3C00  }
0xc1: {  	[sflag:s8] =	ssyncset.done $0x0  }
.Ltmp6:
0xc2: {  	[sflag:s8] =	ssyncadd.s32 $0xFFFFC400;
	(pc) =	sbr.rel @p3 .LBB2_8-.Ltmp6, $4  }
0xc3: {  	[spmem:s2] =	stream.indirect.scatter.add.f32 [tilespmem:s29], [sflag:$0x6], $0x80, s4, s23, $0xb8;
	[tilespmem:$0x1F8C0] =	vst v63  }
0xc4: {  	_ =	swait.ge [sflag:s20], $0x3C00  }
0xc5: {  	[sflag:s20] =	ssyncset.done $0x0  }
0xc6: {  	[sflag:s20] =	ssyncadd.s32 $0xFFFFC400  }
.Ltmp7:
0xc7: {  	(pc) =	sbr.rel .LBB2_6-.Ltmp7, $3  }
0xc8: {  	_ =	sdelay $0x1  }
0xc9: {  	s6 =	simm.s32 $0x13AC0;
	s7 =	sadd.s32 $0xC00, s7;
	s11 =	sadd.s32 $0x180, s11  }
0xca: {  	[tilespmem:s29], [sflag:$0x3] =	stream.indirect.gather [hbm4b:s1+s23], $0x80, s6, s23, $0xb8;
	[tilespmem:$0x1F8C0] =	vst v63  }
.LBB2_9:
0xcb: {  	_ =	sfence.sel $0x180000  }
0xcc: {  	[bflag:$0x0] =	sbarrier.arrive $0xFFFF  }
0xcd: {  	_ =	strace $0x90000047  }
0xce: {  	s0 =	stileid.u32;
	[bflag:$0x2] =	sbarrier.arrive $0xFFFF  }
0xcf: {  	p0 =	sne.s32 s0, $0x0;
	s0 =	rddreg [dreg:$0x3]  }
0xd0: {  	s0 =	sadd.s32 @!p0 $0x100000, s0  }
0xd1: {  	[sflag:s0] =	ssyncadd.tile.s32 @!p0 $0x1;
	_ =	shalt  }
.Lfunc_end2:
_tile_overlayer_lowered:
.L_overlay_start_2:
0xd2: {  	(tag) =	ssettag $0x2  }
0xd3: {  	s0 =	rddreg [dreg:$0x0];
	s2 =	stileid.u32  }
0xd4: {  	s1 =	rddreg [dreg:$0x1];
	p0 =	sne.s32 s2, $0x0  }
0xd5: {  	s3 =	rddreg [dreg:$0x2];
	[bflag:$0x3] =	sbarrier.arrive $0xFFFF;
	s2 =	simm.s32 @!p0 $0x1C06  }
0xd6: {  	[timem:s3], [sflag:s2] =	dma.local @!p0 [hbm:s0], s1  }
0xd7: {  	s0 =	simm.s32 @!p0 $0x6  }
0xd8: {  	_ =	swait.ge @!p0 [sflag:s0], s1  }
0xd9: {  	s1 =	ssub.s32 @!p0 $0x0, s1;
	[sflag:s0] =	ssyncset.done @!p0 $0x0  }
0xda: {  	[sflag:s0] =	ssyncadd.s32 @!p0 s1  }
0xdb: {  	[bflag:$0x3] =	sbarrier.arrive $0xFFFF  }
0xdc: {  	_ =	shalt  }

</sc_bundles>
